<compile_context>
chip_gen: v7x
topology: tpu7x:2x2x1
jax: 0.10.2.dev20260603
libtpu: 0.0.44.dev20260713+nightly
codegen_flags: <defaults>
</compile_context>

<pallas_src>
import functools

import jax
import jax.numpy as jnp
from jax import lax
from jax.experimental import pallas as pl
from jax.experimental.pallas import tpu as pltpu
from jax.experimental.pallas import tpu_sc as plsc

N = 10000
F_IN = 128
C = 32
T_OUT = 8

N_PAD = 10240
PADV = N
E = 320000
E2 = 2 * E
NC, NS, L = 2, 16, 16
NW = NC * NS
CHUNK = 128
EDGES_PER_W = 20480
E_PAD = NW * EDGES_PER_W
NCHUNKS = EDGES_PER_W // CHUNK
ROWS_PER_TILE = N_PAD // NS
ZROWS = 64

def _sc_mesh():
  return plsc.VectorSubcoreMesh(
      core_axis_name="c", subcore_axis_name="s", num_cores=NC, num_subcores=NS)


def _hist_body(idx2_hbm, out_hbm, idx2, ones_v, zbuf, acc_sh):
  c = lax.axis_index("c")
  s = lax.axis_index("s")
  wid = s * NC + c

  def fill_ones(i, _):
    ones_v[i, :] = jnp.full((L,), 1.0, jnp.float32)
    return 0
  lax.fori_loop(0, CHUNK, fill_ones, 0)

  def fill_z(i, _):
    zbuf[i, :] = jnp.zeros((L,), jnp.float32)
    return 0
  lax.fori_loop(0, ZROWS, fill_z, 0)

  def zero_slice(t, _):
    pltpu.sync_copy(
        zbuf, acc_sh.at[pl.ds(s * ROWS_PER_TILE + t * ZROWS, ZROWS)])
    return 0
  lax.fori_loop(0, ROWS_PER_TILE // ZROWS, zero_slice, 0)
  pltpu.sync_copy(idx2_hbm.at[pl.ds(wid * NCHUNKS, NCHUNKS)], idx2)
  plsc.subcore_barrier()

  def body(k, _):
    pltpu.sync_copy(ones_v, acc_sh.at[idx2.at[k]], add=True)
    return 0
  lax.fori_loop(0, NCHUNKS, body, 0)
  plsc.subcore_barrier()

  pltpu.sync_copy(
      acc_sh.at[pl.ds(s * ROWS_PER_TILE, ROWS_PER_TILE)],
      out_hbm.at[pl.ds(c * N_PAD + s * ROWS_PER_TILE, ROWS_PER_TILE)])


@functools.cache
def _hist():
  return pl.kernel(
      _hist_body,
      out_type=jax.ShapeDtypeStruct((NC * N_PAD, L), jnp.float32),
      mesh=_sc_mesh(),
      scratch_types=[
          pltpu.VMEM((NCHUNKS, CHUNK), jnp.int32),
          pltpu.VMEM((CHUNK, L), jnp.float32),
          pltpu.VMEM((ZROWS, L), jnp.float32),
          pltpu.VMEM_SHARED((N_PAD, L), jnp.float32),
      ],
      compiler_params=pltpu.CompilerParams(use_tc_tiling_on_sc=False),
  )


NBUF = 8


def _hop_body(row2_hbm, col2_hbm, tab_hbm, out_hbm,
              ridx2, cidx2, rows_v, zbuf, acc_sh, tab_sh, *sems):
  c = lax.axis_index("c")
  s = lax.axis_index("s")
  wid = s * NC + c

  def fill(i, _):
    zbuf[i, pl.ds(0, L)] = jnp.zeros((L,), jnp.float32)
    zbuf[i, pl.ds(L, L)] = jnp.zeros((L,), jnp.float32)
    return 0
  lax.fori_loop(0, ZROWS, fill, 0)

  def zero_slice(t, _):
    pltpu.sync_copy(
        zbuf, acc_sh.at[pl.ds(s * ROWS_PER_TILE + t * ZROWS, ZROWS)])
    return 0
  lax.fori_loop(0, ROWS_PER_TILE // ZROWS, zero_slice, 0)
  pltpu.sync_copy(tab_hbm.at[pl.ds(s * ROWS_PER_TILE, ROWS_PER_TILE)],
                  tab_sh.at[pl.ds(s * ROWS_PER_TILE, ROWS_PER_TILE)])
  pltpu.sync_copy(row2_hbm.at[pl.ds(wid * NCHUNKS, NCHUNKS)], ridx2)
  pltpu.sync_copy(col2_hbm.at[pl.ds(wid * NCHUNKS, NCHUNKS)], cidx2)
  plsc.subcore_barrier()

  for b in range(NBUF):
    pltpu.async_copy(tab_sh.at[ridx2.at[b]], rows_v.at[b], sems[b])

  def outer(j, _):
    k0 = j * NBUF
    for b in range(NBUF):
      k = k0 + b
      pltpu.make_async_copy(
          tab_hbm.at[pl.ds(0, CHUNK)], rows_v.at[b], sems[b]).wait()
      pltpu.sync_copy(rows_v.at[b], acc_sh.at[cidx2.at[k]], add=True)

      @pl.when(k + NBUF < NCHUNKS)
      def _():
        pltpu.async_copy(tab_sh.at[ridx2.at[k + NBUF]], rows_v.at[b], sems[b])
    return 0
  lax.fori_loop(0, NCHUNKS // NBUF, outer, 0)
  plsc.subcore_barrier()

  pltpu.sync_copy(
      acc_sh.at[pl.ds(s * ROWS_PER_TILE, ROWS_PER_TILE)],
      out_hbm.at[pl.ds(c * N_PAD + s * ROWS_PER_TILE, ROWS_PER_TILE)])


@functools.cache
def _hop():
  return pl.kernel(
      _hop_body,
      out_type=jax.ShapeDtypeStruct((NC * N_PAD, C), jnp.float32),
      mesh=_sc_mesh(),
      scratch_types=[
          pltpu.VMEM((NCHUNKS, CHUNK), jnp.int32),
          pltpu.VMEM((NCHUNKS, CHUNK), jnp.int32),
          pltpu.VMEM((NBUF, CHUNK, C), jnp.float32),
          pltpu.VMEM((ZROWS, C), jnp.float32),
          pltpu.VMEM_SHARED((N_PAD, C), jnp.float32),
          pltpu.VMEM_SHARED((N_PAD, C), jnp.float32),
      ] + [pltpu.SemaphoreType.DMA] * NBUF,
      compiler_params=pltpu.CompilerParams(use_tc_tiling_on_sc=False),
  )


def _sigmoid(x):
  return 1.0 / (1.0 + jnp.exp(-x))


def _tc1_body(x_ref, hist_ref, lw_ref, lb_ref, a1_ref, b1_ref, a2_ref,
              b2_ref, a3_ref, b3_ref, g_ref, v1_ref, disb_ref):
  x = x_ref[...]
  h = jnp.dot(x, lw_ref[...], preferred_element_type=jnp.float32) + lb_ref[...]
  p = jnp.dot(h, a1_ref[...], preferred_element_type=jnp.float32) + b1_ref[...]
  q = jnp.dot(h, a2_ref[...], preferred_element_type=jnp.float32) + b2_ref[...]
  r = jnp.dot(h, a3_ref[...], preferred_element_type=jnp.float32) + b3_ref[...]
  g = jnp.maximum(p * _sigmoid(q) + r, 0.0)

  hist = hist_ref[...]
  deg16 = hist[:N_PAD, :] + hist[N_PAD:, :]
  rowid16 = lax.broadcasted_iota(jnp.int32, (N_PAD, L), 0)
  dis16 = jnp.where((deg16 > 0.0) & (rowid16 < N), lax.rsqrt(deg16), 0.0)
  disb = jnp.concatenate([dis16, dis16], axis=1)

  rowid = lax.broadcasted_iota(jnp.int32, (N_PAD, C), 0)
  g = jnp.where(rowid < N, g, 0.0)
  g_ref[...] = g
  v1_ref[...] = disb * g
  disb_ref[...] = disb


def _tc2_body(p_ref, disb_ref, tx1_ref, v2_ref):
  p = p_ref[...]
  disb = disb_ref[...]
  u1 = p[:N_PAD, :] + p[N_PAD:, :]
  tx1 = -disb * u1
  tx1_ref[...] = tx1
  v2_ref[...] = disb * tx1


def _tc3_body(q_ref, disb_ref, g_ref, tx1_ref, w0_ref, w1_ref, w2_ref,
              cb_ref, d1_ref, e1_ref, d2_ref, e2_ref, d3_ref, e3_ref, o_ref):
  q = q_ref[...]
  disb = disb_ref[...]
  g = g_ref[...]
  tx1 = tx1_ref[...]
  u2 = q[:N_PAD, :] + q[N_PAD:, :]
  tx2 = -2.0 * disb * u2 - g
  cheb = (jnp.dot(g, w0_ref[...], preferred_element_type=jnp.float32)
          + jnp.dot(tx1, w1_ref[...], preferred_element_type=jnp.float32)
          + jnp.dot(tx2, w2_ref[...], preferred_element_type=jnp.float32)
          + cb_ref[...])
  cheb = jnp.maximum(cheb, 0.0)
  p2 = jnp.dot(cheb, d1_ref[...], preferred_element_type=jnp.float32) + e1_ref[...]
  q2 = jnp.dot(cheb, d2_ref[...], preferred_element_type=jnp.float32) + e2_ref[...]
  r2 = jnp.dot(cheb, d3_ref[...], preferred_element_type=jnp.float32) + e3_ref[...]
  o_ref[...] = jnp.maximum(p2 * _sigmoid(q2) + r2, 0.0)


_f32 = lambda *shape: jax.ShapeDtypeStruct(shape, jnp.float32)

_tc1 = pl.pallas_call(
    _tc1_body, out_shape=[_f32(N_PAD, C), _f32(N_PAD, C), _f32(N_PAD, C)])
_tc2 = pl.pallas_call(_tc2_body, out_shape=[_f32(N_PAD, C), _f32(N_PAD, C)])
_tc3 = pl.pallas_call(_tc3_body, out_shape=_f32(N_PAD, C))


def _eff(w):
  return jnp.transpose(jnp.sum(w[:, :, 0, :], axis=-1), (1, 0))


def kernel(x, edge_index, lin_w, lin_b, tc1_w1, tc1_b1, tc1_w2, tc1_b2,
           tc1_w3, tc1_b3, cheb_w, cheb_b, tc2_w1, tc2_b1, tc2_w2, tc2_b2,
           tc2_w3, tc2_b3):
  xp = jnp.pad(x, ((0, N_PAD - N), (0, 0)))
  ei0 = edge_index[0]
  ei1 = edge_index[1]
  pad = jnp.full((E_PAD - E2,), PADV, jnp.int32)
  rowp = jnp.concatenate([ei0, ei1, pad]).reshape(NW * NCHUNKS, CHUNK)
  colp = jnp.concatenate([ei1, ei0, pad]).reshape(NW * NCHUNKS, CHUNK)

  hist = _hist()(rowp)
  g, v1, disb = _tc1(
      xp, hist, lin_w, lin_b.reshape(1, C),
      _eff(tc1_w1), tc1_b1.reshape(1, C),
      _eff(tc1_w2), tc1_b2.reshape(1, C),
      _eff(tc1_w3), tc1_b3.reshape(1, C))
  p1 = _hop()(rowp, colp, v1)
  tx1, v2 = _tc2(p1, disb)
  p2 = _hop()(rowp, colp, v2)
  o = _tc3(
      p2, disb, g, tx1,
      cheb_w[0], cheb_w[1], cheb_w[2], cheb_b.reshape(1, C),
      _eff(tc2_w1), tc2_b1.reshape(1, C),
      _eff(tc2_w2), tc2_b2.reshape(1, C),
      _eff(tc2_w3), tc2_b3.reshape(1, C))
  return jnp.broadcast_to(o[:N, None, :], (N, T_OUT, C))

# --- scband reference (transcript-rebuilt; emitter-appended) ---
"""Pipeline reference for scband-stgcn-40922448396498 (READ-ONLY COPY).

The authoritative reference and input builder live on the scoring server;
editing this copy changes nothing except your own understanding.
"""

import jax, jax.numpy as jnp
import numpy as np

N = 10000
E = 320000
F_IN = 128
C_IN = 32
C_HID = 32
C_OUT = 32
T = 12
KT = 3

def _tconv(X, w1, b1, w2, b2, w3, b3):
    dn = ('NCHW', 'OIHW', 'NCHW')
    def c(w, b):
        return jax.lax.conv_general_dilated(X, w, (1, 1), 'VALID', dimension_numbers=dn) + b[None, :, None, None]
    P = c(w1, b1)
    Q = jax.nn.sigmoid(c(w2, b2))
    return jax.nn.relu(P * Q + c(w3, b3))

def _forward(x, edge_index, lin_w, lin_b, tc1_w1, tc1_b1, tc1_w2, tc1_b2, tc1_w3, tc1_b3, cheb_w, cheb_b, tc2_w1, tc2_b1, tc2_w2, tc2_b2, tc2_w3, tc2_b3):
    # lin projection of static node features, repeated over T timesteps (batch=1)
    h = x @ lin_w + lin_b
    X = jnp.broadcast_to(h[None, None, :, :], (1, T, N, C_IN))
    # TemporalConv 1
    Xp = jnp.transpose(X, (0, 3, 2, 1))
    H1 = _tconv(Xp, tc1_w1, tc1_b1, tc1_w2, tc1_b2, tc1_w3, tc1_b3)
    T0 = jnp.transpose(H1, (0, 3, 2, 1))  # [1, T-2, N, C_HID]
    # to_undirected: bidirectional edges
    row = jnp.concatenate([edge_index[0], edge_index[1]])
    col = jnp.concatenate([edge_index[1], edge_index[0]])
    # ChebConv sym normalization with lambda_max=2: hat_L off-diag = -D^-1/2 A D^-1/2, diag = 0
    deg = jnp.zeros((N,), dtype=x.dtype).at[row].add(1.0)
    dis = jnp.where(deg > 0, 1.0 / jnp.sqrt(jnp.maximum(deg, 1e-12)), 0.0)
    lw = -dis[row] * dis[col]
    def cheb(xt):
        Tx0 = xt
        out = Tx0 @ cheb_w[0]
        Tx1 = jnp.zeros_like(xt).at[col].add(lw[:, None] * xt[row])
        out = out + Tx1 @ cheb_w[1]
        Tx2 = 2.0 * jnp.zeros_like(xt).at[col].add(lw[:, None] * Tx1[row]) - Tx0
        out = out + Tx2 @ cheb_w[2]
        return out + cheb_b
    Tm = jax.nn.relu(jax.vmap(cheb)(T0[0]))[None]  # [1, T-2, N, C_HID]
    # TemporalConv 2
    Tp = jnp.transpose(Tm, (0, 3, 2, 1))
    H2 = _tconv(Tp, tc2_w1, tc2_b1, tc2_w2, tc2_b2, tc2_w3, tc2_b3)
    out = jnp.transpose(H2, (0, 3, 2, 1))[0]  # [T-4, N, C_OUT]
    return jnp.transpose(out, (1, 0, 2))  # [N, T-4, C_OUT]

def setup_inputs(seed: int = 0):
    key = jax.random.key(seed)
    ks = jax.random.split(key, 16)
    inp = {}
    inp['x'] = jax.random.normal(ks[0], (N, F_IN), dtype=jnp.float32)
    inp['edge_index'] = jax.random.randint(ks[1], (2, E), 0, N, dtype=jnp.int32)
    inp['lin_w'] = jax.random.normal(ks[2], (F_IN, C_IN), dtype=jnp.float32) * 0.05
    inp['lin_b'] = jax.random.normal(ks[3], (C_IN,), dtype=jnp.float32) * 0.05
    inp['tc1_w1'] = jax.random.normal(ks[4], (C_HID, C_IN, 1, KT), dtype=jnp.float32) * 0.05
    inp['tc1_b1'] = jnp.zeros((C_HID,), dtype=jnp.float32)
    inp['tc1_w2'] = jax.random.normal(ks[5], (C_HID, C_IN, 1, KT), dtype=jnp.float32) * 0.05
    inp['tc1_b2'] = jnp.zeros((C_HID,), dtype=jnp.float32)
    inp['tc1_w3'] = jax.random.normal(ks[6], (C_HID, C_IN, 1, KT), dtype=jnp.float32) * 0.05
    inp['tc1_b3'] = jnp.zeros((C_HID,), dtype=jnp.float32)
    inp['cheb_w'] = jax.random.normal(ks[7], (3, C_HID, C_HID), dtype=jnp.float32) * 0.05
    inp['cheb_b'] = jnp.zeros((C_HID,), dtype=jnp.float32)
    inp['tc2_w1'] = jax.random.normal(ks[8], (C_OUT, C_HID, 1, KT), dtype=jnp.float32) * 0.05
    inp['tc2_b1'] = jnp.zeros((C_OUT,), dtype=jnp.float32)
    inp['tc2_w2'] = jax.random.normal(ks[9], (C_OUT, C_HID, 1, KT), dtype=jnp.float32) * 0.05
    inp['tc2_b2'] = jnp.zeros((C_OUT,), dtype=jnp.float32)
    inp['tc2_w3'] = jax.random.normal(ks[10], (C_OUT, C_HID, 1, KT), dtype=jnp.float32) * 0.05
    inp['tc2_b3'] = jnp.zeros((C_OUT,), dtype=jnp.float32)
    return inp

def reference(x, edge_index, lin_w, lin_b, tc1_w1, tc1_b1, tc1_w2, tc1_b2, tc1_w3, tc1_b3, cheb_w, cheb_b, tc2_w1, tc2_b1, tc2_w2, tc2_b2, tc2_w3, tc2_b3):
    return _forward(x, edge_index, lin_w, lin_b, tc1_w1, tc1_b1, tc1_w2, tc1_b2, tc1_w3, tc1_b3, cheb_w, cheb_b, tc2_w1, tc2_b1, tc2_w2, tc2_b2, tc2_w3, tc2_b3)

if __name__ == "__main__":
    import jax
    _d = setup_inputs()
    print(jax.jit(kernel)(*tuple(_d.values())))

</pallas_src>

<mosaic_0001>
#map = affine_map<(d0, d1) -> (0, 0)>
module attributes {stable_mosaic.version = 14 : i64} {
  func.func @_hist_body(%arg0: i32, %arg1: i32, %arg2: memref<5120x128xi32, #tpu.memory_space<hbm>>, %arg3: memref<20480x16xf32, #tpu.memory_space<hbm>>, %arg4: memref<160x128xi32, #tpu.memory_space<vmem>>, %arg5: memref<128x16xf32, #tpu.memory_space<vmem>>, %arg6: memref<64x16xf32, #tpu.memory_space<vmem>>, %arg7: memref<10240x16xf32, #tpu.memory_space<vmem_shared>>) attributes {dimension_semantics = [#tpu.dimension_semantics<core_parallel>, #tpu.dimension_semantics<subcore_parallel>], iteration_bounds = array<i64: 2, 16>, scalar_prefetch = 0 : i64, scratch_operands = 4 : i64, tpu.core_type = #tpu.core_type<sc_vector_subcore>, window_params = [{transform_indices = #map}, {transform_indices = #map}]} {
    %mul3A = arith.constant 2 : i32
    %mul3A_0 = arith.muli %arg1, %mul3A : i32
    %add3A = arith.addi %mul3A_0, %arg0 : i32
    %scan3A = arith.constant 0 : i32
    %scan3A_1 = arith.constant 0 : i32
    %scan3A_2 = arith.constant 128 : i32
    %scan3A_3 = arith.addi %scan3A_1, %scan3A_2 : i32
    %scan3A_4 = arith.constant 1 : i32
    %scan3A_5 = scf.for %scan3A_38 = %scan3A_1 to %scan3A_3 step %scan3A_4 iter_args(%scan3A_39 = %scan3A) -> (i32)  : i32 {
      %broadcast_in_dim3A = arith.constant 1.000000e+00 : f32
      %broadcast_in_dim3A_40 = vector.broadcast %broadcast_in_dim3A : f32 to vector<16xf32>
      %swap3A = arith.index_cast %scan3A_38 : i32 to index
      %swap3A_41 = arith.constant 0 : index
      %swap3A_42 = tpu.vector_load %arg5[%swap3A, %swap3A_41] {strides = array<i32>} : memref<128x16xf32, #tpu.memory_space<vmem>>, vector<1x16xf32>,
      %swap3A_43 = vector.shape_cast %swap3A_42 : vector<1x16xf32> to vector<16xf32>
      %swap3A_44 = vector.shape_cast %broadcast_in_dim3A_40 : vector<16xf32> to vector<1x16xf32>
      tpu.vector_store %arg5[%swap3A, %swap3A_41], %swap3A_44 {strides = array<i32>} : memref<128x16xf32, #tpu.memory_space<vmem>>, vector<1x16xf32>,
      %scan3A_45 = arith.constant 0 : i32
      scf.yield %scan3A_45 : i32
    }
    %scan3A_6 = arith.constant 128 : i32
    %scan3A_7 = arith.constant 0 : i32
    %scan3A_8 = arith.constant 0 : i32
    %scan3A_9 = arith.constant 64 : i32
    %scan3A_10 = arith.addi %scan3A_8, %scan3A_9 : i32
    %scan3A_11 = arith.constant 1 : i32
    %scan3A_12 = scf.for %scan3A_38 = %scan3A_8 to %scan3A_10 step %scan3A_11 iter_args(%scan3A_39 = %scan3A_7) -> (i32)  : i32 {
      %broadcast_in_dim3A = arith.constant 0.000000e+00 : f32
      %broadcast_in_dim3A_40 = vector.broadcast %broadcast_in_dim3A : f32 to vector<16xf32>
      %swap3A = arith.index_cast %scan3A_38 : i32 to index
      %swap3A_41 = arith.constant 0 : index
      %swap3A_42 = tpu.vector_load %arg6[%swap3A, %swap3A_41] {strides = array<i32>} : memref<64x16xf32, #tpu.memory_space<vmem>>, vector<1x16xf32>,
      %swap3A_43 = vector.shape_cast %swap3A_42 : vector<1x16xf32> to vector<16xf32>
      %swap3A_44 = vector.shape_cast %broadcast_in_dim3A_40 : vector<16xf32> to vector<1x16xf32>
      tpu.vector_store %arg6[%swap3A, %swap3A_41], %swap3A_44 {strides = array<i32>} : memref<64x16xf32, #tpu.memory_space<vmem>>, vector<1x16xf32>,
      %scan3A_45 = arith.constant 0 : i32
      scf.yield %scan3A_45 : i32
    }
    %scan3A_13 = arith.constant 64 : i32
    %scan3A_14 = arith.constant 0 : i32
    %scan3A_15 = arith.constant 0 : i32
    %scan3A_16 = arith.constant 10 : i32
    %scan3A_17 = arith.addi %scan3A_15, %scan3A_16 : i32
    %scan3A_18 = arith.constant 1 : i32
    %scan3A_19 = scf.for %scan3A_38 = %scan3A_15 to %scan3A_17 step %scan3A_18 iter_args(%scan3A_39 = %scan3A_14) -> (i32)  : i32 {
      %mul3A_40 = arith.constant 640 : i32
      %mul3A_41 = arith.muli %arg1, %mul3A_40 : i32
      %mul3A_42 = arith.constant 64 : i32
      %mul3A_43 = arith.muli %scan3A_38, %mul3A_42 : i32
      %add3A_44 = arith.addi %mul3A_41, %mul3A_43 : i32
      "tpu.region"() ({
        %run_scoped3A = tpu.sem_alloc : memref<!tpu.dma_semaphore, #tpu.memory_space<semaphore_mem>>
        %dma_start3A = arith.constant 0 : i32
        %dma_start3A_46 = tpu.memref_slice %arg7[%add3A_44, %dma_start3A] : memref<10240x16xf32, #tpu.memory_space<vmem_shared>> -> memref<64x16xf32, #tpu.memory_space<vmem_shared>>
        %dma_start3A_47 = arith.constant 0 : i32
        %dma_start3A_48 = tpu.memref_slice %arg7[%add3A_44, %dma_start3A_47] : memref<10240x16xf32, #tpu.memory_space<vmem_shared>> -> memref<64x16xf32, #tpu.memory_space<vmem_shared>>
        tpu.enqueue_dma source(%arg6 : memref<64x16xf32, #tpu.memory_space<vmem>>) target(%dma_start3A_48 : memref<64x16xf32, #tpu.memory_space<vmem_shared>>) target_semaphore(%run_scoped3A : memref<!tpu.dma_semaphore, #tpu.memory_space<semaphore_mem>>)
        %dma_wait3A = arith.constant 0 : i32
        %dma_wait3A_49 = tpu.memref_slice %arg7[%add3A_44, %dma_wait3A] : memref<10240x16xf32, #tpu.memory_space<vmem_shared>> -> memref<64x16xf32, #tpu.memory_space<vmem_shared>>
        %dma_wait3A_50 = arith.constant 0 : i32
        %dma_wait3A_51 = tpu.memref_slice %arg7[%add3A_44, %dma_wait3A_50] : memref<10240x16xf32, #tpu.memory_space<vmem_shared>> -> memref<64x16xf32, #tpu.memory_space<vmem_shared>>
        tpu.wait_dma2 semaphore(%run_scoped3A : memref<!tpu.dma_semaphore, #tpu.memory_space<semaphore_mem>>) src(%arg6 : memref<64x16xf32, #tpu.memory_space<vmem>>) dst(%dma_wait3A_51 : memref<64x16xf32, #tpu.memory_space<vmem_shared>>)
        tpu.yield
      }) : () -> ()
      %scan3A_45 = arith.constant 0 : i32
      scf.yield %scan3A_45 : i32
    }
    %scan3A_20 = arith.constant 10 : i32
    %mul3A_21 = arith.constant 160 : i32
    %mul3A_22 = arith.muli %add3A, %mul3A_21 : i32
    "tpu.region"() ({
      %run_scoped3A = tpu.sem_alloc : memref<!tpu.dma_semaphore, #tpu.memory_space<semaphore_mem>>
      %dma_start3A = arith.constant 0 : i32
      %dma_start3A_38 = tpu.memref_slice %arg2[%mul3A_22, %dma_start3A] : memref<5120x128xi32, #tpu.memory_space<hbm>> -> memref<160x128xi32, #tpu.memory_space<hbm>>
      %dma_start3A_39 = arith.constant 0 : i32
      %dma_start3A_40 = tpu.memref_slice %arg2[%mul3A_22, %dma_start3A_39] : memref<5120x128xi32, #tpu.memory_space<hbm>> -> memref<160x128xi32, #tpu.memory_space<hbm>>
      tpu.enqueue_dma source(%dma_start3A_40 : memref<160x128xi32, #tpu.memory_space<hbm>>) target(%arg4 : memref<160x128xi32, #tpu.memory_space<vmem>>) target_semaphore(%run_scoped3A : memref<!tpu.dma_semaphore, #tpu.memory_space<semaphore_mem>>)
      %dma_wait3A = arith.constant 0 : i32
      %dma_wait3A_41 = tpu.memref_slice %arg2[%mul3A_22, %dma_wait3A] : memref<5120x128xi32, #tpu.memory_space<hbm>> -> memref<160x128xi32, #tpu.memory_space<hbm>>
      %dma_wait3A_42 = arith.constant 0 : i32
      %dma_wait3A_43 = tpu.memref_slice %arg2[%mul3A_22, %dma_wait3A_42] : memref<5120x128xi32, #tpu.memory_space<hbm>> -> memref<160x128xi32, #tpu.memory_space<hbm>>
      tpu.wait_dma2 semaphore(%run_scoped3A : memref<!tpu.dma_semaphore, #tpu.memory_space<semaphore_mem>>) src(%dma_wait3A_43 : memref<160x128xi32, #tpu.memory_space<hbm>>) dst(%arg4 : memref<160x128xi32, #tpu.memory_space<vmem>>)
      tpu.yield
    }) : () -> ()
    %barrier3A = arith.constant 0 : index
    tpu.barrier barrier_id(%barrier3A)
    %scan3A_23 = arith.constant 0 : i32
    %scan3A_24 = arith.constant 0 : i32
    %scan3A_25 = arith.constant 160 : i32
    %scan3A_26 = arith.addi %scan3A_24, %scan3A_25 : i32
    %scan3A_27 = arith.constant 1 : i32
    %scan3A_28 = scf.for %scan3A_38 = %scan3A_24 to %scan3A_26 step %scan3A_27 iter_args(%scan3A_39 = %scan3A_23) -> (i32)  : i32 {
      "tpu.region"() ({
        %run_scoped3A = tpu.sem_alloc : memref<!tpu.dma_semaphore, #tpu.memory_space<semaphore_mem>>
        %dma_start3A = arith.constant 0 : i32
        %dma_start3A_41 = tpu.memref_slice %arg4[%scan3A_38, %dma_start3A] : memref<160x128xi32, #tpu.memory_space<vmem>> -> memref<1x128xi32, #tpu.memory_space<vmem>>
        %dma_start3A_42 = tpu.memref_squeeze %dma_start3A_41 : memref<1x128xi32, #tpu.memory_space<vmem>> -> memref<128xi32, #tpu.memory_space<vmem>>
        %dma_start3A_43 = arith.constant 0 : i32
        %dma_start3A_44 = arith.constant 0 : i32
        %dma_start3A_45 = tpu.memref_slice %arg7[%dma_start3A_43, %dma_start3A_44] : memref<10240x16xf32, #tpu.memory_space<vmem_shared>> -> memref<10240x16xf32, #tpu.memory_space<vmem_shared>>
        tpu.enqueue_indirect_dma source(%arg5 : memref<128x16xf32, #tpu.memory_space<vmem>>) target(%dma_start3A_45 : memref<10240x16xf32, #tpu.memory_space<vmem_shared>>) offsets(%dma_start3A_42 : memref<128xi32, #tpu.memory_space<vmem>>) semaphore(%run_scoped3A : memref<!tpu.dma_semaphore, #tpu.memory_space<semaphore_mem>>) {add = true}
        %dma_wait3A = arith.constant 0 : i32
        %dma_wait3A_46 = tpu.memref_slice %arg4[%scan3A_38, %dma_wait3A] : memref<160x128xi32, #tpu.memory_space<vmem>> -> memref<1x128xi32, #tpu.memory_space<vmem>>
        %dma_wait3A_47 = tpu.memref_squeeze %dma_wait3A_46 : memref<1x128xi32, #tpu.memory_space<vmem>> -> memref<128xi32, #tpu.memory_space<vmem>>
        %dma_wait3A_48 = arith.constant 0 : i32
        %dma_wait3A_49 = arith.constant 0 : i32
        %dma_wait3A_50 = tpu.memref_slice %arg7[%dma_wait3A_48, %dma_wait3A_49] : memref<10240x16xf32, #tpu.memory_space<vmem_shared>> -> memref<10240x16xf32, #tpu.memory_space<vmem_shared>>
        tpu.wait_indirect_dma semaphore(%run_scoped3A : memref<!tpu.dma_semaphore, #tpu.memory_space<semaphore_mem>>) src(%arg5 : memref<128x16xf32, #tpu.memory_space<vmem>>) dst(%dma_wait3A_50 : memref<10240x16xf32, #tpu.memory_space<vmem_shared>>)
        tpu.yield
      }) : () -> ()
      %scan3A_40 = arith.constant 0 : i32
      scf.yield %scan3A_40 : i32
    }
    %scan3A_29 = arith.constant 160 : i32
    %barrier3A_30 = arith.constant 0 : index
    tpu.barrier barrier_id(%barrier3A_30)
    %mul3A_31 = arith.constant 640 : i32
    %mul3A_32 = arith.muli %arg1, %mul3A_31 : i32
    %mul3A_33 = arith.constant 10240 : i32
    %mul3A_34 = arith.muli %arg0, %mul3A_33 : i32
    %mul3A_35 = arith.constant 640 : i32
    %mul3A_36 = arith.muli %arg1, %mul3A_35 : i32
    %add3A_37 = arith.addi %mul3A_34, %mul3A_36 : i32
    "tpu.region"() ({
      %run_scoped3A = tpu.sem_alloc : memref<!tpu.dma_semaphore, #tpu.memory_space<semaphore_mem>>
      %dma_start3A = arith.constant 0 : i32
      %dma_start3A_38 = tpu.memref_slice %arg3[%add3A_37, %dma_start3A] : memref<20480x16xf32, #tpu.memory_space<hbm>> -> memref<640x16xf32, #tpu.memory_space<hbm>>
      %dma_start3A_39 = arith.constant 0 : i32
      %dma_start3A_40 = tpu.memref_slice %arg7[%mul3A_32, %dma_start3A_39] : memref<10240x16xf32, #tpu.memory_space<vmem_shared>> -> memref<640x16xf32, #tpu.memory_space<vmem_shared>>
      tpu.enqueue_dma source(%dma_start3A_40 : memref<640x16xf32, #tpu.memory_space<vmem_shared>>) target(%dma_start3A_38 : memref<640x16xf32, #tpu.memory_space<hbm>>) target_semaphore(%run_scoped3A : memref<!tpu.dma_semaphore, #tpu.memory_space<semaphore_mem>>)
      %dma_wait3A = arith.constant 0 : i32
      %dma_wait3A_41 = tpu.memref_slice %arg3[%add3A_37, %dma_wait3A] : memref<20480x16xf32, #tpu.memory_space<hbm>> -> memref<640x16xf32, #tpu.memory_space<hbm>>
      %dma_wait3A_42 = arith.constant 0 : i32
      %dma_wait3A_43 = tpu.memref_slice %arg7[%mul3A_32, %dma_wait3A_42] : memref<10240x16xf32, #tpu.memory_space<vmem_shared>> -> memref<640x16xf32, #tpu.memory_space<vmem_shared>>
      tpu.wait_dma2 semaphore(%run_scoped3A : memref<!tpu.dma_semaphore, #tpu.memory_space<semaphore_mem>>) src(%dma_wait3A_43 : memref<640x16xf32, #tpu.memory_space<vmem_shared>>) dst(%dma_wait3A_41 : memref<640x16xf32, #tpu.memory_space<hbm>>)
      tpu.yield
    }) : () -> ()
    return
  }
}

#map = affine_map<(d0, d1) -> (0, 0)>
module attributes {stable_mosaic.version = 14 : i64} {
  func.func @_hop_body(%arg0: i32, %arg1: i32, %arg2: memref<5120x128xi32, #tpu.memory_space<hbm>>, %arg3: memref<5120x128xi32, #tpu.memory_space<hbm>>, %arg4: memref<10240x32xf32, #tpu.memory_space<hbm>>, %arg5: memref<20480x32xf32, #tpu.memory_space<hbm>>, %arg6: memref<160x128xi32, #tpu.memory_space<vmem>>, %arg7: memref<160x128xi32, #tpu.memory_space<vmem>>, %arg8: memref<8x128x32xf32, #tpu.memory_space<vmem>>, %arg9: memref<64x32xf32, #tpu.memory_space<vmem>>, %arg10: memref<10240x32xf32, #tpu.memory_space<vmem_shared>>, %arg11: memref<10240x32xf32, #tpu.memory_space<vmem_shared>>, %arg12: memref<!tpu.dma_semaphore, #tpu.memory_space<semaphore_mem>>, %arg13: memref<!tpu.dma_semaphore, #tpu.memory_space<semaphore_mem>>, %arg14: memref<!tpu.dma_semaphore, #tpu.memory_space<semaphore_mem>>, %arg15: memref<!tpu.dma_semaphore, #tpu.memory_space<semaphore_mem>>, %arg16: memref<!tpu.dma_semaphore, #tpu.memory_space<semaphore_mem>>, %arg17: memref<!tpu.dma_semaphore, #tpu.memory_space<semaphore_mem>>, %arg18: memref<!tpu.dma_semaphore, #tpu.memory_space<semaphore_mem>>, %arg19: memref<!tpu.dma_semaphore, #tpu.memory_space<semaphore_mem>>) attributes {dimension_semantics = [#tpu.dimension_semantics<core_parallel>, #tpu.dimension_semantics<subcore_parallel>], iteration_bounds = array<i64: 2, 16>, scalar_prefetch = 0 : i64, scratch_operands = 14 : i64, tpu.core_type = #tpu.core_type<sc_vector_subcore>, window_params = [{transform_indices = #map}, {transform_indices = #map}, {transform_indices = #map}, {transform_indices = #map}]} {
    %mul3A = arith.constant 2 : i32
    %mul3A_0 = arith.muli %arg1, %mul3A : i32
    %add3A = arith.addi %mul3A_0, %arg0 : i32
    %scan3A = arith.constant 0 : i32
    %scan3A_1 = arith.constant 0 : i32
    %scan3A_2 = arith.constant 64 : i32
    %scan3A_3 = arith.addi %scan3A_1, %scan3A_2 : i32
    %scan3A_4 = arith.constant 1 : i32
    %scan3A_5 = scf.for %scan3A_132 = %scan3A_1 to %scan3A_3 step %scan3A_4 iter_args(%scan3A_133 = %scan3A) -> (i32)  : i32 {
      %broadcast_in_dim3A = arith.constant 0.000000e+00 : f32
      %broadcast_in_dim3A_134 = vector.broadcast %broadcast_in_dim3A : f32 to vector<16xf32>
      %swap3A = arith.index_cast %scan3A_132 : i32 to index
      %swap3A_135 = arith.constant 0 : index
      %swap3A_136 = tpu.vector_load %arg9[%swap3A, %swap3A_135] {strides = array<i32>} : memref<64x32xf32, #tpu.memory_space<vmem>>, vector<1x16xf32>,
      %swap3A_137 = vector.shape_cast %swap3A_136 : vector<1x16xf32> to vector<16xf32>
      %swap3A_138 = vector.shape_cast %broadcast_in_dim3A_134 : vector<16xf32> to vector<1x16xf32>
      tpu.vector_store %arg9[%swap3A, %swap3A_135], %swap3A_138 {strides = array<i32>} : memref<64x32xf32, #tpu.memory_space<vmem>>, vector<1x16xf32>,
      %broadcast_in_dim3A_139 = arith.constant 0.000000e+00 : f32
      %broadcast_in_dim3A_140 = vector.broadcast %broadcast_in_dim3A_139 : f32 to vector<16xf32>
      %swap3A_141 = arith.index_cast %scan3A_132 : i32 to index
      %swap3A_142 = arith.constant 16 : index
      %swap3A_143 = tpu.vector_load %arg9[%swap3A_141, %swap3A_142] {strides = array<i32>} : memref<64x32xf32, #tpu.memory_space<vmem>>, vector<1x16xf32>,
      %swap3A_144 = vector.shape_cast %swap3A_143 : vector<1x16xf32> to vector<16xf32>
      %swap3A_145 = vector.shape_cast %broadcast_in_dim3A_140 : vector<16xf32> to vector<1x16xf32>
      tpu.vector_store %arg9[%swap3A_141, %swap3A_142], %swap3A_145 {strides = array<i32>} : memref<64x32xf32, #tpu.memory_space<vmem>>, vector<1x16xf32>,
      %scan3A_146 = arith.constant 0 : i32
      scf.yield %scan3A_146 : i32
    }
    %scan3A_6 = arith.constant 64 : i32
    %scan3A_7 = arith.constant 0 : i32
    %scan3A_8 = arith.constant 0 : i32
    %scan3A_9 = arith.constant 10 : i32
    %scan3A_10 = arith.addi %scan3A_8, %scan3A_9 : i32
    %scan3A_11 = arith.constant 1 : i32
    %scan3A_12 = scf.for %scan3A_132 = %scan3A_8 to %scan3A_10 step %scan3A_11 iter_args(%scan3A_133 = %scan3A_7) -> (i32)  : i32 {
      %mul3A_134 = arith.constant 640 : i32
      %mul3A_135 = arith.muli %arg1, %mul3A_134 : i32
      %mul3A_136 = arith.constant 64 : i32
      %mul3A_137 = arith.muli %scan3A_132, %mul3A_136 : i32
      %add3A_138 = arith.addi %mul3A_135, %mul3A_137 : i32
      "tpu.region"() ({
        %run_scoped3A = tpu.sem_alloc : memref<!tpu.dma_semaphore, #tpu.memory_space<semaphore_mem>>
        %dma_start3A_140 = arith.constant 0 : i32
        %dma_start3A_141 = tpu.memref_slice %arg10[%add3A_138, %dma_start3A_140] : memref<10240x32xf32, #tpu.memory_space<vmem_shared>> -> memref<64x32xf32, #tpu.memory_space<vmem_shared>>
        %dma_start3A_142 = arith.constant 0 : i32
        %dma_start3A_143 = tpu.memref_slice %arg10[%add3A_138, %dma_start3A_142] : memref<10240x32xf32, #tpu.memory_space<vmem_shared>> -> memref<64x32xf32, #tpu.memory_space<vmem_shared>>
        tpu.enqueue_dma source(%arg9 : memref<64x32xf32, #tpu.memory_space<vmem>>) target(%dma_start3A_143 : memref<64x32xf32, #tpu.memory_space<vmem_shared>>) target_semaphore(%run_scoped3A : memref<!tpu.dma_semaphore, #tpu.memory_space<semaphore_mem>>)
        %dma_wait3A = arith.constant 0 : i32
        %dma_wait3A_144 = tpu.memref_slice %arg10[%add3A_138, %dma_wait3A] : memref<10240x32xf32, #tpu.memory_space<vmem_shared>> -> memref<64x32xf32, #tpu.memory_space<vmem_shared>>
        %dma_wait3A_145 = arith.constant 0 : i32
        %dma_wait3A_146 = tpu.memref_slice %arg10[%add3A_138, %dma_wait3A_145] : memref<10240x32xf32, #tpu.memory_space<vmem_shared>> -> memref<64x32xf32, #tpu.memory_space<vmem_shared>>
        tpu.wait_dma2 semaphore(%run_scoped3A : memref<!tpu.dma_semaphore, #tpu.memory_space<semaphore_mem>>) src(%arg9 : memref<64x32xf32, #tpu.memory_space<vmem>>) dst(%dma_wait3A_146 : memref<64x32xf32, #tpu.memory_space<vmem_shared>>)
        tpu.yield
      }) : () -> ()
      %scan3A_139 = arith.constant 0 : i32
      scf.yield %scan3A_139 : i32
    }
    %scan3A_13 = arith.constant 10 : i32
    %mul3A_14 = arith.constant 640 : i32
    %mul3A_15 = arith.muli %arg1, %mul3A_14 : i32
    %mul3A_16 = arith.constant 640 : i32
    %mul3A_17 = arith.muli %arg1, %mul3A_16 : i32
    "tpu.region"() ({
      %run_scoped3A = tpu.sem_alloc : memref<!tpu.dma_semaphore, #tpu.memory_space<semaphore_mem>>
      %dma_start3A_132 = arith.constant 0 : i32
      %dma_start3A_133 = tpu.memref_slice %arg11[%mul3A_17, %dma_start3A_132] : memref<10240x32xf32, #tpu.memory_space<vmem_shared>> -> memref<640x32xf32, #tpu.memory_space<vmem_shared>>
      %dma_start3A_134 = arith.constant 0 : i32
      %dma_start3A_135 = tpu.memref_slice %arg4[%mul3A_15, %dma_start3A_134] : memref<10240x32xf32, #tpu.memory_space<hbm>> -> memref<640x32xf32, #tpu.memory_space<hbm>>
      tpu.enqueue_dma source(%dma_start3A_135 : memref<640x32xf32, #tpu.memory_space<hbm>>) target(%dma_start3A_133 : memref<640x32xf32, #tpu.memory_space<vmem_shared>>) target_semaphore(%run_scoped3A : memref<!tpu.dma_semaphore, #tpu.memory_space<semaphore_mem>>)
      %dma_wait3A = arith.constant 0 : i32
      %dma_wait3A_136 = tpu.memref_slice %arg11[%mul3A_17, %dma_wait3A] : memref<10240x32xf32, #tpu.memory_space<vmem_shared>> -> memref<640x32xf32, #tpu.memory_space<vmem_shared>>
      %dma_wait3A_137 = arith.constant 0 : i32
      %dma_wait3A_138 = tpu.memref_slice %arg4[%mul3A_15, %dma_wait3A_137] : memref<10240x32xf32, #tpu.memory_space<hbm>> -> memref<640x32xf32, #tpu.memory_space<hbm>>
      tpu.wait_dma2 semaphore(%run_scoped3A : memref<!tpu.dma_semaphore, #tpu.memory_space<semaphore_mem>>) src(%dma_wait3A_138 : memref<640x32xf32, #tpu.memory_space<hbm>>) dst(%dma_wait3A_136 : memref<640x32xf32, #tpu.memory_space<vmem_shared>>)
      tpu.yield
    }) : () -> ()
    %mul3A_18 = arith.constant 160 : i32
    %mul3A_19 = arith.muli %add3A, %mul3A_18 : i32
    "tpu.region"() ({
      %run_scoped3A = tpu.sem_alloc : memref<!tpu.dma_semaphore, #tpu.memory_space<semaphore_mem>>
      %dma_start3A_132 = arith.constant 0 : i32
      %dma_start3A_133 = tpu.memref_slice %arg2[%mul3A_19, %dma_start3A_132] : memref<5120x128xi32, #tpu.memory_space<hbm>> -> memref<160x128xi32, #tpu.memory_space<hbm>>
      %dma_start3A_134 = arith.constant 0 : i32
      %dma_start3A_135 = tpu.memref_slice %arg2[%mul3A_19, %dma_start3A_134] : memref<5120x128xi32, #tpu.memory_space<hbm>> -> memref<160x128xi32, #tpu.memory_space<hbm>>
      tpu.enqueue_dma source(%dma_start3A_135 : memref<160x128xi32, #tpu.memory_space<hbm>>) target(%arg6 : memref<160x128xi32, #tpu.memory_space<vmem>>) target_semaphore(%run_scoped3A : memref<!tpu.dma_semaphore, #tpu.memory_space<semaphore_mem>>)
      %dma_wait3A = arith.constant 0 : i32
      %dma_wait3A_136 = tpu.memref_slice %arg2[%mul3A_19, %dma_wait3A] : memref<5120x128xi32, #tpu.memory_space<hbm>> -> memref<160x128xi32, #tpu.memory_space<hbm>>
      %dma_wait3A_137 = arith.constant 0 : i32
      %dma_wait3A_138 = tpu.memref_slice %arg2[%mul3A_19, %dma_wait3A_137] : memref<5120x128xi32, #tpu.memory_space<hbm>> -> memref<160x128xi32, #tpu.memory_space<hbm>>
      tpu.wait_dma2 semaphore(%run_scoped3A : memref<!tpu.dma_semaphore, #tpu.memory_space<semaphore_mem>>) src(%dma_wait3A_138 : memref<160x128xi32, #tpu.memory_space<hbm>>) dst(%arg6 : memref<160x128xi32, #tpu.memory_space<vmem>>)
      tpu.yield
    }) : () -> ()
    %mul3A_20 = arith.constant 160 : i32
    %mul3A_21 = arith.muli %add3A, %mul3A_20 : i32
    "tpu.region"() ({
      %run_scoped3A = tpu.sem_alloc : memref<!tpu.dma_semaphore, #tpu.memory_space<semaphore_mem>>
      %dma_start3A_132 = arith.constant 0 : i32
      %dma_start3A_133 = tpu.memref_slice %arg3[%mul3A_21, %dma_start3A_132] : memref<5120x128xi32, #tpu.memory_space<hbm>> -> memref<160x128xi32, #tpu.memory_space<hbm>>
      %dma_start3A_134 = arith.constant 0 : i32
      %dma_start3A_135 = tpu.memref_slice %arg3[%mul3A_21, %dma_start3A_134] : memref<5120x128xi32, #tpu.memory_space<hbm>> -> memref<160x128xi32, #tpu.memory_space<hbm>>
      tpu.enqueue_dma source(%dma_start3A_135 : memref<160x128xi32, #tpu.memory_space<hbm>>) target(%arg7 : memref<160x128xi32, #tpu.memory_space<vmem>>) target_semaphore(%run_scoped3A : memref<!tpu.dma_semaphore, #tpu.memory_space<semaphore_mem>>)
      %dma_wait3A = arith.constant 0 : i32
      %dma_wait3A_136 = tpu.memref_slice %arg3[%mul3A_21, %dma_wait3A] : memref<5120x128xi32, #tpu.memory_space<hbm>> -> memref<160x128xi32, #tpu.memory_space<hbm>>
      %dma_wait3A_137 = arith.constant 0 : i32
      %dma_wait3A_138 = tpu.memref_slice %arg3[%mul3A_21, %dma_wait3A_137] : memref<5120x128xi32, #tpu.memory_space<hbm>> -> memref<160x128xi32, #tpu.memory_space<hbm>>
      tpu.wait_dma2 semaphore(%run_scoped3A : memref<!tpu.dma_semaphore, #tpu.memory_space<semaphore_mem>>) src(%dma_wait3A_138 : memref<160x128xi32, #tpu.memory_space<hbm>>) dst(%arg7 : memref<160x128xi32, #tpu.memory_space<vmem>>)
      tpu.yield
    }) : () -> ()
    %barrier3A = arith.constant 0 : index
    tpu.barrier barrier_id(%barrier3A)
    %dma_start3A = arith.constant 0 : i32
    %dma_start3A_22 = arith.constant 0 : i32
    %dma_start3A_23 = arith.constant 0 : i32
    %dma_start3A_24 = arith.constant 0 : i32
    %dma_start3A_25 = tpu.memref_slice %arg8[%dma_start3A_22, %dma_start3A_23, %dma_start3A_24] : memref<8x128x32xf32, #tpu.memory_space<vmem>> -> memref<1x128x32xf32, #tpu.memory_space<vmem>>
    %dma_start3A_26 = tpu.memref_squeeze %dma_start3A_25 : memref<1x128x32xf32, #tpu.memory_space<vmem>> -> memref<128x32xf32, #tpu.memory_space<vmem>>
    %dma_start3A_27 = arith.constant 0 : i32
    %dma_start3A_28 = tpu.memref_slice %arg6[%dma_start3A, %dma_start3A_27] : memref<160x128xi32, #tpu.memory_space<vmem>> -> memref<1x128xi32, #tpu.memory_space<vmem>>
    %dma_start3A_29 = tpu.memref_squeeze %dma_start3A_28 : memref<1x128xi32, #tpu.memory_space<vmem>> -> memref<128xi32, #tpu.memory_space<vmem>>
    %dma_start3A_30 = arith.constant 0 : i32
    %dma_start3A_31 = arith.constant 0 : i32
    %dma_start3A_32 = tpu.memref_slice %arg11[%dma_start3A_30, %dma_start3A_31] : memref<10240x32xf32, #tpu.memory_space<vmem_shared>> -> memref<10240x32xf32, #tpu.memory_space<vmem_shared>>
    tpu.enqueue_indirect_dma source(%dma_start3A_32 : memref<10240x32xf32, #tpu.memory_space<vmem_shared>>) target(%dma_start3A_26 : memref<128x32xf32, #tpu.memory_space<vmem>>) offsets(%dma_start3A_29 : memref<128xi32, #tpu.memory_space<vmem>>) semaphore(%arg12 : memref<!tpu.dma_semaphore, #tpu.memory_space<semaphore_mem>>)
    %dma_start3A_33 = arith.constant 1 : i32
    %dma_start3A_34 = arith.constant 1 : i32
    %dma_start3A_35 = arith.constant 0 : i32
    %dma_start3A_36 = arith.constant 0 : i32
    %dma_start3A_37 = tpu.memref_slice %arg8[%dma_start3A_34, %dma_start3A_35, %dma_start3A_36] : memref<8x128x32xf32, #tpu.memory_space<vmem>> -> memref<1x128x32xf32, #tpu.memory_space<vmem>>
    %dma_start3A_38 = tpu.memref_squeeze %dma_start3A_37 : memref<1x128x32xf32, #tpu.memory_space<vmem>> -> memref<128x32xf32, #tpu.memory_space<vmem>>
    %dma_start3A_39 = arith.constant 0 : i32
    %dma_start3A_40 = tpu.memref_slice %arg6[%dma_start3A_33, %dma_start3A_39] : memref<160x128xi32, #tpu.memory_space<vmem>> -> memref<1x128xi32, #tpu.memory_space<vmem>>
    %dma_start3A_41 = tpu.memref_squeeze %dma_start3A_40 : memref<1x128xi32, #tpu.memory_space<vmem>> -> memref<128xi32, #tpu.memory_space<vmem>>
    %dma_start3A_42 = arith.constant 0 : i32
    %dma_start3A_43 = arith.constant 0 : i32
    %dma_start3A_44 = tpu.memref_slice %arg11[%dma_start3A_42, %dma_start3A_43] : memref<10240x32xf32, #tpu.memory_space<vmem_shared>> -> memref<10240x32xf32, #tpu.memory_space<vmem_shared>>
    tpu.enqueue_indirect_dma source(%dma_start3A_44 : memref<10240x32xf32, #tpu.memory_space<vmem_shared>>) target(%dma_start3A_38 : memref<128x32xf32, #tpu.memory_space<vmem>>) offsets(%dma_start3A_41 : memref<128xi32, #tpu.memory_space<vmem>>) semaphore(%arg13 : memref<!tpu.dma_semaphore, #tpu.memory_space<semaphore_mem>>)
    %dma_start3A_45 = arith.constant 2 : i32
    %dma_start3A_46 = arith.constant 2 : i32
    %dma_start3A_47 = arith.constant 0 : i32
    %dma_start3A_48 = arith.constant 0 : i32
    %dma_start3A_49 = tpu.memref_slice %arg8[%dma_start3A_46, %dma_start3A_47, %dma_start3A_48] : memref<8x128x32xf32, #tpu.memory_space<vmem>> -> memref<1x128x32xf32, #tpu.memory_space<vmem>>
    %dma_start3A_50 = tpu.memref_squeeze %dma_start3A_49 : memref<1x128x32xf32, #tpu.memory_space<vmem>> -> memref<128x32xf32, #tpu.memory_space<vmem>>
    %dma_start3A_51 = arith.constant 0 : i32
    %dma_start3A_52 = tpu.memref_slice %arg6[%dma_start3A_45, %dma_start3A_51] : memref<160x128xi32, #tpu.memory_space<vmem>> -> memref<1x128xi32, #tpu.memory_space<vmem>>
    %dma_start3A_53 = tpu.memref_squeeze %dma_start3A_52 : memref<1x128xi32, #tpu.memory_space<vmem>> -> memref<128xi32, #tpu.memory_space<vmem>>
    %dma_start3A_54 = arith.constant 0 : i32
    %dma_start3A_55 = arith.constant 0 : i32
    %dma_start3A_56 = tpu.memref_slice %arg11[%dma_start3A_54, %dma_start3A_55] : memref<10240x32xf32, #tpu.memory_space<vmem_shared>> -> memref<10240x32xf32, #tpu.memory_space<vmem_shared>>
    tpu.enqueue_indirect_dma source(%dma_start3A_56 : memref<10240x32xf32, #tpu.memory_space<vmem_shared>>) target(%dma_start3A_50 : memref<128x32xf32, #tpu.memory_space<vmem>>) offsets(%dma_start3A_53 : memref<128xi32, #tpu.memory_space<vmem>>) semaphore(%arg14 : memref<!tpu.dma_semaphore, #tpu.memory_space<semaphore_mem>>)
    %dma_start3A_57 = arith.constant 3 : i32
    %dma_start3A_58 = arith.constant 3 : i32
    %dma_start3A_59 = arith.constant 0 : i32
    %dma_start3A_60 = arith.constant 0 : i32
    %dma_start3A_61 = tpu.memref_slice %arg8[%dma_start3A_58, %dma_start3A_59, %dma_start3A_60] : memref<8x128x32xf32, #tpu.memory_space<vmem>> -> memref<1x128x32xf32, #tpu.memory_space<vmem>>
    %dma_start3A_62 = tpu.memref_squeeze %dma_start3A_61 : memref<1x128x32xf32, #tpu.memory_space<vmem>> -> memref<128x32xf32, #tpu.memory_space<vmem>>
    %dma_start3A_63 = arith.constant 0 : i32
    %dma_start3A_64 = tpu.memref_slice %arg6[%dma_start3A_57, %dma_start3A_63] : memref<160x128xi32, #tpu.memory_space<vmem>> -> memref<1x128xi32, #tpu.memory_space<vmem>>
    %dma_start3A_65 = tpu.memref_squeeze %dma_start3A_64 : memref<1x128xi32, #tpu.memory_space<vmem>> -> memref<128xi32, #tpu.memory_space<vmem>>
    %dma_start3A_66 = arith.constant 0 : i32
    %dma_start3A_67 = arith.constant 0 : i32
    %dma_start3A_68 = tpu.memref_slice %arg11[%dma_start3A_66, %dma_start3A_67] : memref<10240x32xf32, #tpu.memory_space<vmem_shared>> -> memref<10240x32xf32, #tpu.memory_space<vmem_shared>>
    tpu.enqueue_indirect_dma source(%dma_start3A_68 : memref<10240x32xf32, #tpu.memory_space<vmem_shared>>) target(%dma_start3A_62 : memref<128x32xf32, #tpu.memory_space<vmem>>) offsets(%dma_start3A_65 : memref<128xi32, #tpu.memory_space<vmem>>) semaphore(%arg15 : memref<!tpu.dma_semaphore, #tpu.memory_space<semaphore_mem>>)
    %dma_start3A_69 = arith.constant 4 : i32
    %dma_start3A_70 = arith.constant 4 : i32
    %dma_start3A_71 = arith.constant 0 : i32
    %dma_start3A_72 = arith.constant 0 : i32
    %dma_start3A_73 = tpu.memref_slice %arg8[%dma_start3A_70, %dma_start3A_71, %dma_start3A_72] : memref<8x128x32xf32, #tpu.memory_space<vmem>> -> memref<1x128x32xf32, #tpu.memory_space<vmem>>
    %dma_start3A_74 = tpu.memref_squeeze %dma_start3A_73 : memref<1x128x32xf32, #tpu.memory_space<vmem>> -> memref<128x32xf32, #tpu.memory_space<vmem>>
    %dma_start3A_75 = arith.constant 0 : i32
    %dma_start3A_76 = tpu.memref_slice %arg6[%dma_start3A_69, %dma_start3A_75] : memref<160x128xi32, #tpu.memory_space<vmem>> -> memref<1x128xi32, #tpu.memory_space<vmem>>
    %dma_start3A_77 = tpu.memref_squeeze %dma_start3A_76 : memref<1x128xi32, #tpu.memory_space<vmem>> -> memref<128xi32, #tpu.memory_space<vmem>>
    %dma_start3A_78 = arith.constant 0 : i32
    %dma_start3A_79 = arith.constant 0 : i32
    %dma_start3A_80 = tpu.memref_slice %arg11[%dma_start3A_78, %dma_start3A_79] : memref<10240x32xf32, #tpu.memory_space<vmem_shared>> -> memref<10240x32xf32, #tpu.memory_space<vmem_shared>>
    tpu.enqueue_indirect_dma source(%dma_start3A_80 : memref<10240x32xf32, #tpu.memory_space<vmem_shared>>) target(%dma_start3A_74 : memref<128x32xf32, #tpu.memory_space<vmem>>) offsets(%dma_start3A_77 : memref<128xi32, #tpu.memory_space<vmem>>) semaphore(%arg16 : memref<!tpu.dma_semaphore, #tpu.memory_space<semaphore_mem>>)
    %dma_start3A_81 = arith.constant 5 : i32
    %dma_start3A_82 = arith.constant 5 : i32
    %dma_start3A_83 = arith.constant 0 : i32
    %dma_start3A_84 = arith.constant 0 : i32
    %dma_start3A_85 = tpu.memref_slice %arg8[%dma_start3A_82, %dma_start3A_83, %dma_start3A_84] : memref<8x128x32xf32, #tpu.memory_space<vmem>> -> memref<1x128x32xf32, #tpu.memory_space<vmem>>
    %dma_start3A_86 = tpu.memref_squeeze %dma_start3A_85 : memref<1x128x32xf32, #tpu.memory_space<vmem>> -> memref<128x32xf32, #tpu.memory_space<vmem>>
    %dma_start3A_87 = arith.constant 0 : i32
    %dma_start3A_88 = tpu.memref_slice %arg6[%dma_start3A_81, %dma_start3A_87] : memref<160x128xi32, #tpu.memory_space<vmem>> -> memref<1x128xi32, #tpu.memory_space<vmem>>
    %dma_start3A_89 = tpu.memref_squeeze %dma_start3A_88 : memref<1x128xi32, #tpu.memory_space<vmem>> -> memref<128xi32, #tpu.memory_space<vmem>>
    %dma_start3A_90 = arith.constant 0 : i32
    %dma_start3A_91 = arith.constant 0 : i32
    %dma_start3A_92 = tpu.memref_slice %arg11[%dma_start3A_90, %dma_start3A_91] : memref<10240x32xf32, #tpu.memory_space<vmem_shared>> -> memref<10240x32xf32, #tpu.memory_space<vmem_shared>>
    tpu.enqueue_indirect_dma source(%dma_start3A_92 : memref<10240x32xf32, #tpu.memory_space<vmem_shared>>) target(%dma_start3A_86 : memref<128x32xf32, #tpu.memory_space<vmem>>) offsets(%dma_start3A_89 : memref<128xi32, #tpu.memory_space<vmem>>) semaphore(%arg17 : memref<!tpu.dma_semaphore, #tpu.memory_space<semaphore_mem>>)
    %dma_start3A_93 = arith.constant 6 : i32
    %dma_start3A_94 = arith.constant 6 : i32
    %dma_start3A_95 = arith.constant 0 : i32
    %dma_start3A_96 = arith.constant 0 : i32
    %dma_start3A_97 = tpu.memref_slice %arg8[%dma_start3A_94, %dma_start3A_95, %dma_start3A_96] : memref<8x128x32xf32, #tpu.memory_space<vmem>> -> memref<1x128x32xf32, #tpu.memory_space<vmem>>
    %dma_start3A_98 = tpu.memref_squeeze %dma_start3A_97 : memref<1x128x32xf32, #tpu.memory_space<vmem>> -> memref<128x32xf32, #tpu.memory_space<vmem>>
    %dma_start3A_99 = arith.constant 0 : i32
    %dma_start3A_100 = tpu.memref_slice %arg6[%dma_start3A_93, %dma_start3A_99] : memref<160x128xi32, #tpu.memory_space<vmem>> -> memref<1x128xi32, #tpu.memory_space<vmem>>
    %dma_start3A_101 = tpu.memref_squeeze %dma_start3A_100 : memref<1x128xi32, #tpu.memory_space<vmem>> -> memref<128xi32, #tpu.memory_space<vmem>>
    %dma_start3A_102 = arith.constant 0 : i32
    %dma_start3A_103 = arith.constant 0 : i32
    %dma_start3A_104 = tpu.memref_slice %arg11[%dma_start3A_102, %dma_start3A_103] : memref<10240x32xf32, #tpu.memory_space<vmem_shared>> -> memref<10240x32xf32, #tpu.memory_space<vmem_shared>>
    tpu.enqueue_indirect_dma source(%dma_start3A_104 : memref<10240x32xf32, #tpu.memory_space<vmem_shared>>) target(%dma_start3A_98 : memref<128x32xf32, #tpu.memory_space<vmem>>) offsets(%dma_start3A_101 : memref<128xi32, #tpu.memory_space<vmem>>) semaphore(%arg18 : memref<!tpu.dma_semaphore, #tpu.memory_space<semaphore_mem>>)
    %dma_start3A_105 = arith.constant 7 : i32
    %dma_start3A_106 = arith.constant 7 : i32
    %dma_start3A_107 = arith.constant 0 : i32
    %dma_start3A_108 = arith.constant 0 : i32
    %dma_start3A_109 = tpu.memref_slice %arg8[%dma_start3A_106, %dma_start3A_107, %dma_start3A_108] : memref<8x128x32xf32, #tpu.memory_space<vmem>> -> memref<1x128x32xf32, #tpu.memory_space<vmem>>
    %dma_start3A_110 = tpu.memref_squeeze %dma_start3A_109 : memref<1x128x32xf32, #tpu.memory_space<vmem>> -> memref<128x32xf32, #tpu.memory_space<vmem>>
    %dma_start3A_111 = arith.constant 0 : i32
    %dma_start3A_112 = tpu.memref_slice %arg6[%dma_start3A_105, %dma_start3A_111] : memref<160x128xi32, #tpu.memory_space<vmem>> -> memref<1x128xi32, #tpu.memory_space<vmem>>
    %dma_start3A_113 = tpu.memref_squeeze %dma_start3A_112 : memref<1x128xi32, #tpu.memory_space<vmem>> -> memref<128xi32, #tpu.memory_space<vmem>>
    %dma_start3A_114 = arith.constant 0 : i32
    %dma_start3A_115 = arith.constant 0 : i32
    %dma_start3A_116 = tpu.memref_slice %arg11[%dma_start3A_114, %dma_start3A_115] : memref<10240x32xf32, #tpu.memory_space<vmem_shared>> -> memref<10240x32xf32, #tpu.memory_space<vmem_shared>>
    tpu.enqueue_indirect_dma source(%dma_start3A_116 : memref<10240x32xf32, #tpu.memory_space<vmem_shared>>) target(%dma_start3A_110 : memref<128x32xf32, #tpu.memory_space<vmem>>) offsets(%dma_start3A_113 : memref<128xi32, #tpu.memory_space<vmem>>) semaphore(%arg19 : memref<!tpu.dma_semaphore, #tpu.memory_space<semaphore_mem>>)
    %scan3A_117 = arith.constant 0 : i32
    %scan3A_118 = arith.constant 0 : i32
    %scan3A_119 = arith.constant 20 : i32
    %scan3A_120 = arith.addi %scan3A_118, %scan3A_119 : i32
    %scan3A_121 = arith.constant 1 : i32
    %scan3A_122 = scf.for %scan3A_132 = %scan3A_118 to %scan3A_120 step %scan3A_121 iter_args(%scan3A_133 = %scan3A_117) -> (i32)  : i32 {
      %mul3A_134 = arith.constant 8 : i32
      %mul3A_135 = arith.muli %scan3A_132, %mul3A_134 : i32
      %add3A_136 = arith.constant 0 : i32
      %add3A_137 = arith.addi %mul3A_135, %add3A_136 : i32
      %dma_wait3A = arith.constant 0 : i32
      %dma_wait3A_138 = arith.constant 0 : i32
      %dma_wait3A_139 = arith.constant 0 : i32
      %dma_wait3A_140 = tpu.memref_slice %arg8[%dma_wait3A, %dma_wait3A_138, %dma_wait3A_139] : memref<8x128x32xf32, #tpu.memory_space<vmem>> -> memref<1x128x32xf32, #tpu.memory_space<vmem>>
      %dma_wait3A_141 = tpu.memref_squeeze %dma_wait3A_140 : memref<1x128x32xf32, #tpu.memory_space<vmem>> -> memref<128x32xf32, #tpu.memory_space<vmem>>
      %dma_wait3A_142 = arith.constant 0 : i32
      %dma_wait3A_143 = arith.constant 0 : i32
      %dma_wait3A_144 = tpu.memref_slice %arg4[%dma_wait3A_142, %dma_wait3A_143] : memref<10240x32xf32, #tpu.memory_space<hbm>> -> memref<128x32xf32, #tpu.memory_space<hbm>>
      %dma_wait3A_145 = arith.constant 0 : i32
      %dma_wait3A_146 = arith.constant 0 : i32
      %dma_wait3A_147 = tpu.memref_slice %arg8[%dma_wait3A, %dma_wait3A_145, %dma_wait3A_146] : memref<8x128x32xf32, #tpu.memory_space<vmem>> -> memref<1x128x32xf32, #tpu.memory_space<vmem>>
      %dma_wait3A_148 = tpu.memref_squeeze %dma_wait3A_147 : memref<1x128x32xf32, #tpu.memory_space<vmem>> -> memref<128x32xf32, #tpu.memory_space<vmem>>
      %dma_wait3A_149 = arith.constant 0 : i32
      %dma_wait3A_150 = arith.constant 0 : i32
      %dma_wait3A_151 = tpu.memref_slice %arg4[%dma_wait3A_149, %dma_wait3A_150] : memref<10240x32xf32, #tpu.memory_space<hbm>> -> memref<128x32xf32, #tpu.memory_space<hbm>>
      tpu.wait_dma2 semaphore(%arg12 : memref<!tpu.dma_semaphore, #tpu.memory_space<semaphore_mem>>) src(%dma_wait3A_151 : memref<128x32xf32, #tpu.memory_space<hbm>>) dst(%dma_wait3A_148 : memref<128x32xf32, #tpu.memory_space<vmem>>)
      %run_scoped3A = arith.constant 0 : i32
      "tpu.region"() ({
        %run_scoped3A_332 = tpu.sem_alloc : memref<!tpu.dma_semaphore, #tpu.memory_space<semaphore_mem>>
        %dma_start3A_333 = arith.constant 0 : i32
        %dma_start3A_334 = arith.constant 0 : i32
        %dma_start3A_335 = tpu.memref_slice %arg8[%run_scoped3A, %dma_start3A_333, %dma_start3A_334] : memref<8x128x32xf32, #tpu.memory_space<vmem>> -> memref<1x128x32xf32, #tpu.memory_space<vmem>>
        %dma_start3A_336 = tpu.memref_squeeze %dma_start3A_335 : memref<1x128x32xf32, #tpu.memory_space<vmem>> -> memref<128x32xf32, #tpu.memory_space<vmem>>
        %dma_start3A_337 = arith.constant 0 : i32
        %dma_start3A_338 = tpu.memref_slice %arg7[%add3A_137, %dma_start3A_337] : memref<160x128xi32, #tpu.memory_space<vmem>> -> memref<1x128xi32, #tpu.memory_space<vmem>>
        %dma_start3A_339 = tpu.memref_squeeze %dma_start3A_338 : memref<1x128xi32, #tpu.memory_space<vmem>> -> memref<128xi32, #tpu.memory_space<vmem>>
        %dma_start3A_340 = arith.constant 0 : i32
        %dma_start3A_341 = arith.constant 0 : i32
        %dma_start3A_342 = tpu.memref_slice %arg10[%dma_start3A_340, %dma_start3A_341] : memref<10240x32xf32, #tpu.memory_space<vmem_shared>> -> memref<10240x32xf32, #tpu.memory_space<vmem_shared>>
        tpu.enqueue_indirect_dma source(%dma_start3A_336 : memref<128x32xf32, #tpu.memory_space<vmem>>) target(%dma_start3A_342 : memref<10240x32xf32, #tpu.memory_space<vmem_shared>>) offsets(%dma_start3A_339 : memref<128xi32, #tpu.memory_space<vmem>>) semaphore(%run_scoped3A_332 : memref<!tpu.dma_semaphore, #tpu.memory_space<semaphore_mem>>) {add = true}
        %dma_wait3A_343 = arith.constant 0 : i32
        %dma_wait3A_344 = arith.constant 0 : i32
        %dma_wait3A_345 = tpu.memref_slice %arg8[%run_scoped3A, %dma_wait3A_343, %dma_wait3A_344] : memref<8x128x32xf32, #tpu.memory_space<vmem>> -> memref<1x128x32xf32, #tpu.memory_space<vmem>>
        %dma_wait3A_346 = tpu.memref_squeeze %dma_wait3A_345 : memref<1x128x32xf32, #tpu.memory_space<vmem>> -> memref<128x32xf32, #tpu.memory_space<vmem>>
        %dma_wait3A_347 = arith.constant 0 : i32
        %dma_wait3A_348 = tpu.memref_slice %arg7[%add3A_137, %dma_wait3A_347] : memref<160x128xi32, #tpu.memory_space<vmem>> -> memref<1x128xi32, #tpu.memory_space<vmem>>
        %dma_wait3A_349 = tpu.memref_squeeze %dma_wait3A_348 : memref<1x128xi32, #tpu.memory_space<vmem>> -> memref<128xi32, #tpu.memory_space<vmem>>
        %dma_wait3A_350 = arith.constant 0 : i32
        %dma_wait3A_351 = arith.constant 0 : i32
        %dma_wait3A_352 = tpu.memref_slice %arg10[%dma_wait3A_350, %dma_wait3A_351] : memref<10240x32xf32, #tpu.memory_space<vmem_shared>> -> memref<10240x32xf32, #tpu.memory_space<vmem_shared>>
        tpu.wait_indirect_dma semaphore(%run_scoped3A_332 : memref<!tpu.dma_semaphore, #tpu.memory_space<semaphore_mem>>) src(%dma_wait3A_346 : memref<128x32xf32, #tpu.memory_space<vmem>>) dst(%dma_wait3A_352 : memref<10240x32xf32, #tpu.memory_space<vmem_shared>>)
        tpu.yield
      }) : () -> ()
      %add3A_152 = arith.constant 8 : i32
      %add3A_153 = arith.addi %add3A_137, %add3A_152 : i32
      %lt3A = arith.constant 160 : i32
      %lt3A_154 = arith.cmpi slt, %add3A_153, %lt3A : i32
      %convert_element_type3A = arith.extui %lt3A_154 : i1 to i32
      %cond3A = arith.constant 0 : i32
      %cond3A_155 = arith.cmpi ne, %convert_element_type3A, %cond3A : i32
      scf.if %cond3A_155 {
        %add3A_332 = arith.constant 8 : i32
        %add3A_333 = arith.addi %add3A_137, %add3A_332 : i32
        %dma_start3A_334 = arith.constant 0 : i32
        %dma_start3A_335 = arith.constant 0 : i32
        %dma_start3A_336 = arith.constant 0 : i32
        %dma_start3A_337 = tpu.memref_slice %arg8[%dma_start3A_334, %dma_start3A_335, %dma_start3A_336] : memref<8x128x32xf32, #tpu.memory_space<vmem>> -> memref<1x128x32xf32, #tpu.memory_space<vmem>>
        %dma_start3A_338 = tpu.memref_squeeze %dma_start3A_337 : memref<1x128x32xf32, #tpu.memory_space<vmem>> -> memref<128x32xf32, #tpu.memory_space<vmem>>
        %dma_start3A_339 = arith.constant 0 : i32
        %dma_start3A_340 = tpu.memref_slice %arg6[%add3A_333, %dma_start3A_339] : memref<160x128xi32, #tpu.memory_space<vmem>> -> memref<1x128xi32, #tpu.memory_space<vmem>>
        %dma_start3A_341 = tpu.memref_squeeze %dma_start3A_340 : memref<1x128xi32, #tpu.memory_space<vmem>> -> memref<128xi32, #tpu.memory_space<vmem>>
        %dma_start3A_342 = arith.constant 0 : i32
        %dma_start3A_343 = arith.constant 0 : i32
        %dma_start3A_344 = tpu.memref_slice %arg11[%dma_start3A_342, %dma_start3A_343] : memref<10240x32xf32, #tpu.memory_space<vmem_shared>> -> memref<10240x32xf32, #tpu.memory_space<vmem_shared>>
        tpu.enqueue_indirect_dma source(%dma_start3A_344 : memref<10240x32xf32, #tpu.memory_space<vmem_shared>>) target(%dma_start3A_338 : memref<128x32xf32, #tpu.memory_space<vmem>>) offsets(%dma_start3A_341 : memref<128xi32, #tpu.memory_space<vmem>>) semaphore(%arg12 : memref<!tpu.dma_semaphore, #tpu.memory_space<semaphore_mem>>)
      } else {
      }
      %add3A_156 = arith.constant 1 : i32
      %add3A_157 = arith.addi %mul3A_135, %add3A_156 : i32
      %dma_wait3A_158 = arith.constant 1 : i32
      %dma_wait3A_159 = arith.constant 0 : i32
      %dma_wait3A_160 = arith.constant 0 : i32
      %dma_wait3A_161 = tpu.memref_slice %arg8[%dma_wait3A_158, %dma_wait3A_159, %dma_wait3A_160] : memref<8x128x32xf32, #tpu.memory_space<vmem>> -> memref<1x128x32xf32, #tpu.memory_space<vmem>>
      %dma_wait3A_162 = tpu.memref_squeeze %dma_wait3A_161 : memref<1x128x32xf32, #tpu.memory_space<vmem>> -> memref<128x32xf32, #tpu.memory_space<vmem>>
      %dma_wait3A_163 = arith.constant 0 : i32
      %dma_wait3A_164 = arith.constant 0 : i32
      %dma_wait3A_165 = tpu.memref_slice %arg4[%dma_wait3A_163, %dma_wait3A_164] : memref<10240x32xf32, #tpu.memory_space<hbm>> -> memref<128x32xf32, #tpu.memory_space<hbm>>
      %dma_wait3A_166 = arith.constant 0 : i32
      %dma_wait3A_167 = arith.constant 0 : i32
      %dma_wait3A_168 = tpu.memref_slice %arg8[%dma_wait3A_158, %dma_wait3A_166, %dma_wait3A_167] : memref<8x128x32xf32, #tpu.memory_space<vmem>> -> memref<1x128x32xf32, #tpu.memory_space<vmem>>
      %dma_wait3A_169 = tpu.memref_squeeze %dma_wait3A_168 : memref<1x128x32xf32, #tpu.memory_space<vmem>> -> memref<128x32xf32, #tpu.memory_space<vmem>>
      %dma_wait3A_170 = arith.constant 0 : i32
      %dma_wait3A_171 = arith.constant 0 : i32
      %dma_wait3A_172 = tpu.memref_slice %arg4[%dma_wait3A_170, %dma_wait3A_171] : memref<10240x32xf32, #tpu.memory_space<hbm>> -> memref<128x32xf32, #tpu.memory_space<hbm>>
      tpu.wait_dma2 semaphore(%arg13 : memref<!tpu.dma_semaphore, #tpu.memory_space<semaphore_mem>>) src(%dma_wait3A_172 : memref<128x32xf32, #tpu.memory_space<hbm>>) dst(%dma_wait3A_169 : memref<128x32xf32, #tpu.memory_space<vmem>>)
      %run_scoped3A_173 = arith.constant 1 : i32
      "tpu.region"() ({
        %run_scoped3A_332 = tpu.sem_alloc : memref<!tpu.dma_semaphore, #tpu.memory_space<semaphore_mem>>
        %dma_start3A_333 = arith.constant 0 : i32
        %dma_start3A_334 = arith.constant 0 : i32
        %dma_start3A_335 = tpu.memref_slice %arg8[%run_scoped3A_173, %dma_start3A_333, %dma_start3A_334] : memref<8x128x32xf32, #tpu.memory_space<vmem>> -> memref<1x128x32xf32, #tpu.memory_space<vmem>>
        %dma_start3A_336 = tpu.memref_squeeze %dma_start3A_335 : memref<1x128x32xf32, #tpu.memory_space<vmem>> -> memref<128x32xf32, #tpu.memory_space<vmem>>
        %dma_start3A_337 = arith.constant 0 : i32
        %dma_start3A_338 = tpu.memref_slice %arg7[%add3A_157, %dma_start3A_337] : memref<160x128xi32, #tpu.memory_space<vmem>> -> memref<1x128xi32, #tpu.memory_space<vmem>>
        %dma_start3A_339 = tpu.memref_squeeze %dma_start3A_338 : memref<1x128xi32, #tpu.memory_space<vmem>> -> memref<128xi32, #tpu.memory_space<vmem>>
        %dma_start3A_340 = arith.constant 0 : i32
        %dma_start3A_341 = arith.constant 0 : i32
        %dma_start3A_342 = tpu.memref_slice %arg10[%dma_start3A_340, %dma_start3A_341] : memref<10240x32xf32, #tpu.memory_space<vmem_shared>> -> memref<10240x32xf32, #tpu.memory_space<vmem_shared>>
        tpu.enqueue_indirect_dma source(%dma_start3A_336 : memref<128x32xf32, #tpu.memory_space<vmem>>) target(%dma_start3A_342 : memref<10240x32xf32, #tpu.memory_space<vmem_shared>>) offsets(%dma_start3A_339 : memref<128xi32, #tpu.memory_space<vmem>>) semaphore(%run_scoped3A_332 : memref<!tpu.dma_semaphore, #tpu.memory_space<semaphore_mem>>) {add = true}
        %dma_wait3A_343 = arith.constant 0 : i32
        %dma_wait3A_344 = arith.constant 0 : i32
        %dma_wait3A_345 = tpu.memref_slice %arg8[%run_scoped3A_173, %dma_wait3A_343, %dma_wait3A_344] : memref<8x128x32xf32, #tpu.memory_space<vmem>> -> memref<1x128x32xf32, #tpu.memory_space<vmem>>
        %dma_wait3A_346 = tpu.memref_squeeze %dma_wait3A_345 : memref<1x128x32xf32, #tpu.memory_space<vmem>> -> memref<128x32xf32, #tpu.memory_space<vmem>>
        %dma_wait3A_347 = arith.constant 0 : i32
        %dma_wait3A_348 = tpu.memref_slice %arg7[%add3A_157, %dma_wait3A_347] : memref<160x128xi32, #tpu.memory_space<vmem>> -> memref<1x128xi32, #tpu.memory_space<vmem>>
        %dma_wait3A_349 = tpu.memref_squeeze %dma_wait3A_348 : memref<1x128xi32, #tpu.memory_space<vmem>> -> memref<128xi32, #tpu.memory_space<vmem>>
        %dma_wait3A_350 = arith.constant 0 : i32
        %dma_wait3A_351 = arith.constant 0 : i32
        %dma_wait3A_352 = tpu.memref_slice %arg10[%dma_wait3A_350, %dma_wait3A_351] : memref<10240x32xf32, #tpu.memory_space<vmem_shared>> -> memref<10240x32xf32, #tpu.memory_space<vmem_shared>>
        tpu.wait_indirect_dma semaphore(%run_scoped3A_332 : memref<!tpu.dma_semaphore, #tpu.memory_space<semaphore_mem>>) src(%dma_wait3A_346 : memref<128x32xf32, #tpu.memory_space<vmem>>) dst(%dma_wait3A_352 : memref<10240x32xf32, #tpu.memory_space<vmem_shared>>)
        tpu.yield
      }) : () -> ()
      %add3A_174 = arith.constant 8 : i32
      %add3A_175 = arith.addi %add3A_157, %add3A_174 : i32
      %lt3A_176 = arith.constant 160 : i32
      %lt3A_177 = arith.cmpi slt, %add3A_175, %lt3A_176 : i32
      %convert_element_type3A_178 = arith.extui %lt3A_177 : i1 to i32
      %cond3A_179 = arith.constant 0 : i32
      %cond3A_180 = arith.cmpi ne, %convert_element_type3A_178, %cond3A_179 : i32
      scf.if %cond3A_180 {
        %add3A_332 = arith.constant 8 : i32
        %add3A_333 = arith.addi %add3A_157, %add3A_332 : i32
        %dma_start3A_334 = arith.constant 1 : i32
        %dma_start3A_335 = arith.constant 0 : i32
        %dma_start3A_336 = arith.constant 0 : i32
        %dma_start3A_337 = tpu.memref_slice %arg8[%dma_start3A_334, %dma_start3A_335, %dma_start3A_336] : memref<8x128x32xf32, #tpu.memory_space<vmem>> -> memref<1x128x32xf32, #tpu.memory_space<vmem>>
        %dma_start3A_338 = tpu.memref_squeeze %dma_start3A_337 : memref<1x128x32xf32, #tpu.memory_space<vmem>> -> memref<128x32xf32, #tpu.memory_space<vmem>>
        %dma_start3A_339 = arith.constant 0 : i32
        %dma_start3A_340 = tpu.memref_slice %arg6[%add3A_333, %dma_start3A_339] : memref<160x128xi32, #tpu.memory_space<vmem>> -> memref<1x128xi32, #tpu.memory_space<vmem>>
        %dma_start3A_341 = tpu.memref_squeeze %dma_start3A_340 : memref<1x128xi32, #tpu.memory_space<vmem>> -> memref<128xi32, #tpu.memory_space<vmem>>
        %dma_start3A_342 = arith.constant 0 : i32
        %dma_start3A_343 = arith.constant 0 : i32
        %dma_start3A_344 = tpu.memref_slice %arg11[%dma_start3A_342, %dma_start3A_343] : memref<10240x32xf32, #tpu.memory_space<vmem_shared>> -> memref<10240x32xf32, #tpu.memory_space<vmem_shared>>
        tpu.enqueue_indirect_dma source(%dma_start3A_344 : memref<10240x32xf32, #tpu.memory_space<vmem_shared>>) target(%dma_start3A_338 : memref<128x32xf32, #tpu.memory_space<vmem>>) offsets(%dma_start3A_341 : memref<128xi32, #tpu.memory_space<vmem>>) semaphore(%arg13 : memref<!tpu.dma_semaphore, #tpu.memory_space<semaphore_mem>>)
      } else {
      }
      %add3A_181 = arith.constant 2 : i32
      %add3A_182 = arith.addi %mul3A_135, %add3A_181 : i32
      %dma_wait3A_183 = arith.constant 2 : i32
      %dma_wait3A_184 = arith.constant 0 : i32
      %dma_wait3A_185 = arith.constant 0 : i32
      %dma_wait3A_186 = tpu.memref_slice %arg8[%dma_wait3A_183, %dma_wait3A_184, %dma_wait3A_185] : memref<8x128x32xf32, #tpu.memory_space<vmem>> -> memref<1x128x32xf32, #tpu.memory_space<vmem>>
      %dma_wait3A_187 = tpu.memref_squeeze %dma_wait3A_186 : memref<1x128x32xf32, #tpu.memory_space<vmem>> -> memref<128x32xf32, #tpu.memory_space<vmem>>
      %dma_wait3A_188 = arith.constant 0 : i32
      %dma_wait3A_189 = arith.constant 0 : i32
      %dma_wait3A_190 = tpu.memref_slice %arg4[%dma_wait3A_188, %dma_wait3A_189] : memref<10240x32xf32, #tpu.memory_space<hbm>> -> memref<128x32xf32, #tpu.memory_space<hbm>>
      %dma_wait3A_191 = arith.constant 0 : i32
      %dma_wait3A_192 = arith.constant 0 : i32
      %dma_wait3A_193 = tpu.memref_slice %arg8[%dma_wait3A_183, %dma_wait3A_191, %dma_wait3A_192] : memref<8x128x32xf32, #tpu.memory_space<vmem>> -> memref<1x128x32xf32, #tpu.memory_space<vmem>>
      %dma_wait3A_194 = tpu.memref_squeeze %dma_wait3A_193 : memref<1x128x32xf32, #tpu.memory_space<vmem>> -> memref<128x32xf32, #tpu.memory_space<vmem>>
      %dma_wait3A_195 = arith.constant 0 : i32
      %dma_wait3A_196 = arith.constant 0 : i32
      %dma_wait3A_197 = tpu.memref_slice %arg4[%dma_wait3A_195, %dma_wait3A_196] : memref<10240x32xf32, #tpu.memory_space<hbm>> -> memref<128x32xf32, #tpu.memory_space<hbm>>
      tpu.wait_dma2 semaphore(%arg14 : memref<!tpu.dma_semaphore, #tpu.memory_space<semaphore_mem>>) src(%dma_wait3A_197 : memref<128x32xf32, #tpu.memory_space<hbm>>) dst(%dma_wait3A_194 : memref<128x32xf32, #tpu.memory_space<vmem>>)
      %run_scoped3A_198 = arith.constant 2 : i32
      "tpu.region"() ({
        %run_scoped3A_332 = tpu.sem_alloc : memref<!tpu.dma_semaphore, #tpu.memory_space<semaphore_mem>>
        %dma_start3A_333 = arith.constant 0 : i32
        %dma_start3A_334 = arith.constant 0 : i32
        %dma_start3A_335 = tpu.memref_slice %arg8[%run_scoped3A_198, %dma_start3A_333, %dma_start3A_334] : memref<8x128x32xf32, #tpu.memory_space<vmem>> -> memref<1x128x32xf32, #tpu.memory_space<vmem>>
        %dma_start3A_336 = tpu.memref_squeeze %dma_start3A_335 : memref<1x128x32xf32, #tpu.memory_space<vmem>> -> memref<128x32xf32, #tpu.memory_space<vmem>>
        %dma_start3A_337 = arith.constant 0 : i32
        %dma_start3A_338 = tpu.memref_slice %arg7[%add3A_182, %dma_start3A_337] : memref<160x128xi32, #tpu.memory_space<vmem>> -> memref<1x128xi32, #tpu.memory_space<vmem>>
        %dma_start3A_339 = tpu.memref_squeeze %dma_start3A_338 : memref<1x128xi32, #tpu.memory_space<vmem>> -> memref<128xi32, #tpu.memory_space<vmem>>
        %dma_start3A_340 = arith.constant 0 : i32
        %dma_start3A_341 = arith.constant 0 : i32
        %dma_start3A_342 = tpu.memref_slice %arg10[%dma_start3A_340, %dma_start3A_341] : memref<10240x32xf32, #tpu.memory_space<vmem_shared>> -> memref<10240x32xf32, #tpu.memory_space<vmem_shared>>
        tpu.enqueue_indirect_dma source(%dma_start3A_336 : memref<128x32xf32, #tpu.memory_space<vmem>>) target(%dma_start3A_342 : memref<10240x32xf32, #tpu.memory_space<vmem_shared>>) offsets(%dma_start3A_339 : memref<128xi32, #tpu.memory_space<vmem>>) semaphore(%run_scoped3A_332 : memref<!tpu.dma_semaphore, #tpu.memory_space<semaphore_mem>>) {add = true}
        %dma_wait3A_343 = arith.constant 0 : i32
        %dma_wait3A_344 = arith.constant 0 : i32
        %dma_wait3A_345 = tpu.memref_slice %arg8[%run_scoped3A_198, %dma_wait3A_343, %dma_wait3A_344] : memref<8x128x32xf32, #tpu.memory_space<vmem>> -> memref<1x128x32xf32, #tpu.memory_space<vmem>>
        %dma_wait3A_346 = tpu.memref_squeeze %dma_wait3A_345 : memref<1x128x32xf32, #tpu.memory_space<vmem>> -> memref<128x32xf32, #tpu.memory_space<vmem>>
        %dma_wait3A_347 = arith.constant 0 : i32
        %dma_wait3A_348 = tpu.memref_slice %arg7[%add3A_182, %dma_wait3A_347] : memref<160x128xi32, #tpu.memory_space<vmem>> -> memref<1x128xi32, #tpu.memory_space<vmem>>
        %dma_wait3A_349 = tpu.memref_squeeze %dma_wait3A_348 : memref<1x128xi32, #tpu.memory_space<vmem>> -> memref<128xi32, #tpu.memory_space<vmem>>
        %dma_wait3A_350 = arith.constant 0 : i32
        %dma_wait3A_351 = arith.constant 0 : i32
        %dma_wait3A_352 = tpu.memref_slice %arg10[%dma_wait3A_350, %dma_wait3A_351] : memref<10240x32xf32, #tpu.memory_space<vmem_shared>> -> memref<10240x32xf32, #tpu.memory_space<vmem_shared>>
        tpu.wait_indirect_dma semaphore(%run_scoped3A_332 : memref<!tpu.dma_semaphore, #tpu.memory_space<semaphore_mem>>) src(%dma_wait3A_346 : memref<128x32xf32, #tpu.memory_space<vmem>>) dst(%dma_wait3A_352 : memref<10240x32xf32, #tpu.memory_space<vmem_shared>>)
        tpu.yield
      }) : () -> ()
      %add3A_199 = arith.constant 8 : i32
      %add3A_200 = arith.addi %add3A_182, %add3A_199 : i32
      %lt3A_201 = arith.constant 160 : i32
      %lt3A_202 = arith.cmpi slt, %add3A_200, %lt3A_201 : i32
      %convert_element_type3A_203 = arith.extui %lt3A_202 : i1 to i32
      %cond3A_204 = arith.constant 0 : i32
      %cond3A_205 = arith.cmpi ne, %convert_element_type3A_203, %cond3A_204 : i32
      scf.if %cond3A_205 {
        %add3A_332 = arith.constant 8 : i32
        %add3A_333 = arith.addi %add3A_182, %add3A_332 : i32
        %dma_start3A_334 = arith.constant 2 : i32
        %dma_start3A_335 = arith.constant 0 : i32
        %dma_start3A_336 = arith.constant 0 : i32
        %dma_start3A_337 = tpu.memref_slice %arg8[%dma_start3A_334, %dma_start3A_335, %dma_start3A_336] : memref<8x128x32xf32, #tpu.memory_space<vmem>> -> memref<1x128x32xf32, #tpu.memory_space<vmem>>
        %dma_start3A_338 = tpu.memref_squeeze %dma_start3A_337 : memref<1x128x32xf32, #tpu.memory_space<vmem>> -> memref<128x32xf32, #tpu.memory_space<vmem>>
        %dma_start3A_339 = arith.constant 0 : i32
        %dma_start3A_340 = tpu.memref_slice %arg6[%add3A_333, %dma_start3A_339] : memref<160x128xi32, #tpu.memory_space<vmem>> -> memref<1x128xi32, #tpu.memory_space<vmem>>
        %dma_start3A_341 = tpu.memref_squeeze %dma_start3A_340 : memref<1x128xi32, #tpu.memory_space<vmem>> -> memref<128xi32, #tpu.memory_space<vmem>>
        %dma_start3A_342 = arith.constant 0 : i32
        %dma_start3A_343 = arith.constant 0 : i32
        %dma_start3A_344 = tpu.memref_slice %arg11[%dma_start3A_342, %dma_start3A_343] : memref<10240x32xf32, #tpu.memory_space<vmem_shared>> -> memref<10240x32xf32, #tpu.memory_space<vmem_shared>>
        tpu.enqueue_indirect_dma source(%dma_start3A_344 : memref<10240x32xf32, #tpu.memory_space<vmem_shared>>) target(%dma_start3A_338 : memref<128x32xf32, #tpu.memory_space<vmem>>) offsets(%dma_start3A_341 : memref<128xi32, #tpu.memory_space<vmem>>) semaphore(%arg14 : memref<!tpu.dma_semaphore, #tpu.memory_space<semaphore_mem>>)
      } else {
      }
      %add3A_206 = arith.constant 3 : i32
      %add3A_207 = arith.addi %mul3A_135, %add3A_206 : i32
      %dma_wait3A_208 = arith.constant 3 : i32
      %dma_wait3A_209 = arith.constant 0 : i32
      %dma_wait3A_210 = arith.constant 0 : i32
      %dma_wait3A_211 = tpu.memref_slice %arg8[%dma_wait3A_208, %dma_wait3A_209, %dma_wait3A_210] : memref<8x128x32xf32, #tpu.memory_space<vmem>> -> memref<1x128x32xf32, #tpu.memory_space<vmem>>
      %dma_wait3A_212 = tpu.memref_squeeze %dma_wait3A_211 : memref<1x128x32xf32, #tpu.memory_space<vmem>> -> memref<128x32xf32, #tpu.memory_space<vmem>>
      %dma_wait3A_213 = arith.constant 0 : i32
      %dma_wait3A_214 = arith.constant 0 : i32
      %dma_wait3A_215 = tpu.memref_slice %arg4[%dma_wait3A_213, %dma_wait3A_214] : memref<10240x32xf32, #tpu.memory_space<hbm>> -> memref<128x32xf32, #tpu.memory_space<hbm>>
      %dma_wait3A_216 = arith.constant 0 : i32
      %dma_wait3A_217 = arith.constant 0 : i32
      %dma_wait3A_218 = tpu.memref_slice %arg8[%dma_wait3A_208, %dma_wait3A_216, %dma_wait3A_217] : memref<8x128x32xf32, #tpu.memory_space<vmem>> -> memref<1x128x32xf32, #tpu.memory_space<vmem>>
      %dma_wait3A_219 = tpu.memref_squeeze %dma_wait3A_218 : memref<1x128x32xf32, #tpu.memory_space<vmem>> -> memref<128x32xf32, #tpu.memory_space<vmem>>
      %dma_wait3A_220 = arith.constant 0 : i32
      %dma_wait3A_221 = arith.constant 0 : i32
      %dma_wait3A_222 = tpu.memref_slice %arg4[%dma_wait3A_220, %dma_wait3A_221] : memref<10240x32xf32, #tpu.memory_space<hbm>> -> memref<128x32xf32, #tpu.memory_space<hbm>>
      tpu.wait_dma2 semaphore(%arg15 : memref<!tpu.dma_semaphore, #tpu.memory_space<semaphore_mem>>) src(%dma_wait3A_222 : memref<128x32xf32, #tpu.memory_space<hbm>>) dst(%dma_wait3A_219 : memref<128x32xf32, #tpu.memory_space<vmem>>)
      %run_scoped3A_223 = arith.constant 3 : i32
      "tpu.region"() ({
        %run_scoped3A_332 = tpu.sem_alloc : memref<!tpu.dma_semaphore, #tpu.memory_space<semaphore_mem>>
        %dma_start3A_333 = arith.constant 0 : i32
        %dma_start3A_334 = arith.constant 0 : i32
        %dma_start3A_335 = tpu.memref_slice %arg8[%run_scoped3A_223, %dma_start3A_333, %dma_start3A_334] : memref<8x128x32xf32, #tpu.memory_space<vmem>> -> memref<1x128x32xf32, #tpu.memory_space<vmem>>
        %dma_start3A_336 = tpu.memref_squeeze %dma_start3A_335 : memref<1x128x32xf32, #tpu.memory_space<vmem>> -> memref<128x32xf32, #tpu.memory_space<vmem>>
        %dma_start3A_337 = arith.constant 0 : i32
        %dma_start3A_338 = tpu.memref_slice %arg7[%add3A_207, %dma_start3A_337] : memref<160x128xi32, #tpu.memory_space<vmem>> -> memref<1x128xi32, #tpu.memory_space<vmem>>
        %dma_start3A_339 = tpu.memref_squeeze %dma_start3A_338 : memref<1x128xi32, #tpu.memory_space<vmem>> -> memref<128xi32, #tpu.memory_space<vmem>>
        %dma_start3A_340 = arith.constant 0 : i32
        %dma_start3A_341 = arith.constant 0 : i32
        %dma_start3A_342 = tpu.memref_slice %arg10[%dma_start3A_340, %dma_start3A_341] : memref<10240x32xf32, #tpu.memory_space<vmem_shared>> -> memref<10240x32xf32, #tpu.memory_space<vmem_shared>>
        tpu.enqueue_indirect_dma source(%dma_start3A_336 : memref<128x32xf32, #tpu.memory_space<vmem>>) target(%dma_start3A_342 : memref<10240x32xf32, #tpu.memory_space<vmem_shared>>) offsets(%dma_start3A_339 : memref<128xi32, #tpu.memory_space<vmem>>) semaphore(%run_scoped3A_332 : memref<!tpu.dma_semaphore, #tpu.memory_space<semaphore_mem>>) {add = true}
        %dma_wait3A_343 = arith.constant 0 : i32
        %dma_wait3A_344 = arith.constant 0 : i32
        %dma_wait3A_345 = tpu.memref_slice %arg8[%run_scoped3A_223, %dma_wait3A_343, %dma_wait3A_344] : memref<8x128x32xf32, #tpu.memory_space<vmem>> -> memref<1x128x32xf32, #tpu.memory_space<vmem>>
        %dma_wait3A_346 = tpu.memref_squeeze %dma_wait3A_345 : memref<1x128x32xf32, #tpu.memory_space<vmem>> -> memref<128x32xf32, #tpu.memory_space<vmem>>
        %dma_wait3A_347 = arith.constant 0 : i32
        %dma_wait3A_348 = tpu.memref_slice %arg7[%add3A_207, %dma_wait3A_347] : memref<160x128xi32, #tpu.memory_space<vmem>> -> memref<1x128xi32, #tpu.memory_space<vmem>>
        %dma_wait3A_349 = tpu.memref_squeeze %dma_wait3A_348 : memref<1x128xi32, #tpu.memory_space<vmem>> -> memref<128xi32, #tpu.memory_space<vmem>>
        %dma_wait3A_350 = arith.constant 0 : i32
        %dma_wait3A_351 = arith.constant 0 : i32
        %dma_wait3A_352 = tpu.memref_slice %arg10[%dma_wait3A_350, %dma_wait3A_351] : memref<10240x32xf32, #tpu.memory_space<vmem_shared>> -> memref<10240x32xf32, #tpu.memory_space<vmem_shared>>
        tpu.wait_indirect_dma semaphore(%run_scoped3A_332 : memref<!tpu.dma_semaphore, #tpu.memory_space<semaphore_mem>>) src(%dma_wait3A_346 : memref<128x32xf32, #tpu.memory_space<vmem>>) dst(%dma_wait3A_352 : memref<10240x32xf32, #tpu.memory_space<vmem_shared>>)
        tpu.yield
      }) : () -> ()
      %add3A_224 = arith.constant 8 : i32
      %add3A_225 = arith.addi %add3A_207, %add3A_224 : i32
      %lt3A_226 = arith.constant 160 : i32
      %lt3A_227 = arith.cmpi slt, %add3A_225, %lt3A_226 : i32
      %convert_element_type3A_228 = arith.extui %lt3A_227 : i1 to i32
      %cond3A_229 = arith.constant 0 : i32
      %cond3A_230 = arith.cmpi ne, %convert_element_type3A_228, %cond3A_229 : i32
      scf.if %cond3A_230 {
        %add3A_332 = arith.constant 8 : i32
        %add3A_333 = arith.addi %add3A_207, %add3A_332 : i32
        %dma_start3A_334 = arith.constant 3 : i32
        %dma_start3A_335 = arith.constant 0 : i32
        %dma_start3A_336 = arith.constant 0 : i32
        %dma_start3A_337 = tpu.memref_slice %arg8[%dma_start3A_334, %dma_start3A_335, %dma_start3A_336] : memref<8x128x32xf32, #tpu.memory_space<vmem>> -> memref<1x128x32xf32, #tpu.memory_space<vmem>>
        %dma_start3A_338 = tpu.memref_squeeze %dma_start3A_337 : memref<1x128x32xf32, #tpu.memory_space<vmem>> -> memref<128x32xf32, #tpu.memory_space<vmem>>
        %dma_start3A_339 = arith.constant 0 : i32
        %dma_start3A_340 = tpu.memref_slice %arg6[%add3A_333, %dma_start3A_339] : memref<160x128xi32, #tpu.memory_space<vmem>> -> memref<1x128xi32, #tpu.memory_space<vmem>>
        %dma_start3A_341 = tpu.memref_squeeze %dma_start3A_340 : memref<1x128xi32, #tpu.memory_space<vmem>> -> memref<128xi32, #tpu.memory_space<vmem>>
        %dma_start3A_342 = arith.constant 0 : i32
        %dma_start3A_343 = arith.constant 0 : i32
        %dma_start3A_344 = tpu.memref_slice %arg11[%dma_start3A_342, %dma_start3A_343] : memref<10240x32xf32, #tpu.memory_space<vmem_shared>> -> memref<10240x32xf32, #tpu.memory_space<vmem_shared>>
        tpu.enqueue_indirect_dma source(%dma_start3A_344 : memref<10240x32xf32, #tpu.memory_space<vmem_shared>>) target(%dma_start3A_338 : memref<128x32xf32, #tpu.memory_space<vmem>>) offsets(%dma_start3A_341 : memref<128xi32, #tpu.memory_space<vmem>>) semaphore(%arg15 : memref<!tpu.dma_semaphore, #tpu.memory_space<semaphore_mem>>)
      } else {
      }
      %add3A_231 = arith.constant 4 : i32
      %add3A_232 = arith.addi %mul3A_135, %add3A_231 : i32
      %dma_wait3A_233 = arith.constant 4 : i32
      %dma_wait3A_234 = arith.constant 0 : i32
      %dma_wait3A_235 = arith.constant 0 : i32
      %dma_wait3A_236 = tpu.memref_slice %arg8[%dma_wait3A_233, %dma_wait3A_234, %dma_wait3A_235] : memref<8x128x32xf32, #tpu.memory_space<vmem>> -> memref<1x128x32xf32, #tpu.memory_space<vmem>>
      %dma_wait3A_237 = tpu.memref_squeeze %dma_wait3A_236 : memref<1x128x32xf32, #tpu.memory_space<vmem>> -> memref<128x32xf32, #tpu.memory_space<vmem>>
      %dma_wait3A_238 = arith.constant 0 : i32
      %dma_wait3A_239 = arith.constant 0 : i32
      %dma_wait3A_240 = tpu.memref_slice %arg4[%dma_wait3A_238, %dma_wait3A_239] : memref<10240x32xf32, #tpu.memory_space<hbm>> -> memref<128x32xf32, #tpu.memory_space<hbm>>
      %dma_wait3A_241 = arith.constant 0 : i32
      %dma_wait3A_242 = arith.constant 0 : i32
      %dma_wait3A_243 = tpu.memref_slice %arg8[%dma_wait3A_233, %dma_wait3A_241, %dma_wait3A_242] : memref<8x128x32xf32, #tpu.memory_space<vmem>> -> memref<1x128x32xf32, #tpu.memory_space<vmem>>
      %dma_wait3A_244 = tpu.memref_squeeze %dma_wait3A_243 : memref<1x128x32xf32, #tpu.memory_space<vmem>> -> memref<128x32xf32, #tpu.memory_space<vmem>>
      %dma_wait3A_245 = arith.constant 0 : i32
      %dma_wait3A_246 = arith.constant 0 : i32
      %dma_wait3A_247 = tpu.memref_slice %arg4[%dma_wait3A_245, %dma_wait3A_246] : memref<10240x32xf32, #tpu.memory_space<hbm>> -> memref<128x32xf32, #tpu.memory_space<hbm>>
      tpu.wait_dma2 semaphore(%arg16 : memref<!tpu.dma_semaphore, #tpu.memory_space<semaphore_mem>>) src(%dma_wait3A_247 : memref<128x32xf32, #tpu.memory_space<hbm>>) dst(%dma_wait3A_244 : memref<128x32xf32, #tpu.memory_space<vmem>>)
      %run_scoped3A_248 = arith.constant 4 : i32
      "tpu.region"() ({
        %run_scoped3A_332 = tpu.sem_alloc : memref<!tpu.dma_semaphore, #tpu.memory_space<semaphore_mem>>
        %dma_start3A_333 = arith.constant 0 : i32
        %dma_start3A_334 = arith.constant 0 : i32
        %dma_start3A_335 = tpu.memref_slice %arg8[%run_scoped3A_248, %dma_start3A_333, %dma_start3A_334] : memref<8x128x32xf32, #tpu.memory_space<vmem>> -> memref<1x128x32xf32, #tpu.memory_space<vmem>>
        %dma_start3A_336 = tpu.memref_squeeze %dma_start3A_335 : memref<1x128x32xf32, #tpu.memory_space<vmem>> -> memref<128x32xf32, #tpu.memory_space<vmem>>
        %dma_start3A_337 = arith.constant 0 : i32
        %dma_start3A_338 = tpu.memref_slice %arg7[%add3A_232, %dma_start3A_337] : memref<160x128xi32, #tpu.memory_space<vmem>> -> memref<1x128xi32, #tpu.memory_space<vmem>>
        %dma_start3A_339 = tpu.memref_squeeze %dma_start3A_338 : memref<1x128xi32, #tpu.memory_space<vmem>> -> memref<128xi32, #tpu.memory_space<vmem>>
        %dma_start3A_340 = arith.constant 0 : i32
        %dma_start3A_341 = arith.constant 0 : i32
        %dma_start3A_342 = tpu.memref_slice %arg10[%dma_start3A_340, %dma_start3A_341] : memref<10240x32xf32, #tpu.memory_space<vmem_shared>> -> memref<10240x32xf32, #tpu.memory_space<vmem_shared>>
        tpu.enqueue_indirect_dma source(%dma_start3A_336 : memref<128x32xf32, #tpu.memory_space<vmem>>) target(%dma_start3A_342 : memref<10240x32xf32, #tpu.memory_space<vmem_shared>>) offsets(%dma_start3A_339 : memref<128xi32, #tpu.memory_space<vmem>>) semaphore(%run_scoped3A_332 : memref<!tpu.dma_semaphore, #tpu.memory_space<semaphore_mem>>) {add = true}
        %dma_wait3A_343 = arith.constant 0 : i32
        %dma_wait3A_344 = arith.constant 0 : i32
        %dma_wait3A_345 = tpu.memref_slice %arg8[%run_scoped3A_248, %dma_wait3A_343, %dma_wait3A_344] : memref<8x128x32xf32, #tpu.memory_space<vmem>> -> memref<1x128x32xf32, #tpu.memory_space<vmem>>
        %dma_wait3A_346 = tpu.memref_squeeze %dma_wait3A_345 : memref<1x128x32xf32, #tpu.memory_space<vmem>> -> memref<128x32xf32, #tpu.memory_space<vmem>>
        %dma_wait3A_347 = arith.constant 0 : i32
        %dma_wait3A_348 = tpu.memref_slice %arg7[%add3A_232, %dma_wait3A_347] : memref<160x128xi32, #tpu.memory_space<vmem>> -> memref<1x128xi32, #tpu.memory_space<vmem>>
        %dma_wait3A_349 = tpu.memref_squeeze %dma_wait3A_348 : memref<1x128xi32, #tpu.memory_space<vmem>> -> memref<128xi32, #tpu.memory_space<vmem>>
        %dma_wait3A_350 = arith.constant 0 : i32
        %dma_wait3A_351 = arith.constant 0 : i32
        %dma_wait3A_352 = tpu.memref_slice %arg10[%dma_wait3A_350, %dma_wait3A_351] : memref<10240x32xf32, #tpu.memory_space<vmem_shared>> -> memref<10240x32xf32, #tpu.memory_space<vmem_shared>>
        tpu.wait_indirect_dma semaphore(%run_scoped3A_332 : memref<!tpu.dma_semaphore, #tpu.memory_space<semaphore_mem>>) src(%dma_wait3A_346 : memref<128x32xf32, #tpu.memory_space<vmem>>) dst(%dma_wait3A_352 : memref<10240x32xf32, #tpu.memory_space<vmem_shared>>)
        tpu.yield
      }) : () -> ()
      %add3A_249 = arith.constant 8 : i32
      %add3A_250 = arith.addi %add3A_232, %add3A_249 : i32
      %lt3A_251 = arith.constant 160 : i32
      %lt3A_252 = arith.cmpi slt, %add3A_250, %lt3A_251 : i32
      %convert_element_type3A_253 = arith.extui %lt3A_252 : i1 to i32
      %cond3A_254 = arith.constant 0 : i32
      %cond3A_255 = arith.cmpi ne, %convert_element_type3A_253, %cond3A_254 : i32
      scf.if %cond3A_255 {
        %add3A_332 = arith.constant 8 : i32
        %add3A_333 = arith.addi %add3A_232, %add3A_332 : i32
        %dma_start3A_334 = arith.constant 4 : i32
        %dma_start3A_335 = arith.constant 0 : i32
        %dma_start3A_336 = arith.constant 0 : i32
        %dma_start3A_337 = tpu.memref_slice %arg8[%dma_start3A_334, %dma_start3A_335, %dma_start3A_336] : memref<8x128x32xf32, #tpu.memory_space<vmem>> -> memref<1x128x32xf32, #tpu.memory_space<vmem>>
        %dma_start3A_338 = tpu.memref_squeeze %dma_start3A_337 : memref<1x128x32xf32, #tpu.memory_space<vmem>> -> memref<128x32xf32, #tpu.memory_space<vmem>>
        %dma_start3A_339 = arith.constant 0 : i32
        %dma_start3A_340 = tpu.memref_slice %arg6[%add3A_333, %dma_start3A_339] : memref<160x128xi32, #tpu.memory_space<vmem>> -> memref<1x128xi32, #tpu.memory_space<vmem>>
        %dma_start3A_341 = tpu.memref_squeeze %dma_start3A_340 : memref<1x128xi32, #tpu.memory_space<vmem>> -> memref<128xi32, #tpu.memory_space<vmem>>
        %dma_start3A_342 = arith.constant 0 : i32
        %dma_start3A_343 = arith.constant 0 : i32
        %dma_start3A_344 = tpu.memref_slice %arg11[%dma_start3A_342, %dma_start3A_343] : memref<10240x32xf32, #tpu.memory_space<vmem_shared>> -> memref<10240x32xf32, #tpu.memory_space<vmem_shared>>
        tpu.enqueue_indirect_dma source(%dma_start3A_344 : memref<10240x32xf32, #tpu.memory_space<vmem_shared>>) target(%dma_start3A_338 : memref<128x32xf32, #tpu.memory_space<vmem>>) offsets(%dma_start3A_341 : memref<128xi32, #tpu.memory_space<vmem>>) semaphore(%arg16 : memref<!tpu.dma_semaphore, #tpu.memory_space<semaphore_mem>>)
      } else {
      }
      %add3A_256 = arith.constant 5 : i32
      %add3A_257 = arith.addi %mul3A_135, %add3A_256 : i32
      %dma_wait3A_258 = arith.constant 5 : i32
      %dma_wait3A_259 = arith.constant 0 : i32
      %dma_wait3A_260 = arith.constant 0 : i32
      %dma_wait3A_261 = tpu.memref_slice %arg8[%dma_wait3A_258, %dma_wait3A_259, %dma_wait3A_260] : memref<8x128x32xf32, #tpu.memory_space<vmem>> -> memref<1x128x32xf32, #tpu.memory_space<vmem>>
      %dma_wait3A_262 = tpu.memref_squeeze %dma_wait3A_261 : memref<1x128x32xf32, #tpu.memory_space<vmem>> -> memref<128x32xf32, #tpu.memory_space<vmem>>
      %dma_wait3A_263 = arith.constant 0 : i32
      %dma_wait3A_264 = arith.constant 0 : i32
      %dma_wait3A_265 = tpu.memref_slice %arg4[%dma_wait3A_263, %dma_wait3A_264] : memref<10240x32xf32, #tpu.memory_space<hbm>> -> memref<128x32xf32, #tpu.memory_space<hbm>>
      %dma_wait3A_266 = arith.constant 0 : i32
      %dma_wait3A_267 = arith.constant 0 : i32
      %dma_wait3A_268 = tpu.memref_slice %arg8[%dma_wait3A_258, %dma_wait3A_266, %dma_wait3A_267] : memref<8x128x32xf32, #tpu.memory_space<vmem>> -> memref<1x128x32xf32, #tpu.memory_space<vmem>>
      %dma_wait3A_269 = tpu.memref_squeeze %dma_wait3A_268 : memref<1x128x32xf32, #tpu.memory_space<vmem>> -> memref<128x32xf32, #tpu.memory_space<vmem>>
      %dma_wait3A_270 = arith.constant 0 : i32
      %dma_wait3A_271 = arith.constant 0 : i32
      %dma_wait3A_272 = tpu.memref_slice %arg4[%dma_wait3A_270, %dma_wait3A_271] : memref<10240x32xf32, #tpu.memory_space<hbm>> -> memref<128x32xf32, #tpu.memory_space<hbm>>
      tpu.wait_dma2 semaphore(%arg17 : memref<!tpu.dma_semaphore, #tpu.memory_space<semaphore_mem>>) src(%dma_wait3A_272 : memref<128x32xf32, #tpu.memory_space<hbm>>) dst(%dma_wait3A_269 : memref<128x32xf32, #tpu.memory_space<vmem>>)
      %run_scoped3A_273 = arith.constant 5 : i32
      "tpu.region"() ({
        %run_scoped3A_332 = tpu.sem_alloc : memref<!tpu.dma_semaphore, #tpu.memory_space<semaphore_mem>>
        %dma_start3A_333 = arith.constant 0 : i32
        %dma_start3A_334 = arith.constant 0 : i32
        %dma_start3A_335 = tpu.memref_slice %arg8[%run_scoped3A_273, %dma_start3A_333, %dma_start3A_334] : memref<8x128x32xf32, #tpu.memory_space<vmem>> -> memref<1x128x32xf32, #tpu.memory_space<vmem>>
        %dma_start3A_336 = tpu.memref_squeeze %dma_start3A_335 : memref<1x128x32xf32, #tpu.memory_space<vmem>> -> memref<128x32xf32, #tpu.memory_space<vmem>>
        %dma_start3A_337 = arith.constant 0 : i32
        %dma_start3A_338 = tpu.memref_slice %arg7[%add3A_257, %dma_start3A_337] : memref<160x128xi32, #tpu.memory_space<vmem>> -> memref<1x128xi32, #tpu.memory_space<vmem>>
        %dma_start3A_339 = tpu.memref_squeeze %dma_start3A_338 : memref<1x128xi32, #tpu.memory_space<vmem>> -> memref<128xi32, #tpu.memory_space<vmem>>
        %dma_start3A_340 = arith.constant 0 : i32
        %dma_start3A_341 = arith.constant 0 : i32
        %dma_start3A_342 = tpu.memref_slice %arg10[%dma_start3A_340, %dma_start3A_341] : memref<10240x32xf32, #tpu.memory_space<vmem_shared>> -> memref<10240x32xf32, #tpu.memory_space<vmem_shared>>
        tpu.enqueue_indirect_dma source(%dma_start3A_336 : memref<128x32xf32, #tpu.memory_space<vmem>>) target(%dma_start3A_342 : memref<10240x32xf32, #tpu.memory_space<vmem_shared>>) offsets(%dma_start3A_339 : memref<128xi32, #tpu.memory_space<vmem>>) semaphore(%run_scoped3A_332 : memref<!tpu.dma_semaphore, #tpu.memory_space<semaphore_mem>>) {add = true}
        %dma_wait3A_343 = arith.constant 0 : i32
        %dma_wait3A_344 = arith.constant 0 : i32
        %dma_wait3A_345 = tpu.memref_slice %arg8[%run_scoped3A_273, %dma_wait3A_343, %dma_wait3A_344] : memref<8x128x32xf32, #tpu.memory_space<vmem>> -> memref<1x128x32xf32, #tpu.memory_space<vmem>>
        %dma_wait3A_346 = tpu.memref_squeeze %dma_wait3A_345 : memref<1x128x32xf32, #tpu.memory_space<vmem>> -> memref<128x32xf32, #tpu.memory_space<vmem>>
        %dma_wait3A_347 = arith.constant 0 : i32
        %dma_wait3A_348 = tpu.memref_slice %arg7[%add3A_257, %dma_wait3A_347] : memref<160x128xi32, #tpu.memory_space<vmem>> -> memref<1x128xi32, #tpu.memory_space<vmem>>
        %dma_wait3A_349 = tpu.memref_squeeze %dma_wait3A_348 : memref<1x128xi32, #tpu.memory_space<vmem>> -> memref<128xi32, #tpu.memory_space<vmem>>
        %dma_wait3A_350 = arith.constant 0 : i32
        %dma_wait3A_351 = arith.constant 0 : i32
        %dma_wait3A_352 = tpu.memref_slice %arg10[%dma_wait3A_350, %dma_wait3A_351] : memref<10240x32xf32, #tpu.memory_space<vmem_shared>> -> memref<10240x32xf32, #tpu.memory_space<vmem_shared>>
        tpu.wait_indirect_dma semaphore(%run_scoped3A_332 : memref<!tpu.dma_semaphore, #tpu.memory_space<semaphore_mem>>) src(%dma_wait3A_346 : memref<128x32xf32, #tpu.memory_space<vmem>>) dst(%dma_wait3A_352 : memref<10240x32xf32, #tpu.memory_space<vmem_shared>>)
        tpu.yield
      }) : () -> ()
      %add3A_274 = arith.constant 8 : i32
      %add3A_275 = arith.addi %add3A_257, %add3A_274 : i32
      %lt3A_276 = arith.constant 160 : i32
      %lt3A_277 = arith.cmpi slt, %add3A_275, %lt3A_276 : i32
      %convert_element_type3A_278 = arith.extui %lt3A_277 : i1 to i32
      %cond3A_279 = arith.constant 0 : i32
      %cond3A_280 = arith.cmpi ne, %convert_element_type3A_278, %cond3A_279 : i32
      scf.if %cond3A_280 {
        %add3A_332 = arith.constant 8 : i32
        %add3A_333 = arith.addi %add3A_257, %add3A_332 : i32
        %dma_start3A_334 = arith.constant 5 : i32
        %dma_start3A_335 = arith.constant 0 : i32
        %dma_start3A_336 = arith.constant 0 : i32
        %dma_start3A_337 = tpu.memref_slice %arg8[%dma_start3A_334, %dma_start3A_335, %dma_start3A_336] : memref<8x128x32xf32, #tpu.memory_space<vmem>> -> memref<1x128x32xf32, #tpu.memory_space<vmem>>
        %dma_start3A_338 = tpu.memref_squeeze %dma_start3A_337 : memref<1x128x32xf32, #tpu.memory_space<vmem>> -> memref<128x32xf32, #tpu.memory_space<vmem>>
        %dma_start3A_339 = arith.constant 0 : i32
        %dma_start3A_340 = tpu.memref_slice %arg6[%add3A_333, %dma_start3A_339] : memref<160x128xi32, #tpu.memory_space<vmem>> -> memref<1x128xi32, #tpu.memory_space<vmem>>
        %dma_start3A_341 = tpu.memref_squeeze %dma_start3A_340 : memref<1x128xi32, #tpu.memory_space<vmem>> -> memref<128xi32, #tpu.memory_space<vmem>>
        %dma_start3A_342 = arith.constant 0 : i32
        %dma_start3A_343 = arith.constant 0 : i32
        %dma_start3A_344 = tpu.memref_slice %arg11[%dma_start3A_342, %dma_start3A_343] : memref<10240x32xf32, #tpu.memory_space<vmem_shared>> -> memref<10240x32xf32, #tpu.memory_space<vmem_shared>>
        tpu.enqueue_indirect_dma source(%dma_start3A_344 : memref<10240x32xf32, #tpu.memory_space<vmem_shared>>) target(%dma_start3A_338 : memref<128x32xf32, #tpu.memory_space<vmem>>) offsets(%dma_start3A_341 : memref<128xi32, #tpu.memory_space<vmem>>) semaphore(%arg17 : memref<!tpu.dma_semaphore, #tpu.memory_space<semaphore_mem>>)
      } else {
      }
      %add3A_281 = arith.constant 6 : i32
      %add3A_282 = arith.addi %mul3A_135, %add3A_281 : i32
      %dma_wait3A_283 = arith.constant 6 : i32
      %dma_wait3A_284 = arith.constant 0 : i32
      %dma_wait3A_285 = arith.constant 0 : i32
      %dma_wait3A_286 = tpu.memref_slice %arg8[%dma_wait3A_283, %dma_wait3A_284, %dma_wait3A_285] : memref<8x128x32xf32, #tpu.memory_space<vmem>> -> memref<1x128x32xf32, #tpu.memory_space<vmem>>
      %dma_wait3A_287 = tpu.memref_squeeze %dma_wait3A_286 : memref<1x128x32xf32, #tpu.memory_space<vmem>> -> memref<128x32xf32, #tpu.memory_space<vmem>>
      %dma_wait3A_288 = arith.constant 0 : i32
      %dma_wait3A_289 = arith.constant 0 : i32
      %dma_wait3A_290 = tpu.memref_slice %arg4[%dma_wait3A_288, %dma_wait3A_289] : memref<10240x32xf32, #tpu.memory_space<hbm>> -> memref<128x32xf32, #tpu.memory_space<hbm>>
      %dma_wait3A_291 = arith.constant 0 : i32
      %dma_wait3A_292 = arith.constant 0 : i32
      %dma_wait3A_293 = tpu.memref_slice %arg8[%dma_wait3A_283, %dma_wait3A_291, %dma_wait3A_292] : memref<8x128x32xf32, #tpu.memory_space<vmem>> -> memref<1x128x32xf32, #tpu.memory_space<vmem>>
      %dma_wait3A_294 = tpu.memref_squeeze %dma_wait3A_293 : memref<1x128x32xf32, #tpu.memory_space<vmem>> -> memref<128x32xf32, #tpu.memory_space<vmem>>
      %dma_wait3A_295 = arith.constant 0 : i32
      %dma_wait3A_296 = arith.constant 0 : i32
      %dma_wait3A_297 = tpu.memref_slice %arg4[%dma_wait3A_295, %dma_wait3A_296] : memref<10240x32xf32, #tpu.memory_space<hbm>> -> memref<128x32xf32, #tpu.memory_space<hbm>>
      tpu.wait_dma2 semaphore(%arg18 : memref<!tpu.dma_semaphore, #tpu.memory_space<semaphore_mem>>) src(%dma_wait3A_297 : memref<128x32xf32, #tpu.memory_space<hbm>>) dst(%dma_wait3A_294 : memref<128x32xf32, #tpu.memory_space<vmem>>)
      %run_scoped3A_298 = arith.constant 6 : i32
      "tpu.region"() ({
        %run_scoped3A_332 = tpu.sem_alloc : memref<!tpu.dma_semaphore, #tpu.memory_space<semaphore_mem>>
        %dma_start3A_333 = arith.constant 0 : i32
        %dma_start3A_334 = arith.constant 0 : i32
        %dma_start3A_335 = tpu.memref_slice %arg8[%run_scoped3A_298, %dma_start3A_333, %dma_start3A_334] : memref<8x128x32xf32, #tpu.memory_space<vmem>> -> memref<1x128x32xf32, #tpu.memory_space<vmem>>
        %dma_start3A_336 = tpu.memref_squeeze %dma_start3A_335 : memref<1x128x32xf32, #tpu.memory_space<vmem>> -> memref<128x32xf32, #tpu.memory_space<vmem>>
        %dma_start3A_337 = arith.constant 0 : i32
        %dma_start3A_338 = tpu.memref_slice %arg7[%add3A_282, %dma_start3A_337] : memref<160x128xi32, #tpu.memory_space<vmem>> -> memref<1x128xi32, #tpu.memory_space<vmem>>
        %dma_start3A_339 = tpu.memref_squeeze %dma_start3A_338 : memref<1x128xi32, #tpu.memory_space<vmem>> -> memref<128xi32, #tpu.memory_space<vmem>>
        %dma_start3A_340 = arith.constant 0 : i32
        %dma_start3A_341 = arith.constant 0 : i32
        %dma_start3A_342 = tpu.memref_slice %arg10[%dma_start3A_340, %dma_start3A_341] : memref<10240x32xf32, #tpu.memory_space<vmem_shared>> -> memref<10240x32xf32, #tpu.memory_space<vmem_shared>>
        tpu.enqueue_indirect_dma source(%dma_start3A_336 : memref<128x32xf32, #tpu.memory_space<vmem>>) target(%dma_start3A_342 : memref<10240x32xf32, #tpu.memory_space<vmem_shared>>) offsets(%dma_start3A_339 : memref<128xi32, #tpu.memory_space<vmem>>) semaphore(%run_scoped3A_332 : memref<!tpu.dma_semaphore, #tpu.memory_space<semaphore_mem>>) {add = true}
        %dma_wait3A_343 = arith.constant 0 : i32
        %dma_wait3A_344 = arith.constant 0 : i32
        %dma_wait3A_345 = tpu.memref_slice %arg8[%run_scoped3A_298, %dma_wait3A_343, %dma_wait3A_344] : memref<8x128x32xf32, #tpu.memory_space<vmem>> -> memref<1x128x32xf32, #tpu.memory_space<vmem>>
        %dma_wait3A_346 = tpu.memref_squeeze %dma_wait3A_345 : memref<1x128x32xf32, #tpu.memory_space<vmem>> -> memref<128x32xf32, #tpu.memory_space<vmem>>
        %dma_wait3A_347 = arith.constant 0 : i32
        %dma_wait3A_348 = tpu.memref_slice %arg7[%add3A_282, %dma_wait3A_347] : memref<160x128xi32, #tpu.memory_space<vmem>> -> memref<1x128xi32, #tpu.memory_space<vmem>>
        %dma_wait3A_349 = tpu.memref_squeeze %dma_wait3A_348 : memref<1x128xi32, #tpu.memory_space<vmem>> -> memref<128xi32, #tpu.memory_space<vmem>>
        %dma_wait3A_350 = arith.constant 0 : i32
        %dma_wait3A_351 = arith.constant 0 : i32
        %dma_wait3A_352 = tpu.memref_slice %arg10[%dma_wait3A_350, %dma_wait3A_351] : memref<10240x32xf32, #tpu.memory_space<vmem_shared>> -> memref<10240x32xf32, #tpu.memory_space<vmem_shared>>
        tpu.wait_indirect_dma semaphore(%run_scoped3A_332 : memref<!tpu.dma_semaphore, #tpu.memory_space<semaphore_mem>>) src(%dma_wait3A_346 : memref<128x32xf32, #tpu.memory_space<vmem>>) dst(%dma_wait3A_352 : memref<10240x32xf32, #tpu.memory_space<vmem_shared>>)
        tpu.yield
      }) : () -> ()
      %add3A_299 = arith.constant 8 : i32
      %add3A_300 = arith.addi %add3A_282, %add3A_299 : i32
      %lt3A_301 = arith.constant 160 : i32
      %lt3A_302 = arith.cmpi slt, %add3A_300, %lt3A_301 : i32
      %convert_element_type3A_303 = arith.extui %lt3A_302 : i1 to i32
      %cond3A_304 = arith.constant 0 : i32
      %cond3A_305 = arith.cmpi ne, %convert_element_type3A_303, %cond3A_304 : i32
      scf.if %cond3A_305 {
        %add3A_332 = arith.constant 8 : i32
        %add3A_333 = arith.addi %add3A_282, %add3A_332 : i32
        %dma_start3A_334 = arith.constant 6 : i32
        %dma_start3A_335 = arith.constant 0 : i32
        %dma_start3A_336 = arith.constant 0 : i32
        %dma_start3A_337 = tpu.memref_slice %arg8[%dma_start3A_334, %dma_start3A_335, %dma_start3A_336] : memref<8x128x32xf32, #tpu.memory_space<vmem>> -> memref<1x128x32xf32, #tpu.memory_space<vmem>>
        %dma_start3A_338 = tpu.memref_squeeze %dma_start3A_337 : memref<1x128x32xf32, #tpu.memory_space<vmem>> -> memref<128x32xf32, #tpu.memory_space<vmem>>
        %dma_start3A_339 = arith.constant 0 : i32
        %dma_start3A_340 = tpu.memref_slice %arg6[%add3A_333, %dma_start3A_339] : memref<160x128xi32, #tpu.memory_space<vmem>> -> memref<1x128xi32, #tpu.memory_space<vmem>>
        %dma_start3A_341 = tpu.memref_squeeze %dma_start3A_340 : memref<1x128xi32, #tpu.memory_space<vmem>> -> memref<128xi32, #tpu.memory_space<vmem>>
        %dma_start3A_342 = arith.constant 0 : i32
        %dma_start3A_343 = arith.constant 0 : i32
        %dma_start3A_344 = tpu.memref_slice %arg11[%dma_start3A_342, %dma_start3A_343] : memref<10240x32xf32, #tpu.memory_space<vmem_shared>> -> memref<10240x32xf32, #tpu.memory_space<vmem_shared>>
        tpu.enqueue_indirect_dma source(%dma_start3A_344 : memref<10240x32xf32, #tpu.memory_space<vmem_shared>>) target(%dma_start3A_338 : memref<128x32xf32, #tpu.memory_space<vmem>>) offsets(%dma_start3A_341 : memref<128xi32, #tpu.memory_space<vmem>>) semaphore(%arg18 : memref<!tpu.dma_semaphore, #tpu.memory_space<semaphore_mem>>)
      } else {
      }
      %add3A_306 = arith.constant 7 : i32
      %add3A_307 = arith.addi %mul3A_135, %add3A_306 : i32
      %dma_wait3A_308 = arith.constant 7 : i32
      %dma_wait3A_309 = arith.constant 0 : i32
      %dma_wait3A_310 = arith.constant 0 : i32
      %dma_wait3A_311 = tpu.memref_slice %arg8[%dma_wait3A_308, %dma_wait3A_309, %dma_wait3A_310] : memref<8x128x32xf32, #tpu.memory_space<vmem>> -> memref<1x128x32xf32, #tpu.memory_space<vmem>>
      %dma_wait3A_312 = tpu.memref_squeeze %dma_wait3A_311 : memref<1x128x32xf32, #tpu.memory_space<vmem>> -> memref<128x32xf32, #tpu.memory_space<vmem>>
      %dma_wait3A_313 = arith.constant 0 : i32
      %dma_wait3A_314 = arith.constant 0 : i32
      %dma_wait3A_315 = tpu.memref_slice %arg4[%dma_wait3A_313, %dma_wait3A_314] : memref<10240x32xf32, #tpu.memory_space<hbm>> -> memref<128x32xf32, #tpu.memory_space<hbm>>
      %dma_wait3A_316 = arith.constant 0 : i32
      %dma_wait3A_317 = arith.constant 0 : i32
      %dma_wait3A_318 = tpu.memref_slice %arg8[%dma_wait3A_308, %dma_wait3A_316, %dma_wait3A_317] : memref<8x128x32xf32, #tpu.memory_space<vmem>> -> memref<1x128x32xf32, #tpu.memory_space<vmem>>
      %dma_wait3A_319 = tpu.memref_squeeze %dma_wait3A_318 : memref<1x128x32xf32, #tpu.memory_space<vmem>> -> memref<128x32xf32, #tpu.memory_space<vmem>>
      %dma_wait3A_320 = arith.constant 0 : i32
      %dma_wait3A_321 = arith.constant 0 : i32
      %dma_wait3A_322 = tpu.memref_slice %arg4[%dma_wait3A_320, %dma_wait3A_321] : memref<10240x32xf32, #tpu.memory_space<hbm>> -> memref<128x32xf32, #tpu.memory_space<hbm>>
      tpu.wait_dma2 semaphore(%arg19 : memref<!tpu.dma_semaphore, #tpu.memory_space<semaphore_mem>>) src(%dma_wait3A_322 : memref<128x32xf32, #tpu.memory_space<hbm>>) dst(%dma_wait3A_319 : memref<128x32xf32, #tpu.memory_space<vmem>>)
      %run_scoped3A_323 = arith.constant 7 : i32
      "tpu.region"() ({
        %run_scoped3A_332 = tpu.sem_alloc : memref<!tpu.dma_semaphore, #tpu.memory_space<semaphore_mem>>
        %dma_start3A_333 = arith.constant 0 : i32
        %dma_start3A_334 = arith.constant 0 : i32
        %dma_start3A_335 = tpu.memref_slice %arg8[%run_scoped3A_323, %dma_start3A_333, %dma_start3A_334] : memref<8x128x32xf32, #tpu.memory_space<vmem>> -> memref<1x128x32xf32, #tpu.memory_space<vmem>>
        %dma_start3A_336 = tpu.memref_squeeze %dma_start3A_335 : memref<1x128x32xf32, #tpu.memory_space<vmem>> -> memref<128x32xf32, #tpu.memory_space<vmem>>
        %dma_start3A_337 = arith.constant 0 : i32
        %dma_start3A_338 = tpu.memref_slice %arg7[%add3A_307, %dma_start3A_337] : memref<160x128xi32, #tpu.memory_space<vmem>> -> memref<1x128xi32, #tpu.memory_space<vmem>>
        %dma_start3A_339 = tpu.memref_squeeze %dma_start3A_338 : memref<1x128xi32, #tpu.memory_space<vmem>> -> memref<128xi32, #tpu.memory_space<vmem>>
        %dma_start3A_340 = arith.constant 0 : i32
        %dma_start3A_341 = arith.constant 0 : i32
        %dma_start3A_342 = tpu.memref_slice %arg10[%dma_start3A_340, %dma_start3A_341] : memref<10240x32xf32, #tpu.memory_space<vmem_shared>> -> memref<10240x32xf32, #tpu.memory_space<vmem_shared>>
        tpu.enqueue_indirect_dma source(%dma_start3A_336 : memref<128x32xf32, #tpu.memory_space<vmem>>) target(%dma_start3A_342 : memref<10240x32xf32, #tpu.memory_space<vmem_shared>>) offsets(%dma_start3A_339 : memref<128xi32, #tpu.memory_space<vmem>>) semaphore(%run_scoped3A_332 : memref<!tpu.dma_semaphore, #tpu.memory_space<semaphore_mem>>) {add = true}
        %dma_wait3A_343 = arith.constant 0 : i32
        %dma_wait3A_344 = arith.constant 0 : i32
        %dma_wait3A_345 = tpu.memref_slice %arg8[%run_scoped3A_323, %dma_wait3A_343, %dma_wait3A_344] : memref<8x128x32xf32, #tpu.memory_space<vmem>> -> memref<1x128x32xf32, #tpu.memory_space<vmem>>
        %dma_wait3A_346 = tpu.memref_squeeze %dma_wait3A_345 : memref<1x128x32xf32, #tpu.memory_space<vmem>> -> memref<128x32xf32, #tpu.memory_space<vmem>>
        %dma_wait3A_347 = arith.constant 0 : i32
        %dma_wait3A_348 = tpu.memref_slice %arg7[%add3A_307, %dma_wait3A_347] : memref<160x128xi32, #tpu.memory_space<vmem>> -> memref<1x128xi32, #tpu.memory_space<vmem>>
        %dma_wait3A_349 = tpu.memref_squeeze %dma_wait3A_348 : memref<1x128xi32, #tpu.memory_space<vmem>> -> memref<128xi32, #tpu.memory_space<vmem>>
        %dma_wait3A_350 = arith.constant 0 : i32
        %dma_wait3A_351 = arith.constant 0 : i32
        %dma_wait3A_352 = tpu.memref_slice %arg10[%dma_wait3A_350, %dma_wait3A_351] : memref<10240x32xf32, #tpu.memory_space<vmem_shared>> -> memref<10240x32xf32, #tpu.memory_space<vmem_shared>>
        tpu.wait_indirect_dma semaphore(%run_scoped3A_332 : memref<!tpu.dma_semaphore, #tpu.memory_space<semaphore_mem>>) src(%dma_wait3A_346 : memref<128x32xf32, #tpu.memory_space<vmem>>) dst(%dma_wait3A_352 : memref<10240x32xf32, #tpu.memory_space<vmem_shared>>)
        tpu.yield
      }) : () -> ()
      %add3A_324 = arith.constant 8 : i32
      %add3A_325 = arith.addi %add3A_307, %add3A_324 : i32
      %lt3A_326 = arith.constant 160 : i32
      %lt3A_327 = arith.cmpi slt, %add3A_325, %lt3A_326 : i32
      %convert_element_type3A_328 = arith.extui %lt3A_327 : i1 to i32
      %cond3A_329 = arith.constant 0 : i32
      %cond3A_330 = arith.cmpi ne, %convert_element_type3A_328, %cond3A_329 : i32
      scf.if %cond3A_330 {
        %add3A_332 = arith.constant 8 : i32
        %add3A_333 = arith.addi %add3A_307, %add3A_332 : i32
        %dma_start3A_334 = arith.constant 7 : i32
        %dma_start3A_335 = arith.constant 0 : i32
        %dma_start3A_336 = arith.constant 0 : i32
        %dma_start3A_337 = tpu.memref_slice %arg8[%dma_start3A_334, %dma_start3A_335, %dma_start3A_336] : memref<8x128x32xf32, #tpu.memory_space<vmem>> -> memref<1x128x32xf32, #tpu.memory_space<vmem>>
        %dma_start3A_338 = tpu.memref_squeeze %dma_start3A_337 : memref<1x128x32xf32, #tpu.memory_space<vmem>> -> memref<128x32xf32, #tpu.memory_space<vmem>>
        %dma_start3A_339 = arith.constant 0 : i32
        %dma_start3A_340 = tpu.memref_slice %arg6[%add3A_333, %dma_start3A_339] : memref<160x128xi32, #tpu.memory_space<vmem>> -> memref<1x128xi32, #tpu.memory_space<vmem>>
        %dma_start3A_341 = tpu.memref_squeeze %dma_start3A_340 : memref<1x128xi32, #tpu.memory_space<vmem>> -> memref<128xi32, #tpu.memory_space<vmem>>
        %dma_start3A_342 = arith.constant 0 : i32
        %dma_start3A_343 = arith.constant 0 : i32
        %dma_start3A_344 = tpu.memref_slice %arg11[%dma_start3A_342, %dma_start3A_343] : memref<10240x32xf32, #tpu.memory_space<vmem_shared>> -> memref<10240x32xf32, #tpu.memory_space<vmem_shared>>
        tpu.enqueue_indirect_dma source(%dma_start3A_344 : memref<10240x32xf32, #tpu.memory_space<vmem_shared>>) target(%dma_start3A_338 : memref<128x32xf32, #tpu.memory_space<vmem>>) offsets(%dma_start3A_341 : memref<128xi32, #tpu.memory_space<vmem>>) semaphore(%arg19 : memref<!tpu.dma_semaphore, #tpu.memory_space<semaphore_mem>>)
      } else {
      }
      %scan3A_331 = arith.constant 0 : i32
      scf.yield %scan3A_331 : i32
    }
    %scan3A_123 = arith.constant 20 : i32
    %barrier3A_124 = arith.constant 0 : index
    tpu.barrier barrier_id(%barrier3A_124)
    %mul3A_125 = arith.constant 640 : i32
    %mul3A_126 = arith.muli %arg1, %mul3A_125 : i32
    %mul3A_127 = arith.constant 10240 : i32
    %mul3A_128 = arith.muli %arg0, %mul3A_127 : i32
    %mul3A_129 = arith.constant 640 : i32
    %mul3A_130 = arith.muli %arg1, %mul3A_129 : i32
    %add3A_131 = arith.addi %mul3A_128, %mul3A_130 : i32
    "tpu.region"() ({
      %run_scoped3A = tpu.sem_alloc : memref<!tpu.dma_semaphore, #tpu.memory_space<semaphore_mem>>
      %dma_start3A_132 = arith.constant 0 : i32
      %dma_start3A_133 = tpu.memref_slice %arg5[%add3A_131, %dma_start3A_132] : memref<20480x32xf32, #tpu.memory_space<hbm>> -> memref<640x32xf32, #tpu.memory_space<hbm>>
      %dma_start3A_134 = arith.constant 0 : i32
      %dma_start3A_135 = tpu.memref_slice %arg10[%mul3A_126, %dma_start3A_134] : memref<10240x32xf32, #tpu.memory_space<vmem_shared>> -> memref<640x32xf32, #tpu.memory_space<vmem_shared>>
      tpu.enqueue_dma source(%dma_start3A_135 : memref<640x32xf32, #tpu.memory_space<vmem_shared>>) target(%dma_start3A_133 : memref<640x32xf32, #tpu.memory_space<hbm>>) target_semaphore(%run_scoped3A : memref<!tpu.dma_semaphore, #tpu.memory_space<semaphore_mem>>)
      %dma_wait3A = arith.constant 0 : i32
      %dma_wait3A_136 = tpu.memref_slice %arg5[%add3A_131, %dma_wait3A] : memref<20480x32xf32, #tpu.memory_space<hbm>> -> memref<640x32xf32, #tpu.memory_space<hbm>>
      %dma_wait3A_137 = arith.constant 0 : i32
      %dma_wait3A_138 = tpu.memref_slice %arg10[%mul3A_126, %dma_wait3A_137] : memref<10240x32xf32, #tpu.memory_space<vmem_shared>> -> memref<640x32xf32, #tpu.memory_space<vmem_shared>>
      tpu.wait_dma2 semaphore(%run_scoped3A : memref<!tpu.dma_semaphore, #tpu.memory_space<semaphore_mem>>) src(%dma_wait3A_138 : memref<640x32xf32, #tpu.memory_space<vmem_shared>>) dst(%dma_wait3A_136 : memref<640x32xf32, #tpu.memory_space<hbm>>)
      tpu.yield
    }) : () -> ()
    return
  }
}

#map = affine_map<(d0, d1) -> (0, 0)>
module attributes {stable_mosaic.version = 14 : i64} {
  func.func @_hop_body(%arg0: i32, %arg1: i32, %arg2: memref<5120x128xi32, #tpu.memory_space<hbm>>, %arg3: memref<5120x128xi32, #tpu.memory_space<hbm>>, %arg4: memref<10240x32xf32, #tpu.memory_space<hbm>>, %arg5: memref<20480x32xf32, #tpu.memory_space<hbm>>, %arg6: memref<160x128xi32, #tpu.memory_space<vmem>>, %arg7: memref<160x128xi32, #tpu.memory_space<vmem>>, %arg8: memref<8x128x32xf32, #tpu.memory_space<vmem>>, %arg9: memref<64x32xf32, #tpu.memory_space<vmem>>, %arg10: memref<10240x32xf32, #tpu.memory_space<vmem_shared>>, %arg11: memref<10240x32xf32, #tpu.memory_space<vmem_shared>>, %arg12: memref<!tpu.dma_semaphore, #tpu.memory_space<semaphore_mem>>, %arg13: memref<!tpu.dma_semaphore, #tpu.memory_space<semaphore_mem>>, %arg14: memref<!tpu.dma_semaphore, #tpu.memory_space<semaphore_mem>>, %arg15: memref<!tpu.dma_semaphore, #tpu.memory_space<semaphore_mem>>, %arg16: memref<!tpu.dma_semaphore, #tpu.memory_space<semaphore_mem>>, %arg17: memref<!tpu.dma_semaphore, #tpu.memory_space<semaphore_mem>>, %arg18: memref<!tpu.dma_semaphore, #tpu.memory_space<semaphore_mem>>, %arg19: memref<!tpu.dma_semaphore, #tpu.memory_space<semaphore_mem>>) attributes {dimension_semantics = [#tpu.dimension_semantics<core_parallel>, #tpu.dimension_semantics<subcore_parallel>], iteration_bounds = array<i64: 2, 16>, scalar_prefetch = 0 : i64, scratch_operands = 14 : i64, tpu.core_type = #tpu.core_type<sc_vector_subcore>, window_params = [{transform_indices = #map}, {transform_indices = #map}, {transform_indices = #map}, {transform_indices = #map}]} {
    %mul3A = arith.constant 2 : i32
    %mul3A_0 = arith.muli %arg1, %mul3A : i32
    %add3A = arith.addi %mul3A_0, %arg0 : i32
    %scan3A = arith.constant 0 : i32
    %scan3A_1 = arith.constant 0 : i32
    %scan3A_2 = arith.constant 64 : i32
    %scan3A_3 = arith.addi %scan3A_1, %scan3A_2 : i32
    %scan3A_4 = arith.constant 1 : i32
    %scan3A_5 = scf.for %scan3A_132 = %scan3A_1 to %scan3A_3 step %scan3A_4 iter_args(%scan3A_133 = %scan3A) -> (i32)  : i32 {
      %broadcast_in_dim3A = arith.constant 0.000000e+00 : f32
      %broadcast_in_dim3A_134 = vector.broadcast %broadcast_in_dim3A : f32 to vector<16xf32>
      %swap3A = arith.index_cast %scan3A_132 : i32 to index
      %swap3A_135 = arith.constant 0 : index
      %swap3A_136 = tpu.vector_load %arg9[%swap3A, %swap3A_135] {strides = array<i32>} : memref<64x32xf32, #tpu.memory_space<vmem>>, vector<1x16xf32>,
      %swap3A_137 = vector.shape_cast %swap3A_136 : vector<1x16xf32> to vector<16xf32>
      %swap3A_138 = vector.shape_cast %broadcast_in_dim3A_134 : vector<16xf32> to vector<1x16xf32>
      tpu.vector_store %arg9[%swap3A, %swap3A_135], %swap3A_138 {strides = array<i32>} : memref<64x32xf32, #tpu.memory_space<vmem>>, vector<1x16xf32>,
      %broadcast_in_dim3A_139 = arith.constant 0.000000e+00 : f32
      %broadcast_in_dim3A_140 = vector.broadcast %broadcast_in_dim3A_139 : f32 to vector<16xf32>
      %swap3A_141 = arith.index_cast %scan3A_132 : i32 to index
      %swap3A_142 = arith.constant 16 : index
      %swap3A_143 = tpu.vector_load %arg9[%swap3A_141, %swap3A_142] {strides = array<i32>} : memref<64x32xf32, #tpu.memory_space<vmem>>, vector<1x16xf32>,
      %swap3A_144 = vector.shape_cast %swap3A_143 : vector<1x16xf32> to vector<16xf32>
      %swap3A_145 = vector.shape_cast %broadcast_in_dim3A_140 : vector<16xf32> to vector<1x16xf32>
      tpu.vector_store %arg9[%swap3A_141, %swap3A_142], %swap3A_145 {strides = array<i32>} : memref<64x32xf32, #tpu.memory_space<vmem>>, vector<1x16xf32>,
      %scan3A_146 = arith.constant 0 : i32
      scf.yield %scan3A_146 : i32
    }
    %scan3A_6 = arith.constant 64 : i32
    %scan3A_7 = arith.constant 0 : i32
    %scan3A_8 = arith.constant 0 : i32
    %scan3A_9 = arith.constant 10 : i32
    %scan3A_10 = arith.addi %scan3A_8, %scan3A_9 : i32
    %scan3A_11 = arith.constant 1 : i32
    %scan3A_12 = scf.for %scan3A_132 = %scan3A_8 to %scan3A_10 step %scan3A_11 iter_args(%scan3A_133 = %scan3A_7) -> (i32)  : i32 {
      %mul3A_134 = arith.constant 640 : i32
      %mul3A_135 = arith.muli %arg1, %mul3A_134 : i32
      %mul3A_136 = arith.constant 64 : i32
      %mul3A_137 = arith.muli %scan3A_132, %mul3A_136 : i32
      %add3A_138 = arith.addi %mul3A_135, %mul3A_137 : i32
      "tpu.region"() ({
        %run_scoped3A = tpu.sem_alloc : memref<!tpu.dma_semaphore, #tpu.memory_space<semaphore_mem>>
        %dma_start3A_140 = arith.constant 0 : i32
        %dma_start3A_141 = tpu.memref_slice %arg10[%add3A_138, %dma_start3A_140] : memref<10240x32xf32, #tpu.memory_space<vmem_shared>> -> memref<64x32xf32, #tpu.memory_space<vmem_shared>>
        %dma_start3A_142 = arith.constant 0 : i32
        %dma_start3A_143 = tpu.memref_slice %arg10[%add3A_138, %dma_start3A_142] : memref<10240x32xf32, #tpu.memory_space<vmem_shared>> -> memref<64x32xf32, #tpu.memory_space<vmem_shared>>
        tpu.enqueue_dma source(%arg9 : memref<64x32xf32, #tpu.memory_space<vmem>>) target(%dma_start3A_143 : memref<64x32xf32, #tpu.memory_space<vmem_shared>>) target_semaphore(%run_scoped3A : memref<!tpu.dma_semaphore, #tpu.memory_space<semaphore_mem>>)
        %dma_wait3A = arith.constant 0 : i32
        %dma_wait3A_144 = tpu.memref_slice %arg10[%add3A_138, %dma_wait3A] : memref<10240x32xf32, #tpu.memory_space<vmem_shared>> -> memref<64x32xf32, #tpu.memory_space<vmem_shared>>
        %dma_wait3A_145 = arith.constant 0 : i32
        %dma_wait3A_146 = tpu.memref_slice %arg10[%add3A_138, %dma_wait3A_145] : memref<10240x32xf32, #tpu.memory_space<vmem_shared>> -> memref<64x32xf32, #tpu.memory_space<vmem_shared>>
        tpu.wait_dma2 semaphore(%run_scoped3A : memref<!tpu.dma_semaphore, #tpu.memory_space<semaphore_mem>>) src(%arg9 : memref<64x32xf32, #tpu.memory_space<vmem>>) dst(%dma_wait3A_146 : memref<64x32xf32, #tpu.memory_space<vmem_shared>>)
        tpu.yield
      }) : () -> ()
      %scan3A_139 = arith.constant 0 : i32
      scf.yield %scan3A_139 : i32
    }
    %scan3A_13 = arith.constant 10 : i32
    %mul3A_14 = arith.constant 640 : i32
    %mul3A_15 = arith.muli %arg1, %mul3A_14 : i32
    %mul3A_16 = arith.constant 640 : i32
    %mul3A_17 = arith.muli %arg1, %mul3A_16 : i32
    "tpu.region"() ({
      %run_scoped3A = tpu.sem_alloc : memref<!tpu.dma_semaphore, #tpu.memory_space<semaphore_mem>>
      %dma_start3A_132 = arith.constant 0 : i32
      %dma_start3A_133 = tpu.memref_slice %arg11[%mul3A_17, %dma_start3A_132] : memref<10240x32xf32, #tpu.memory_space<vmem_shared>> -> memref<640x32xf32, #tpu.memory_space<vmem_shared>>
      %dma_start3A_134 = arith.constant 0 : i32
      %dma_start3A_135 = tpu.memref_slice %arg4[%mul3A_15, %dma_start3A_134] : memref<10240x32xf32, #tpu.memory_space<hbm>> -> memref<640x32xf32, #tpu.memory_space<hbm>>
      tpu.enqueue_dma source(%dma_start3A_135 : memref<640x32xf32, #tpu.memory_space<hbm>>) target(%dma_start3A_133 : memref<640x32xf32, #tpu.memory_space<vmem_shared>>) target_semaphore(%run_scoped3A : memref<!tpu.dma_semaphore, #tpu.memory_space<semaphore_mem>>)
      %dma_wait3A = arith.constant 0 : i32
      %dma_wait3A_136 = tpu.memref_slice %arg11[%mul3A_17, %dma_wait3A] : memref<10240x32xf32, #tpu.memory_space<vmem_shared>> -> memref<640x32xf32, #tpu.memory_space<vmem_shared>>
      %dma_wait3A_137 = arith.constant 0 : i32
      %dma_wait3A_138 = tpu.memref_slice %arg4[%mul3A_15, %dma_wait3A_137] : memref<10240x32xf32, #tpu.memory_space<hbm>> -> memref<640x32xf32, #tpu.memory_space<hbm>>
      tpu.wait_dma2 semaphore(%run_scoped3A : memref<!tpu.dma_semaphore, #tpu.memory_space<semaphore_mem>>) src(%dma_wait3A_138 : memref<640x32xf32, #tpu.memory_space<hbm>>) dst(%dma_wait3A_136 : memref<640x32xf32, #tpu.memory_space<vmem_shared>>)
      tpu.yield
    }) : () -> ()
    %mul3A_18 = arith.constant 160 : i32
    %mul3A_19 = arith.muli %add3A, %mul3A_18 : i32
    "tpu.region"() ({
      %run_scoped3A = tpu.sem_alloc : memref<!tpu.dma_semaphore, #tpu.memory_space<semaphore_mem>>
      %dma_start3A_132 = arith.constant 0 : i32
      %dma_start3A_133 = tpu.memref_slice %arg2[%mul3A_19, %dma_start3A_132] : memref<5120x128xi32, #tpu.memory_space<hbm>> -> memref<160x128xi32, #tpu.memory_space<hbm>>
      %dma_start3A_134 = arith.constant 0 : i32
      %dma_start3A_135 = tpu.memref_slice %arg2[%mul3A_19, %dma_start3A_134] : memref<5120x128xi32, #tpu.memory_space<hbm>> -> memref<160x128xi32, #tpu.memory_space<hbm>>
      tpu.enqueue_dma source(%dma_start3A_135 : memref<160x128xi32, #tpu.memory_space<hbm>>) target(%arg6 : memref<160x128xi32, #tpu.memory_space<vmem>>) target_semaphore(%run_scoped3A : memref<!tpu.dma_semaphore, #tpu.memory_space<semaphore_mem>>)
      %dma_wait3A = arith.constant 0 : i32
      %dma_wait3A_136 = tpu.memref_slice %arg2[%mul3A_19, %dma_wait3A] : memref<5120x128xi32, #tpu.memory_space<hbm>> -> memref<160x128xi32, #tpu.memory_space<hbm>>
      %dma_wait3A_137 = arith.constant 0 : i32
      %dma_wait3A_138 = tpu.memref_slice %arg2[%mul3A_19, %dma_wait3A_137] : memref<5120x128xi32, #tpu.memory_space<hbm>> -> memref<160x128xi32, #tpu.memory_space<hbm>>
      tpu.wait_dma2 semaphore(%run_scoped3A : memref<!tpu.dma_semaphore, #tpu.memory_space<semaphore_mem>>) src(%dma_wait3A_138 : memref<160x128xi32, #tpu.memory_space<hbm>>) dst(%arg6 : memref<160x128xi32, #tpu.memory_space<vmem>>)
      tpu.yield
    }) : () -> ()
    %mul3A_20 = arith.constant 160 : i32
    %mul3A_21 = arith.muli %add3A, %mul3A_20 : i32
    "tpu.region"() ({
      %run_scoped3A = tpu.sem_alloc : memref<!tpu.dma_semaphore, #tpu.memory_space<semaphore_mem>>
      %dma_start3A_132 = arith.constant 0 : i32
      %dma_start3A_133 = tpu.memref_slice %arg3[%mul3A_21, %dma_start3A_132] : memref<5120x128xi32, #tpu.memory_space<hbm>> -> memref<160x128xi32, #tpu.memory_space<hbm>>
      %dma_start3A_134 = arith.constant 0 : i32
      %dma_start3A_135 = tpu.memref_slice %arg3[%mul3A_21, %dma_start3A_134] : memref<5120x128xi32, #tpu.memory_space<hbm>> -> memref<160x128xi32, #tpu.memory_space<hbm>>
      tpu.enqueue_dma source(%dma_start3A_135 : memref<160x128xi32, #tpu.memory_space<hbm>>) target(%arg7 : memref<160x128xi32, #tpu.memory_space<vmem>>) target_semaphore(%run_scoped3A : memref<!tpu.dma_semaphore, #tpu.memory_space<semaphore_mem>>)
      %dma_wait3A = arith.constant 0 : i32
      %dma_wait3A_136 = tpu.memref_slice %arg3[%mul3A_21, %dma_wait3A] : memref<5120x128xi32, #tpu.memory_space<hbm>> -> memref<160x128xi32, #tpu.memory_space<hbm>>
      %dma_wait3A_137 = arith.constant 0 : i32
      %dma_wait3A_138 = tpu.memref_slice %arg3[%mul3A_21, %dma_wait3A_137] : memref<5120x128xi32, #tpu.memory_space<hbm>> -> memref<160x128xi32, #tpu.memory_space<hbm>>
      tpu.wait_dma2 semaphore(%run_scoped3A : memref<!tpu.dma_semaphore, #tpu.memory_space<semaphore_mem>>) src(%dma_wait3A_138 : memref<160x128xi32, #tpu.memory_space<hbm>>) dst(%arg7 : memref<160x128xi32, #tpu.memory_space<vmem>>)
      tpu.yield
    }) : () -> ()
    %barrier3A = arith.constant 0 : index
    tpu.barrier barrier_id(%barrier3A)
    %dma_start3A = arith.constant 0 : i32
    %dma_start3A_22 = arith.constant 0 : i32
    %dma_start3A_23 = arith.constant 0 : i32
    %dma_start3A_24 = arith.constant 0 : i32
    %dma_start3A_25 = tpu.memref_slice %arg8[%dma_start3A_22, %dma_start3A_23, %dma_start3A_24] : memref<8x128x32xf32, #tpu.memory_space<vmem>> -> memref<1x128x32xf32, #tpu.memory_space<vmem>>
    %dma_start3A_26 = tpu.memref_squeeze %dma_start3A_25 : memref<1x128x32xf32, #tpu.memory_space<vmem>> -> memref<128x32xf32, #tpu.memory_space<vmem>>
    %dma_start3A_27 = arith.constant 0 : i32
    %dma_start3A_28 = tpu.memref_slice %arg6[%dma_start3A, %dma_start3A_27] : memref<160x128xi32, #tpu.memory_space<vmem>> -> memref<1x128xi32, #tpu.memory_space<vmem>>
    %dma_start3A_29 = tpu.memref_squeeze %dma_start3A_28 : memref<1x128xi32, #tpu.memory_space<vmem>> -> memref<128xi32, #tpu.memory_space<vmem>>
    %dma_start3A_30 = arith.constant 0 : i32
    %dma_start3A_31 = arith.constant 0 : i32
    %dma_start3A_32 = tpu.memref_slice %arg11[%dma_start3A_30, %dma_start3A_31] : memref<10240x32xf32, #tpu.memory_space<vmem_shared>> -> memref<10240x32xf32, #tpu.memory_space<vmem_shared>>
    tpu.enqueue_indirect_dma source(%dma_start3A_32 : memref<10240x32xf32, #tpu.memory_space<vmem_shared>>) target(%dma_start3A_26 : memref<128x32xf32, #tpu.memory_space<vmem>>) offsets(%dma_start3A_29 : memref<128xi32, #tpu.memory_space<vmem>>) semaphore(%arg12 : memref<!tpu.dma_semaphore, #tpu.memory_space<semaphore_mem>>)
    %dma_start3A_33 = arith.constant 1 : i32
    %dma_start3A_34 = arith.constant 1 : i32
    %dma_start3A_35 = arith.constant 0 : i32
    %dma_start3A_36 = arith.constant 0 : i32
    %dma_start3A_37 = tpu.memref_slice %arg8[%dma_start3A_34, %dma_start3A_35, %dma_start3A_36] : memref<8x128x32xf32, #tpu.memory_space<vmem>> -> memref<1x128x32xf32, #tpu.memory_space<vmem>>
    %dma_start3A_38 = tpu.memref_squeeze %dma_start3A_37 : memref<1x128x32xf32, #tpu.memory_space<vmem>> -> memref<128x32xf32, #tpu.memory_space<vmem>>
    %dma_start3A_39 = arith.constant 0 : i32
    %dma_start3A_40 = tpu.memref_slice %arg6[%dma_start3A_33, %dma_start3A_39] : memref<160x128xi32, #tpu.memory_space<vmem>> -> memref<1x128xi32, #tpu.memory_space<vmem>>
    %dma_start3A_41 = tpu.memref_squeeze %dma_start3A_40 : memref<1x128xi32, #tpu.memory_space<vmem>> -> memref<128xi32, #tpu.memory_space<vmem>>
    %dma_start3A_42 = arith.constant 0 : i32
    %dma_start3A_43 = arith.constant 0 : i32
    %dma_start3A_44 = tpu.memref_slice %arg11[%dma_start3A_42, %dma_start3A_43] : memref<10240x32xf32, #tpu.memory_space<vmem_shared>> -> memref<10240x32xf32, #tpu.memory_space<vmem_shared>>
    tpu.enqueue_indirect_dma source(%dma_start3A_44 : memref<10240x32xf32, #tpu.memory_space<vmem_shared>>) target(%dma_start3A_38 : memref<128x32xf32, #tpu.memory_space<vmem>>) offsets(%dma_start3A_41 : memref<128xi32, #tpu.memory_space<vmem>>) semaphore(%arg13 : memref<!tpu.dma_semaphore, #tpu.memory_space<semaphore_mem>>)
    %dma_start3A_45 = arith.constant 2 : i32
    %dma_start3A_46 = arith.constant 2 : i32
    %dma_start3A_47 = arith.constant 0 : i32
    %dma_start3A_48 = arith.constant 0 : i32
    %dma_start3A_49 = tpu.memref_slice %arg8[%dma_start3A_46, %dma_start3A_47, %dma_start3A_48] : memref<8x128x32xf32, #tpu.memory_space<vmem>> -> memref<1x128x32xf32, #tpu.memory_space<vmem>>
    %dma_start3A_50 = tpu.memref_squeeze %dma_start3A_49 : memref<1x128x32xf32, #tpu.memory_space<vmem>> -> memref<128x32xf32, #tpu.memory_space<vmem>>
    %dma_start3A_51 = arith.constant 0 : i32
    %dma_start3A_52 = tpu.memref_slice %arg6[%dma_start3A_45, %dma_start3A_51] : memref<160x128xi32, #tpu.memory_space<vmem>> -> memref<1x128xi32, #tpu.memory_space<vmem>>
    %dma_start3A_53 = tpu.memref_squeeze %dma_start3A_52 : memref<1x128xi32, #tpu.memory_space<vmem>> -> memref<128xi32, #tpu.memory_space<vmem>>
    %dma_start3A_54 = arith.constant 0 : i32
    %dma_start3A_55 = arith.constant 0 : i32
    %dma_start3A_56 = tpu.memref_slice %arg11[%dma_start3A_54, %dma_start3A_55] : memref<10240x32xf32, #tpu.memory_space<vmem_shared>> -> memref<10240x32xf32, #tpu.memory_space<vmem_shared>>
    tpu.enqueue_indirect_dma source(%dma_start3A_56 : memref<10240x32xf32, #tpu.memory_space<vmem_shared>>) target(%dma_start3A_50 : memref<128x32xf32, #tpu.memory_space<vmem>>) offsets(%dma_start3A_53 : memref<128xi32, #tpu.memory_space<vmem>>) semaphore(%arg14 : memref<!tpu.dma_semaphore, #tpu.memory_space<semaphore_mem>>)
    %dma_start3A_57 = arith.constant 3 : i32
    %dma_start3A_58 = arith.constant 3 : i32
    %dma_start3A_59 = arith.constant 0 : i32
    %dma_start3A_60 = arith.constant 0 : i32
    %dma_start3A_61 = tpu.memref_slice %arg8[%dma_start3A_58, %dma_start3A_59, %dma_start3A_60] : memref<8x128x32xf32, #tpu.memory_space<vmem>> -> memref<1x128x32xf32, #tpu.memory_space<vmem>>
    %dma_start3A_62 = tpu.memref_squeeze %dma_start3A_61 : memref<1x128x32xf32, #tpu.memory_space<vmem>> -> memref<128x32xf32, #tpu.memory_space<vmem>>
    %dma_start3A_63 = arith.constant 0 : i32
    %dma_start3A_64 = tpu.memref_slice %arg6[%dma_start3A_57, %dma_start3A_63] : memref<160x128xi32, #tpu.memory_space<vmem>> -> memref<1x128xi32, #tpu.memory_space<vmem>>
    %dma_start3A_65 = tpu.memref_squeeze %dma_start3A_64 : memref<1x128xi32, #tpu.memory_space<vmem>> -> memref<128xi32, #tpu.memory_space<vmem>>
    %dma_start3A_66 = arith.constant 0 : i32
    %dma_start3A_67 = arith.constant 0 : i32
    %dma_start3A_68 = tpu.memref_slice %arg11[%dma_start3A_66, %dma_start3A_67] : memref<10240x32xf32, #tpu.memory_space<vmem_shared>> -> memref<10240x32xf32, #tpu.memory_space<vmem_shared>>
    tpu.enqueue_indirect_dma source(%dma_start3A_68 : memref<10240x32xf32, #tpu.memory_space<vmem_shared>>) target(%dma_start3A_62 : memref<128x32xf32, #tpu.memory_space<vmem>>) offsets(%dma_start3A_65 : memref<128xi32, #tpu.memory_space<vmem>>) semaphore(%arg15 : memref<!tpu.dma_semaphore, #tpu.memory_space<semaphore_mem>>)
    %dma_start3A_69 = arith.constant 4 : i32
    %dma_start3A_70 = arith.constant 4 : i32
    %dma_start3A_71 = arith.constant 0 : i32
    %dma_start3A_72 = arith.constant 0 : i32
    %dma_start3A_73 = tpu.memref_slice %arg8[%dma_start3A_70, %dma_start3A_71, %dma_start3A_72] : memref<8x128x32xf32, #tpu.memory_space<vmem>> -> memref<1x128x32xf32, #tpu.memory_space<vmem>>
    %dma_start3A_74 = tpu.memref_squeeze %dma_start3A_73 : memref<1x128x32xf32, #tpu.memory_space<vmem>> -> memref<128x32xf32, #tpu.memory_space<vmem>>
    %dma_start3A_75 = arith.constant 0 : i32
    %dma_start3A_76 = tpu.memref_slice %arg6[%dma_start3A_69, %dma_start3A_75] : memref<160x128xi32, #tpu.memory_space<vmem>> -> memref<1x128xi32, #tpu.memory_space<vmem>>
    %dma_start3A_77 = tpu.memref_squeeze %dma_start3A_76 : memref<1x128xi32, #tpu.memory_space<vmem>> -> memref<128xi32, #tpu.memory_space<vmem>>
    %dma_start3A_78 = arith.constant 0 : i32
    %dma_start3A_79 = arith.constant 0 : i32
    %dma_start3A_80 = tpu.memref_slice %arg11[%dma_start3A_78, %dma_start3A_79] : memref<10240x32xf32, #tpu.memory_space<vmem_shared>> -> memref<10240x32xf32, #tpu.memory_space<vmem_shared>>
    tpu.enqueue_indirect_dma source(%dma_start3A_80 : memref<10240x32xf32, #tpu.memory_space<vmem_shared>>) target(%dma_start3A_74 : memref<128x32xf32, #tpu.memory_space<vmem>>) offsets(%dma_start3A_77 : memref<128xi32, #tpu.memory_space<vmem>>) semaphore(%arg16 : memref<!tpu.dma_semaphore, #tpu.memory_space<semaphore_mem>>)
    %dma_start3A_81 = arith.constant 5 : i32
    %dma_start3A_82 = arith.constant 5 : i32
    %dma_start3A_83 = arith.constant 0 : i32
    %dma_start3A_84 = arith.constant 0 : i32
    %dma_start3A_85 = tpu.memref_slice %arg8[%dma_start3A_82, %dma_start3A_83, %dma_start3A_84] : memref<8x128x32xf32, #tpu.memory_space<vmem>> -> memref<1x128x32xf32, #tpu.memory_space<vmem>>
    %dma_start3A_86 = tpu.memref_squeeze %dma_start3A_85 : memref<1x128x32xf32, #tpu.memory_space<vmem>> -> memref<128x32xf32, #tpu.memory_space<vmem>>
    %dma_start3A_87 = arith.constant 0 : i32
    %dma_start3A_88 = tpu.memref_slice %arg6[%dma_start3A_81, %dma_start3A_87] : memref<160x128xi32, #tpu.memory_space<vmem>> -> memref<1x128xi32, #tpu.memory_space<vmem>>
    %dma_start3A_89 = tpu.memref_squeeze %dma_start3A_88 : memref<1x128xi32, #tpu.memory_space<vmem>> -> memref<128xi32, #tpu.memory_space<vmem>>
    %dma_start3A_90 = arith.constant 0 : i32
    %dma_start3A_91 = arith.constant 0 : i32
    %dma_start3A_92 = tpu.memref_slice %arg11[%dma_start3A_90, %dma_start3A_91] : memref<10240x32xf32, #tpu.memory_space<vmem_shared>> -> memref<10240x32xf32, #tpu.memory_space<vmem_shared>>
    tpu.enqueue_indirect_dma source(%dma_start3A_92 : memref<10240x32xf32, #tpu.memory_space<vmem_shared>>) target(%dma_start3A_86 : memref<128x32xf32, #tpu.memory_space<vmem>>) offsets(%dma_start3A_89 : memref<128xi32, #tpu.memory_space<vmem>>) semaphore(%arg17 : memref<!tpu.dma_semaphore, #tpu.memory_space<semaphore_mem>>)
    %dma_start3A_93 = arith.constant 6 : i32
    %dma_start3A_94 = arith.constant 6 : i32
    %dma_start3A_95 = arith.constant 0 : i32
    %dma_start3A_96 = arith.constant 0 : i32
    %dma_start3A_97 = tpu.memref_slice %arg8[%dma_start3A_94, %dma_start3A_95, %dma_start3A_96] : memref<8x128x32xf32, #tpu.memory_space<vmem>> -> memref<1x128x32xf32, #tpu.memory_space<vmem>>
    %dma_start3A_98 = tpu.memref_squeeze %dma_start3A_97 : memref<1x128x32xf32, #tpu.memory_space<vmem>> -> memref<128x32xf32, #tpu.memory_space<vmem>>
    %dma_start3A_99 = arith.constant 0 : i32
    %dma_start3A_100 = tpu.memref_slice %arg6[%dma_start3A_93, %dma_start3A_99] : memref<160x128xi32, #tpu.memory_space<vmem>> -> memref<1x128xi32, #tpu.memory_space<vmem>>
    %dma_start3A_101 = tpu.memref_squeeze %dma_start3A_100 : memref<1x128xi32, #tpu.memory_space<vmem>> -> memref<128xi32, #tpu.memory_space<vmem>>
    %dma_start3A_102 = arith.constant 0 : i32
    %dma_start3A_103 = arith.constant 0 : i32
    %dma_start3A_104 = tpu.memref_slice %arg11[%dma_start3A_102, %dma_start3A_103] : memref<10240x32xf32, #tpu.memory_space<vmem_shared>> -> memref<10240x32xf32, #tpu.memory_space<vmem_shared>>
    tpu.enqueue_indirect_dma source(%dma_start3A_104 : memref<10240x32xf32, #tpu.memory_space<vmem_shared>>) target(%dma_start3A_98 : memref<128x32xf32, #tpu.memory_space<vmem>>) offsets(%dma_start3A_101 : memref<128xi32, #tpu.memory_space<vmem>>) semaphore(%arg18 : memref<!tpu.dma_semaphore, #tpu.memory_space<semaphore_mem>>)
    %dma_start3A_105 = arith.constant 7 : i32
    %dma_start3A_106 = arith.constant 7 : i32
    %dma_start3A_107 = arith.constant 0 : i32
    %dma_start3A_108 = arith.constant 0 : i32
    %dma_start3A_109 = tpu.memref_slice %arg8[%dma_start3A_106, %dma_start3A_107, %dma_start3A_108] : memref<8x128x32xf32, #tpu.memory_space<vmem>> -> memref<1x128x32xf32, #tpu.memory_space<vmem>>
    %dma_start3A_110 = tpu.memref_squeeze %dma_start3A_109 : memref<1x128x32xf32, #tpu.memory_space<vmem>> -> memref<128x32xf32, #tpu.memory_space<vmem>>
    %dma_start3A_111 = arith.constant 0 : i32
    %dma_start3A_112 = tpu.memref_slice %arg6[%dma_start3A_105, %dma_start3A_111] : memref<160x128xi32, #tpu.memory_space<vmem>> -> memref<1x128xi32, #tpu.memory_space<vmem>>
    %dma_start3A_113 = tpu.memref_squeeze %dma_start3A_112 : memref<1x128xi32, #tpu.memory_space<vmem>> -> memref<128xi32, #tpu.memory_space<vmem>>
    %dma_start3A_114 = arith.constant 0 : i32
    %dma_start3A_115 = arith.constant 0 : i32
    %dma_start3A_116 = tpu.memref_slice %arg11[%dma_start3A_114, %dma_start3A_115] : memref<10240x32xf32, #tpu.memory_space<vmem_shared>> -> memref<10240x32xf32, #tpu.memory_space<vmem_shared>>
    tpu.enqueue_indirect_dma source(%dma_start3A_116 : memref<10240x32xf32, #tpu.memory_space<vmem_shared>>) target(%dma_start3A_110 : memref<128x32xf32, #tpu.memory_space<vmem>>) offsets(%dma_start3A_113 : memref<128xi32, #tpu.memory_space<vmem>>) semaphore(%arg19 : memref<!tpu.dma_semaphore, #tpu.memory_space<semaphore_mem>>)
    %scan3A_117 = arith.constant 0 : i32
    %scan3A_118 = arith.constant 0 : i32
    %scan3A_119 = arith.constant 20 : i32
    %scan3A_120 = arith.addi %scan3A_118, %scan3A_119 : i32
    %scan3A_121 = arith.constant 1 : i32
    %scan3A_122 = scf.for %scan3A_132 = %scan3A_118 to %scan3A_120 step %scan3A_121 iter_args(%scan3A_133 = %scan3A_117) -> (i32)  : i32 {
      %mul3A_134 = arith.constant 8 : i32
      %mul3A_135 = arith.muli %scan3A_132, %mul3A_134 : i32
      %add3A_136 = arith.constant 0 : i32
      %add3A_137 = arith.addi %mul3A_135, %add3A_136 : i32
      %dma_wait3A = arith.constant 0 : i32
      %dma_wait3A_138 = arith.constant 0 : i32
      %dma_wait3A_139 = arith.constant 0 : i32
      %dma_wait3A_140 = tpu.memref_slice %arg8[%dma_wait3A, %dma_wait3A_138, %dma_wait3A_139] : memref<8x128x32xf32, #tpu.memory_space<vmem>> -> memref<1x128x32xf32, #tpu.memory_space<vmem>>
      %dma_wait3A_141 = tpu.memref_squeeze %dma_wait3A_140 : memref<1x128x32xf32, #tpu.memory_space<vmem>> -> memref<128x32xf32, #tpu.memory_space<vmem>>
      %dma_wait3A_142 = arith.constant 0 : i32
      %dma_wait3A_143 = arith.constant 0 : i32
      %dma_wait3A_144 = tpu.memref_slice %arg4[%dma_wait3A_142, %dma_wait3A_143] : memref<10240x32xf32, #tpu.memory_space<hbm>> -> memref<128x32xf32, #tpu.memory_space<hbm>>
      %dma_wait3A_145 = arith.constant 0 : i32
      %dma_wait3A_146 = arith.constant 0 : i32
      %dma_wait3A_147 = tpu.memref_slice %arg8[%dma_wait3A, %dma_wait3A_145, %dma_wait3A_146] : memref<8x128x32xf32, #tpu.memory_space<vmem>> -> memref<1x128x32xf32, #tpu.memory_space<vmem>>
      %dma_wait3A_148 = tpu.memref_squeeze %dma_wait3A_147 : memref<1x128x32xf32, #tpu.memory_space<vmem>> -> memref<128x32xf32, #tpu.memory_space<vmem>>
      %dma_wait3A_149 = arith.constant 0 : i32
      %dma_wait3A_150 = arith.constant 0 : i32
      %dma_wait3A_151 = tpu.memref_slice %arg4[%dma_wait3A_149, %dma_wait3A_150] : memref<10240x32xf32, #tpu.memory_space<hbm>> -> memref<128x32xf32, #tpu.memory_space<hbm>>
      tpu.wait_dma2 semaphore(%arg12 : memref<!tpu.dma_semaphore, #tpu.memory_space<semaphore_mem>>) src(%dma_wait3A_151 : memref<128x32xf32, #tpu.memory_space<hbm>>) dst(%dma_wait3A_148 : memref<128x32xf32, #tpu.memory_space<vmem>>)
      %run_scoped3A = arith.constant 0 : i32
      "tpu.region"() ({
        %run_scoped3A_332 = tpu.sem_alloc : memref<!tpu.dma_semaphore, #tpu.memory_space<semaphore_mem>>
        %dma_start3A_333 = arith.constant 0 : i32
        %dma_start3A_334 = arith.constant 0 : i32
        %dma_start3A_335 = tpu.memref_slice %arg8[%run_scoped3A, %dma_start3A_333, %dma_start3A_334] : memref<8x128x32xf32, #tpu.memory_space<vmem>> -> memref<1x128x32xf32, #tpu.memory_space<vmem>>
        %dma_start3A_336 = tpu.memref_squeeze %dma_start3A_335 : memref<1x128x32xf32, #tpu.memory_space<vmem>> -> memref<128x32xf32, #tpu.memory_space<vmem>>
        %dma_start3A_337 = arith.constant 0 : i32
        %dma_start3A_338 = tpu.memref_slice %arg7[%add3A_137, %dma_start3A_337] : memref<160x128xi32, #tpu.memory_space<vmem>> -> memref<1x128xi32, #tpu.memory_space<vmem>>
        %dma_start3A_339 = tpu.memref_squeeze %dma_start3A_338 : memref<1x128xi32, #tpu.memory_space<vmem>> -> memref<128xi32, #tpu.memory_space<vmem>>
        %dma_start3A_340 = arith.constant 0 : i32
        %dma_start3A_341 = arith.constant 0 : i32
        %dma_start3A_342 = tpu.memref_slice %arg10[%dma_start3A_340, %dma_start3A_341] : memref<10240x32xf32, #tpu.memory_space<vmem_shared>> -> memref<10240x32xf32, #tpu.memory_space<vmem_shared>>
        tpu.enqueue_indirect_dma source(%dma_start3A_336 : memref<128x32xf32, #tpu.memory_space<vmem>>) target(%dma_start3A_342 : memref<10240x32xf32, #tpu.memory_space<vmem_shared>>) offsets(%dma_start3A_339 : memref<128xi32, #tpu.memory_space<vmem>>) semaphore(%run_scoped3A_332 : memref<!tpu.dma_semaphore, #tpu.memory_space<semaphore_mem>>) {add = true}
        %dma_wait3A_343 = arith.constant 0 : i32
        %dma_wait3A_344 = arith.constant 0 : i32
        %dma_wait3A_345 = tpu.memref_slice %arg8[%run_scoped3A, %dma_wait3A_343, %dma_wait3A_344] : memref<8x128x32xf32, #tpu.memory_space<vmem>> -> memref<1x128x32xf32, #tpu.memory_space<vmem>>
        %dma_wait3A_346 = tpu.memref_squeeze %dma_wait3A_345 : memref<1x128x32xf32, #tpu.memory_space<vmem>> -> memref<128x32xf32, #tpu.memory_space<vmem>>
        %dma_wait3A_347 = arith.constant 0 : i32
        %dma_wait3A_348 = tpu.memref_slice %arg7[%add3A_137, %dma_wait3A_347] : memref<160x128xi32, #tpu.memory_space<vmem>> -> memref<1x128xi32, #tpu.memory_space<vmem>>
        %dma_wait3A_349 = tpu.memref_squeeze %dma_wait3A_348 : memref<1x128xi32, #tpu.memory_space<vmem>> -> memref<128xi32, #tpu.memory_space<vmem>>
        %dma_wait3A_350 = arith.constant 0 : i32
        %dma_wait3A_351 = arith.constant 0 : i32
        %dma_wait3A_352 = tpu.memref_slice %arg10[%dma_wait3A_350, %dma_wait3A_351] : memref<10240x32xf32, #tpu.memory_space<vmem_shared>> -> memref<10240x32xf32, #tpu.memory_space<vmem_shared>>
        tpu.wait_indirect_dma semaphore(%run_scoped3A_332 : memref<!tpu.dma_semaphore, #tpu.memory_space<semaphore_mem>>) src(%dma_wait3A_346 : memref<128x32xf32, #tpu.memory_space<vmem>>) dst(%dma_wait3A_352 : memref<10240x32xf32, #tpu.memory_space<vmem_shared>>)
        tpu.yield
      }) : () -> ()
      %add3A_152 = arith.constant 8 : i32
      %add3A_153 = arith.addi %add3A_137, %add3A_152 : i32
      %lt3A = arith.constant 160 : i32
      %lt3A_154 = arith.cmpi slt, %add3A_153, %lt3A : i32
      %convert_element_type3A = arith.extui %lt3A_154 : i1 to i32
      %cond3A = arith.constant 0 : i32
      %cond3A_155 = arith.cmpi ne, %convert_element_type3A, %cond3A : i32
      scf.if %cond3A_155 {
        %add3A_332 = arith.constant 8 : i32
        %add3A_333 = arith.addi %add3A_137, %add3A_332 : i32
        %dma_start3A_334 = arith.constant 0 : i32
        %dma_start3A_335 = arith.constant 0 : i32
        %dma_start3A_336 = arith.constant 0 : i32
        %dma_start3A_337 = tpu.memref_slice %arg8[%dma_start3A_334, %dma_start3A_335, %dma_start3A_336] : memref<8x128x32xf32, #tpu.memory_space<vmem>> -> memref<1x128x32xf32, #tpu.memory_space<vmem>>
        %dma_start3A_338 = tpu.memref_squeeze %dma_start3A_337 : memref<1x128x32xf32, #tpu.memory_space<vmem>> -> memref<128x32xf32, #tpu.memory_space<vmem>>
        %dma_start3A_339 = arith.constant 0 : i32
        %dma_start3A_340 = tpu.memref_slice %arg6[%add3A_333, %dma_start3A_339] : memref<160x128xi32, #tpu.memory_space<vmem>> -> memref<1x128xi32, #tpu.memory_space<vmem>>
        %dma_start3A_341 = tpu.memref_squeeze %dma_start3A_340 : memref<1x128xi32, #tpu.memory_space<vmem>> -> memref<128xi32, #tpu.memory_space<vmem>>
        %dma_start3A_342 = arith.constant 0 : i32
        %dma_start3A_343 = arith.constant 0 : i32
        %dma_start3A_344 = tpu.memref_slice %arg11[%dma_start3A_342, %dma_start3A_343] : memref<10240x32xf32, #tpu.memory_space<vmem_shared>> -> memref<10240x32xf32, #tpu.memory_space<vmem_shared>>
        tpu.enqueue_indirect_dma source(%dma_start3A_344 : memref<10240x32xf32, #tpu.memory_space<vmem_shared>>) target(%dma_start3A_338 : memref<128x32xf32, #tpu.memory_space<vmem>>) offsets(%dma_start3A_341 : memref<128xi32, #tpu.memory_space<vmem>>) semaphore(%arg12 : memref<!tpu.dma_semaphore, #tpu.memory_space<semaphore_mem>>)
      } else {
      }
      %add3A_156 = arith.constant 1 : i32
      %add3A_157 = arith.addi %mul3A_135, %add3A_156 : i32
      %dma_wait3A_158 = arith.constant 1 : i32
      %dma_wait3A_159 = arith.constant 0 : i32
      %dma_wait3A_160 = arith.constant 0 : i32
      %dma_wait3A_161 = tpu.memref_slice %arg8[%dma_wait3A_158, %dma_wait3A_159, %dma_wait3A_160] : memref<8x128x32xf32, #tpu.memory_space<vmem>> -> memref<1x128x32xf32, #tpu.memory_space<vmem>>
      %dma_wait3A_162 = tpu.memref_squeeze %dma_wait3A_161 : memref<1x128x32xf32, #tpu.memory_space<vmem>> -> memref<128x32xf32, #tpu.memory_space<vmem>>
      %dma_wait3A_163 = arith.constant 0 : i32
      %dma_wait3A_164 = arith.constant 0 : i32
      %dma_wait3A_165 = tpu.memref_slice %arg4[%dma_wait3A_163, %dma_wait3A_164] : memref<10240x32xf32, #tpu.memory_space<hbm>> -> memref<128x32xf32, #tpu.memory_space<hbm>>
      %dma_wait3A_166 = arith.constant 0 : i32
      %dma_wait3A_167 = arith.constant 0 : i32
      %dma_wait3A_168 = tpu.memref_slice %arg8[%dma_wait3A_158, %dma_wait3A_166, %dma_wait3A_167] : memref<8x128x32xf32, #tpu.memory_space<vmem>> -> memref<1x128x32xf32, #tpu.memory_space<vmem>>
      %dma_wait3A_169 = tpu.memref_squeeze %dma_wait3A_168 : memref<1x128x32xf32, #tpu.memory_space<vmem>> -> memref<128x32xf32, #tpu.memory_space<vmem>>
      %dma_wait3A_170 = arith.constant 0 : i32
      %dma_wait3A_171 = arith.constant 0 : i32
      %dma_wait3A_172 = tpu.memref_slice %arg4[%dma_wait3A_170, %dma_wait3A_171] : memref<10240x32xf32, #tpu.memory_space<hbm>> -> memref<128x32xf32, #tpu.memory_space<hbm>>
      tpu.wait_dma2 semaphore(%arg13 : memref<!tpu.dma_semaphore, #tpu.memory_space<semaphore_mem>>) src(%dma_wait3A_172 : memref<128x32xf32, #tpu.memory_space<hbm>>) dst(%dma_wait3A_169 : memref<128x32xf32, #tpu.memory_space<vmem>>)
      %run_scoped3A_173 = arith.constant 1 : i32
      "tpu.region"() ({
        %run_scoped3A_332 = tpu.sem_alloc : memref<!tpu.dma_semaphore, #tpu.memory_space<semaphore_mem>>
        %dma_start3A_333 = arith.constant 0 : i32
        %dma_start3A_334 = arith.constant 0 : i32
        %dma_start3A_335 = tpu.memref_slice %arg8[%run_scoped3A_173, %dma_start3A_333, %dma_start3A_334] : memref<8x128x32xf32, #tpu.memory_space<vmem>> -> memref<1x128x32xf32, #tpu.memory_space<vmem>>
        %dma_start3A_336 = tpu.memref_squeeze %dma_start3A_335 : memref<1x128x32xf32, #tpu.memory_space<vmem>> -> memref<128x32xf32, #tpu.memory_space<vmem>>
        %dma_start3A_337 = arith.constant 0 : i32
        %dma_start3A_338 = tpu.memref_slice %arg7[%add3A_157, %dma_start3A_337] : memref<160x128xi32, #tpu.memory_space<vmem>> -> memref<1x128xi32, #tpu.memory_space<vmem>>
        %dma_start3A_339 = tpu.memref_squeeze %dma_start3A_338 : memref<1x128xi32, #tpu.memory_space<vmem>> -> memref<128xi32, #tpu.memory_space<vmem>>
        %dma_start3A_340 = arith.constant 0 : i32
        %dma_start3A_341 = arith.constant 0 : i32
        %dma_start3A_342 = tpu.memref_slice %arg10[%dma_start3A_340, %dma_start3A_341] : memref<10240x32xf32, #tpu.memory_space<vmem_shared>> -> memref<10240x32xf32, #tpu.memory_space<vmem_shared>>
        tpu.enqueue_indirect_dma source(%dma_start3A_336 : memref<128x32xf32, #tpu.memory_space<vmem>>) target(%dma_start3A_342 : memref<10240x32xf32, #tpu.memory_space<vmem_shared>>) offsets(%dma_start3A_339 : memref<128xi32, #tpu.memory_space<vmem>>) semaphore(%run_scoped3A_332 : memref<!tpu.dma_semaphore, #tpu.memory_space<semaphore_mem>>) {add = true}
        %dma_wait3A_343 = arith.constant 0 : i32
        %dma_wait3A_344 = arith.constant 0 : i32
        %dma_wait3A_345 = tpu.memref_slice %arg8[%run_scoped3A_173, %dma_wait3A_343, %dma_wait3A_344] : memref<8x128x32xf32, #tpu.memory_space<vmem>> -> memref<1x128x32xf32, #tpu.memory_space<vmem>>
        %dma_wait3A_346 = tpu.memref_squeeze %dma_wait3A_345 : memref<1x128x32xf32, #tpu.memory_space<vmem>> -> memref<128x32xf32, #tpu.memory_space<vmem>>
        %dma_wait3A_347 = arith.constant 0 : i32
        %dma_wait3A_348 = tpu.memref_slice %arg7[%add3A_157, %dma_wait3A_347] : memref<160x128xi32, #tpu.memory_space<vmem>> -> memref<1x128xi32, #tpu.memory_space<vmem>>
        %dma_wait3A_349 = tpu.memref_squeeze %dma_wait3A_348 : memref<1x128xi32, #tpu.memory_space<vmem>> -> memref<128xi32, #tpu.memory_space<vmem>>
        %dma_wait3A_350 = arith.constant 0 : i32
        %dma_wait3A_351 = arith.constant 0 : i32
        %dma_wait3A_352 = tpu.memref_slice %arg10[%dma_wait3A_350, %dma_wait3A_351] : memref<10240x32xf32, #tpu.memory_space<vmem_shared>> -> memref<10240x32xf32, #tpu.memory_space<vmem_shared>>
        tpu.wait_indirect_dma semaphore(%run_scoped3A_332 : memref<!tpu.dma_semaphore, #tpu.memory_space<semaphore_mem>>) src(%dma_wait3A_346 : memref<128x32xf32, #tpu.memory_space<vmem>>) dst(%dma_wait3A_352 : memref<10240x32xf32, #tpu.memory_space<vmem_shared>>)
        tpu.yield
      }) : () -> ()
      %add3A_174 = arith.constant 8 : i32
      %add3A_175 = arith.addi %add3A_157, %add3A_174 : i32
      %lt3A_176 = arith.constant 160 : i32
      %lt3A_177 = arith.cmpi slt, %add3A_175, %lt3A_176 : i32
      %convert_element_type3A_178 = arith.extui %lt3A_177 : i1 to i32
      %cond3A_179 = arith.constant 0 : i32
      %cond3A_180 = arith.cmpi ne, %convert_element_type3A_178, %cond3A_179 : i32
      scf.if %cond3A_180 {
        %add3A_332 = arith.constant 8 : i32
        %add3A_333 = arith.addi %add3A_157, %add3A_332 : i32
        %dma_start3A_334 = arith.constant 1 : i32
        %dma_start3A_335 = arith.constant 0 : i32
        %dma_start3A_336 = arith.constant 0 : i32
        %dma_start3A_337 = tpu.memref_slice %arg8[%dma_start3A_334, %dma_start3A_335, %dma_start3A_336] : memref<8x128x32xf32, #tpu.memory_space<vmem>> -> memref<1x128x32xf32, #tpu.memory_space<vmem>>
        %dma_start3A_338 = tpu.memref_squeeze %dma_start3A_337 : memref<1x128x32xf32, #tpu.memory_space<vmem>> -> memref<128x32xf32, #tpu.memory_space<vmem>>
        %dma_start3A_339 = arith.constant 0 : i32
        %dma_start3A_340 = tpu.memref_slice %arg6[%add3A_333, %dma_start3A_339] : memref<160x128xi32, #tpu.memory_space<vmem>> -> memref<1x128xi32, #tpu.memory_space<vmem>>
        %dma_start3A_341 = tpu.memref_squeeze %dma_start3A_340 : memref<1x128xi32, #tpu.memory_space<vmem>> -> memref<128xi32, #tpu.memory_space<vmem>>
        %dma_start3A_342 = arith.constant 0 : i32
        %dma_start3A_343 = arith.constant 0 : i32
        %dma_start3A_344 = tpu.memref_slice %arg11[%dma_start3A_342, %dma_start3A_343] : memref<10240x32xf32, #tpu.memory_space<vmem_shared>> -> memref<10240x32xf32, #tpu.memory_space<vmem_shared>>
        tpu.enqueue_indirect_dma source(%dma_start3A_344 : memref<10240x32xf32, #tpu.memory_space<vmem_shared>>) target(%dma_start3A_338 : memref<128x32xf32, #tpu.memory_space<vmem>>) offsets(%dma_start3A_341 : memref<128xi32, #tpu.memory_space<vmem>>) semaphore(%arg13 : memref<!tpu.dma_semaphore, #tpu.memory_space<semaphore_mem>>)
      } else {
      }
      %add3A_181 = arith.constant 2 : i32
      %add3A_182 = arith.addi %mul3A_135, %add3A_181 : i32
      %dma_wait3A_183 = arith.constant 2 : i32
      %dma_wait3A_184 = arith.constant 0 : i32
      %dma_wait3A_185 = arith.constant 0 : i32
      %dma_wait3A_186 = tpu.memref_slice %arg8[%dma_wait3A_183, %dma_wait3A_184, %dma_wait3A_185] : memref<8x128x32xf32, #tpu.memory_space<vmem>> -> memref<1x128x32xf32, #tpu.memory_space<vmem>>
      %dma_wait3A_187 = tpu.memref_squeeze %dma_wait3A_186 : memref<1x128x32xf32, #tpu.memory_space<vmem>> -> memref<128x32xf32, #tpu.memory_space<vmem>>
      %dma_wait3A_188 = arith.constant 0 : i32
      %dma_wait3A_189 = arith.constant 0 : i32
      %dma_wait3A_190 = tpu.memref_slice %arg4[%dma_wait3A_188, %dma_wait3A_189] : memref<10240x32xf32, #tpu.memory_space<hbm>> -> memref<128x32xf32, #tpu.memory_space<hbm>>
      %dma_wait3A_191 = arith.constant 0 : i32
      %dma_wait3A_192 = arith.constant 0 : i32
      %dma_wait3A_193 = tpu.memref_slice %arg8[%dma_wait3A_183, %dma_wait3A_191, %dma_wait3A_192] : memref<8x128x32xf32, #tpu.memory_space<vmem>> -> memref<1x128x32xf32, #tpu.memory_space<vmem>>
      %dma_wait3A_194 = tpu.memref_squeeze %dma_wait3A_193 : memref<1x128x32xf32, #tpu.memory_space<vmem>> -> memref<128x32xf32, #tpu.memory_space<vmem>>
      %dma_wait3A_195 = arith.constant 0 : i32
      %dma_wait3A_196 = arith.constant 0 : i32
      %dma_wait3A_197 = tpu.memref_slice %arg4[%dma_wait3A_195, %dma_wait3A_196] : memref<10240x32xf32, #tpu.memory_space<hbm>> -> memref<128x32xf32, #tpu.memory_space<hbm>>
      tpu.wait_dma2 semaphore(%arg14 : memref<!tpu.dma_semaphore, #tpu.memory_space<semaphore_mem>>) src(%dma_wait3A_197 : memref<128x32xf32, #tpu.memory_space<hbm>>) dst(%dma_wait3A_194 : memref<128x32xf32, #tpu.memory_space<vmem>>)
      %run_scoped3A_198 = arith.constant 2 : i32
      "tpu.region"() ({
        %run_scoped3A_332 = tpu.sem_alloc : memref<!tpu.dma_semaphore, #tpu.memory_space<semaphore_mem>>
        %dma_start3A_333 = arith.constant 0 : i32
        %dma_start3A_334 = arith.constant 0 : i32
        %dma_start3A_335 = tpu.memref_slice %arg8[%run_scoped3A_198, %dma_start3A_333, %dma_start3A_334] : memref<8x128x32xf32, #tpu.memory_space<vmem>> -> memref<1x128x32xf32, #tpu.memory_space<vmem>>
        %dma_start3A_336 = tpu.memref_squeeze %dma_start3A_335 : memref<1x128x32xf32, #tpu.memory_space<vmem>> -> memref<128x32xf32, #tpu.memory_space<vmem>>
        %dma_start3A_337 = arith.constant 0 : i32
        %dma_start3A_338 = tpu.memref_slice %arg7[%add3A_182, %dma_start3A_337] : memref<160x128xi32, #tpu.memory_space<vmem>> -> memref<1x128xi32, #tpu.memory_space<vmem>>
        %dma_start3A_339 = tpu.memref_squeeze %dma_start3A_338 : memref<1x128xi32, #tpu.memory_space<vmem>> -> memref<128xi32, #tpu.memory_space<vmem>>
        %dma_start3A_340 = arith.constant 0 : i32
        %dma_start3A_341 = arith.constant 0 : i32
        %dma_start3A_342 = tpu.memref_slice %arg10[%dma_start3A_340, %dma_start3A_341] : memref<10240x32xf32, #tpu.memory_space<vmem_shared>> -> memref<10240x32xf32, #tpu.memory_space<vmem_shared>>
        tpu.enqueue_indirect_dma source(%dma_start3A_336 : memref<128x32xf32, #tpu.memory_space<vmem>>) target(%dma_start3A_342 : memref<10240x32xf32, #tpu.memory_space<vmem_shared>>) offsets(%dma_start3A_339 : memref<128xi32, #tpu.memory_space<vmem>>) semaphore(%run_scoped3A_332 : memref<!tpu.dma_semaphore, #tpu.memory_space<semaphore_mem>>) {add = true}
        %dma_wait3A_343 = arith.constant 0 : i32
        %dma_wait3A_344 = arith.constant 0 : i32
        %dma_wait3A_345 = tpu.memref_slice %arg8[%run_scoped3A_198, %dma_wait3A_343, %dma_wait3A_344] : memref<8x128x32xf32, #tpu.memory_space<vmem>> -> memref<1x128x32xf32, #tpu.memory_space<vmem>>
        %dma_wait3A_346 = tpu.memref_squeeze %dma_wait3A_345 : memref<1x128x32xf32, #tpu.memory_space<vmem>> -> memref<128x32xf32, #tpu.memory_space<vmem>>
        %dma_wait3A_347 = arith.constant 0 : i32
        %dma_wait3A_348 = tpu.memref_slice %arg7[%add3A_182, %dma_wait3A_347] : memref<160x128xi32, #tpu.memory_space<vmem>> -> memref<1x128xi32, #tpu.memory_space<vmem>>
        %dma_wait3A_349 = tpu.memref_squeeze %dma_wait3A_348 : memref<1x128xi32, #tpu.memory_space<vmem>> -> memref<128xi32, #tpu.memory_space<vmem>>
        %dma_wait3A_350 = arith.constant 0 : i32
        %dma_wait3A_351 = arith.constant 0 : i32
        %dma_wait3A_352 = tpu.memref_slice %arg10[%dma_wait3A_350, %dma_wait3A_351] : memref<10240x32xf32, #tpu.memory_space<vmem_shared>> -> memref<10240x32xf32, #tpu.memory_space<vmem_shared>>
        tpu.wait_indirect_dma semaphore(%run_scoped3A_332 : memref<!tpu.dma_semaphore, #tpu.memory_space<semaphore_mem>>) src(%dma_wait3A_346 : memref<128x32xf32, #tpu.memory_space<vmem>>) dst(%dma_wait3A_352 : memref<10240x32xf32, #tpu.memory_space<vmem_shared>>)
        tpu.yield
      }) : () -> ()
      %add3A_199 = arith.constant 8 : i32
      %add3A_200 = arith.addi %add3A_182, %add3A_199 : i32
      %lt3A_201 = arith.constant 160 : i32
      %lt3A_202 = arith.cmpi slt, %add3A_200, %lt3A_201 : i32
      %convert_element_type3A_203 = arith.extui %lt3A_202 : i1 to i32
      %cond3A_204 = arith.constant 0 : i32
      %cond3A_205 = arith.cmpi ne, %convert_element_type3A_203, %cond3A_204 : i32
      scf.if %cond3A_205 {
        %add3A_332 = arith.constant 8 : i32
        %add3A_333 = arith.addi %add3A_182, %add3A_332 : i32
        %dma_start3A_334 = arith.constant 2 : i32
        %dma_start3A_335 = arith.constant 0 : i32
        %dma_start3A_336 = arith.constant 0 : i32
        %dma_start3A_337 = tpu.memref_slice %arg8[%dma_start3A_334, %dma_start3A_335, %dma_start3A_336] : memref<8x128x32xf32, #tpu.memory_space<vmem>> -> memref<1x128x32xf32, #tpu.memory_space<vmem>>
        %dma_start3A_338 = tpu.memref_squeeze %dma_start3A_337 : memref<1x128x32xf32, #tpu.memory_space<vmem>> -> memref<128x32xf32, #tpu.memory_space<vmem>>
        %dma_start3A_339 = arith.constant 0 : i32
        %dma_start3A_340 = tpu.memref_slice %arg6[%add3A_333, %dma_start3A_339] : memref<160x128xi32, #tpu.memory_space<vmem>> -> memref<1x128xi32, #tpu.memory_space<vmem>>
        %dma_start3A_341 = tpu.memref_squeeze %dma_start3A_340 : memref<1x128xi32, #tpu.memory_space<vmem>> -> memref<128xi32, #tpu.memory_space<vmem>>
        %dma_start3A_342 = arith.constant 0 : i32
        %dma_start3A_343 = arith.constant 0 : i32
        %dma_start3A_344 = tpu.memref_slice %arg11[%dma_start3A_342, %dma_start3A_343] : memref<10240x32xf32, #tpu.memory_space<vmem_shared>> -> memref<10240x32xf32, #tpu.memory_space<vmem_shared>>
        tpu.enqueue_indirect_dma source(%dma_start3A_344 : memref<10240x32xf32, #tpu.memory_space<vmem_shared>>) target(%dma_start3A_338 : memref<128x32xf32, #tpu.memory_space<vmem>>) offsets(%dma_start3A_341 : memref<128xi32, #tpu.memory_space<vmem>>) semaphore(%arg14 : memref<!tpu.dma_semaphore, #tpu.memory_space<semaphore_mem>>)
      } else {
      }
      %add3A_206 = arith.constant 3 : i32
      %add3A_207 = arith.addi %mul3A_135, %add3A_206 : i32
      %dma_wait3A_208 = arith.constant 3 : i32
      %dma_wait3A_209 = arith.constant 0 : i32
      %dma_wait3A_210 = arith.constant 0 : i32
      %dma_wait3A_211 = tpu.memref_slice %arg8[%dma_wait3A_208, %dma_wait3A_209, %dma_wait3A_210] : memref<8x128x32xf32, #tpu.memory_space<vmem>> -> memref<1x128x32xf32, #tpu.memory_space<vmem>>
      %dma_wait3A_212 = tpu.memref_squeeze %dma_wait3A_211 : memref<1x128x32xf32, #tpu.memory_space<vmem>> -> memref<128x32xf32, #tpu.memory_space<vmem>>
      %dma_wait3A_213 = arith.constant 0 : i32
      %dma_wait3A_214 = arith.constant 0 : i32
      %dma_wait3A_215 = tpu.memref_slice %arg4[%dma_wait3A_213, %dma_wait3A_214] : memref<10240x32xf32, #tpu.memory_space<hbm>> -> memref<128x32xf32, #tpu.memory_space<hbm>>
      %dma_wait3A_216 = arith.constant 0 : i32
      %dma_wait3A_217 = arith.constant 0 : i32
      %dma_wait3A_218 = tpu.memref_slice %arg8[%dma_wait3A_208, %dma_wait3A_216, %dma_wait3A_217] : memref<8x128x32xf32, #tpu.memory_space<vmem>> -> memref<1x128x32xf32, #tpu.memory_space<vmem>>
      %dma_wait3A_219 = tpu.memref_squeeze %dma_wait3A_218 : memref<1x128x32xf32, #tpu.memory_space<vmem>> -> memref<128x32xf32, #tpu.memory_space<vmem>>
      %dma_wait3A_220 = arith.constant 0 : i32
      %dma_wait3A_221 = arith.constant 0 : i32
      %dma_wait3A_222 = tpu.memref_slice %arg4[%dma_wait3A_220, %dma_wait3A_221] : memref<10240x32xf32, #tpu.memory_space<hbm>> -> memref<128x32xf32, #tpu.memory_space<hbm>>
      tpu.wait_dma2 semaphore(%arg15 : memref<!tpu.dma_semaphore, #tpu.memory_space<semaphore_mem>>) src(%dma_wait3A_222 : memref<128x32xf32, #tpu.memory_space<hbm>>) dst(%dma_wait3A_219 : memref<128x32xf32, #tpu.memory_space<vmem>>)
      %run_scoped3A_223 = arith.constant 3 : i32
      "tpu.region"() ({
        %run_scoped3A_332 = tpu.sem_alloc : memref<!tpu.dma_semaphore, #tpu.memory_space<semaphore_mem>>
        %dma_start3A_333 = arith.constant 0 : i32
        %dma_start3A_334 = arith.constant 0 : i32
        %dma_start3A_335 = tpu.memref_slice %arg8[%run_scoped3A_223, %dma_start3A_333, %dma_start3A_334] : memref<8x128x32xf32, #tpu.memory_space<vmem>> -> memref<1x128x32xf32, #tpu.memory_space<vmem>>
        %dma_start3A_336 = tpu.memref_squeeze %dma_start3A_335 : memref<1x128x32xf32, #tpu.memory_space<vmem>> -> memref<128x32xf32, #tpu.memory_space<vmem>>
        %dma_start3A_337 = arith.constant 0 : i32
        %dma_start3A_338 = tpu.memref_slice %arg7[%add3A_207, %dma_start3A_337] : memref<160x128xi32, #tpu.memory_space<vmem>> -> memref<1x128xi32, #tpu.memory_space<vmem>>
        %dma_start3A_339 = tpu.memref_squeeze %dma_start3A_338 : memref<1x128xi32, #tpu.memory_space<vmem>> -> memref<128xi32, #tpu.memory_space<vmem>>
        %dma_start3A_340 = arith.constant 0 : i32
        %dma_start3A_341 = arith.constant 0 : i32
        %dma_start3A_342 = tpu.memref_slice %arg10[%dma_start3A_340, %dma_start3A_341] : memref<10240x32xf32, #tpu.memory_space<vmem_shared>> -> memref<10240x32xf32, #tpu.memory_space<vmem_shared>>
        tpu.enqueue_indirect_dma source(%dma_start3A_336 : memref<128x32xf32, #tpu.memory_space<vmem>>) target(%dma_start3A_342 : memref<10240x32xf32, #tpu.memory_space<vmem_shared>>) offsets(%dma_start3A_339 : memref<128xi32, #tpu.memory_space<vmem>>) semaphore(%run_scoped3A_332 : memref<!tpu.dma_semaphore, #tpu.memory_space<semaphore_mem>>) {add = true}
        %dma_wait3A_343 = arith.constant 0 : i32
        %dma_wait3A_344 = arith.constant 0 : i32
        %dma_wait3A_345 = tpu.memref_slice %arg8[%run_scoped3A_223, %dma_wait3A_343, %dma_wait3A_344] : memref<8x128x32xf32, #tpu.memory_space<vmem>> -> memref<1x128x32xf32, #tpu.memory_space<vmem>>
        %dma_wait3A_346 = tpu.memref_squeeze %dma_wait3A_345 : memref<1x128x32xf32, #tpu.memory_space<vmem>> -> memref<128x32xf32, #tpu.memory_space<vmem>>
        %dma_wait3A_347 = arith.constant 0 : i32
        %dma_wait3A_348 = tpu.memref_slice %arg7[%add3A_207, %dma_wait3A_347] : memref<160x128xi32, #tpu.memory_space<vmem>> -> memref<1x128xi32, #tpu.memory_space<vmem>>
        %dma_wait3A_349 = tpu.memref_squeeze %dma_wait3A_348 : memref<1x128xi32, #tpu.memory_space<vmem>> -> memref<128xi32, #tpu.memory_space<vmem>>
        %dma_wait3A_350 = arith.constant 0 : i32
        %dma_wait3A_351 = arith.constant 0 : i32
        %dma_wait3A_352 = tpu.memref_slice %arg10[%dma_wait3A_350, %dma_wait3A_351] : memref<10240x32xf32, #tpu.memory_space<vmem_shared>> -> memref<10240x32xf32, #tpu.memory_space<vmem_shared>>
        tpu.wait_indirect_dma semaphore(%run_scoped3A_332 : memref<!tpu.dma_semaphore, #tpu.memory_space<semaphore_mem>>) src(%dma_wait3A_346 : memref<128x32xf32, #tpu.memory_space<vmem>>) dst(%dma_wait3A_352 : memref<10240x32xf32, #tpu.memory_space<vmem_shared>>)
        tpu.yield
      }) : () -> ()
      %add3A_224 = arith.constant 8 : i32
      %add3A_225 = arith.addi %add3A_207, %add3A_224 : i32
      %lt3A_226 = arith.constant 160 : i32
      %lt3A_227 = arith.cmpi slt, %add3A_225, %lt3A_226 : i32
      %convert_element_type3A_228 = arith.extui %lt3A_227 : i1 to i32
      %cond3A_229 = arith.constant 0 : i32
      %cond3A_230 = arith.cmpi ne, %convert_element_type3A_228, %cond3A_229 : i32
      scf.if %cond3A_230 {
        %add3A_332 = arith.constant 8 : i32
        %add3A_333 = arith.addi %add3A_207, %add3A_332 : i32
        %dma_start3A_334 = arith.constant 3 : i32
        %dma_start3A_335 = arith.constant 0 : i32
        %dma_start3A_336 = arith.constant 0 : i32
        %dma_start3A_337 = tpu.memref_slice %arg8[%dma_start3A_334, %dma_start3A_335, %dma_start3A_336] : memref<8x128x32xf32, #tpu.memory_space<vmem>> -> memref<1x128x32xf32, #tpu.memory_space<vmem>>
        %dma_start3A_338 = tpu.memref_squeeze %dma_start3A_337 : memref<1x128x32xf32, #tpu.memory_space<vmem>> -> memref<128x32xf32, #tpu.memory_space<vmem>>
        %dma_start3A_339 = arith.constant 0 : i32
        %dma_start3A_340 = tpu.memref_slice %arg6[%add3A_333, %dma_start3A_339] : memref<160x128xi32, #tpu.memory_space<vmem>> -> memref<1x128xi32, #tpu.memory_space<vmem>>
        %dma_start3A_341 = tpu.memref_squeeze %dma_start3A_340 : memref<1x128xi32, #tpu.memory_space<vmem>> -> memref<128xi32, #tpu.memory_space<vmem>>
        %dma_start3A_342 = arith.constant 0 : i32
        %dma_start3A_343 = arith.constant 0 : i32
        %dma_start3A_344 = tpu.memref_slice %arg11[%dma_start3A_342, %dma_start3A_343] : memref<10240x32xf32, #tpu.memory_space<vmem_shared>> -> memref<10240x32xf32, #tpu.memory_space<vmem_shared>>
        tpu.enqueue_indirect_dma source(%dma_start3A_344 : memref<10240x32xf32, #tpu.memory_space<vmem_shared>>) target(%dma_start3A_338 : memref<128x32xf32, #tpu.memory_space<vmem>>) offsets(%dma_start3A_341 : memref<128xi32, #tpu.memory_space<vmem>>) semaphore(%arg15 : memref<!tpu.dma_semaphore, #tpu.memory_space<semaphore_mem>>)
      } else {
      }
      %add3A_231 = arith.constant 4 : i32
      %add3A_232 = arith.addi %mul3A_135, %add3A_231 : i32
      %dma_wait3A_233 = arith.constant 4 : i32
      %dma_wait3A_234 = arith.constant 0 : i32
      %dma_wait3A_235 = arith.constant 0 : i32
      %dma_wait3A_236 = tpu.memref_slice %arg8[%dma_wait3A_233, %dma_wait3A_234, %dma_wait3A_235] : memref<8x128x32xf32, #tpu.memory_space<vmem>> -> memref<1x128x32xf32, #tpu.memory_space<vmem>>
      %dma_wait3A_237 = tpu.memref_squeeze %dma_wait3A_236 : memref<1x128x32xf32, #tpu.memory_space<vmem>> -> memref<128x32xf32, #tpu.memory_space<vmem>>
      %dma_wait3A_238 = arith.constant 0 : i32
      %dma_wait3A_239 = arith.constant 0 : i32
      %dma_wait3A_240 = tpu.memref_slice %arg4[%dma_wait3A_238, %dma_wait3A_239] : memref<10240x32xf32, #tpu.memory_space<hbm>> -> memref<128x32xf32, #tpu.memory_space<hbm>>
      %dma_wait3A_241 = arith.constant 0 : i32
      %dma_wait3A_242 = arith.constant 0 : i32
      %dma_wait3A_243 = tpu.memref_slice %arg8[%dma_wait3A_233, %dma_wait3A_241, %dma_wait3A_242] : memref<8x128x32xf32, #tpu.memory_space<vmem>> -> memref<1x128x32xf32, #tpu.memory_space<vmem>>
      %dma_wait3A_244 = tpu.memref_squeeze %dma_wait3A_243 : memref<1x128x32xf32, #tpu.memory_space<vmem>> -> memref<128x32xf32, #tpu.memory_space<vmem>>
      %dma_wait3A_245 = arith.constant 0 : i32
      %dma_wait3A_246 = arith.constant 0 : i32
      %dma_wait3A_247 = tpu.memref_slice %arg4[%dma_wait3A_245, %dma_wait3A_246] : memref<10240x32xf32, #tpu.memory_space<hbm>> -> memref<128x32xf32, #tpu.memory_space<hbm>>
      tpu.wait_dma2 semaphore(%arg16 : memref<!tpu.dma_semaphore, #tpu.memory_space<semaphore_mem>>) src(%dma_wait3A_247 : memref<128x32xf32, #tpu.memory_space<hbm>>) dst(%dma_wait3A_244 : memref<128x32xf32, #tpu.memory_space<vmem>>)
      %run_scoped3A_248 = arith.constant 4 : i32
      "tpu.region"() ({
        %run_scoped3A_332 = tpu.sem_alloc : memref<!tpu.dma_semaphore, #tpu.memory_space<semaphore_mem>>
        %dma_start3A_333 = arith.constant 0 : i32
        %dma_start3A_334 = arith.constant 0 : i32
        %dma_start3A_335 = tpu.memref_slice %arg8[%run_scoped3A_248, %dma_start3A_333, %dma_start3A_334] : memref<8x128x32xf32, #tpu.memory_space<vmem>> -> memref<1x128x32xf32, #tpu.memory_space<vmem>>
        %dma_start3A_336 = tpu.memref_squeeze %dma_start3A_335 : memref<1x128x32xf32, #tpu.memory_space<vmem>> -> memref<128x32xf32, #tpu.memory_space<vmem>>
        %dma_start3A_337 = arith.constant 0 : i32
        %dma_start3A_338 = tpu.memref_slice %arg7[%add3A_232, %dma_start3A_337] : memref<160x128xi32, #tpu.memory_space<vmem>> -> memref<1x128xi32, #tpu.memory_space<vmem>>
        %dma_start3A_339 = tpu.memref_squeeze %dma_start3A_338 : memref<1x128xi32, #tpu.memory_space<vmem>> -> memref<128xi32, #tpu.memory_space<vmem>>
        %dma_start3A_340 = arith.constant 0 : i32
        %dma_start3A_341 = arith.constant 0 : i32
        %dma_start3A_342 = tpu.memref_slice %arg10[%dma_start3A_340, %dma_start3A_341] : memref<10240x32xf32, #tpu.memory_space<vmem_shared>> -> memref<10240x32xf32, #tpu.memory_space<vmem_shared>>
        tpu.enqueue_indirect_dma source(%dma_start3A_336 : memref<128x32xf32, #tpu.memory_space<vmem>>) target(%dma_start3A_342 : memref<10240x32xf32, #tpu.memory_space<vmem_shared>>) offsets(%dma_start3A_339 : memref<128xi32, #tpu.memory_space<vmem>>) semaphore(%run_scoped3A_332 : memref<!tpu.dma_semaphore, #tpu.memory_space<semaphore_mem>>) {add = true}
        %dma_wait3A_343 = arith.constant 0 : i32
        %dma_wait3A_344 = arith.constant 0 : i32
        %dma_wait3A_345 = tpu.memref_slice %arg8[%run_scoped3A_248, %dma_wait3A_343, %dma_wait3A_344] : memref<8x128x32xf32, #tpu.memory_space<vmem>> -> memref<1x128x32xf32, #tpu.memory_space<vmem>>
        %dma_wait3A_346 = tpu.memref_squeeze %dma_wait3A_345 : memref<1x128x32xf32, #tpu.memory_space<vmem>> -> memref<128x32xf32, #tpu.memory_space<vmem>>
        %dma_wait3A_347 = arith.constant 0 : i32
        %dma_wait3A_348 = tpu.memref_slice %arg7[%add3A_232, %dma_wait3A_347] : memref<160x128xi32, #tpu.memory_space<vmem>> -> memref<1x128xi32, #tpu.memory_space<vmem>>
        %dma_wait3A_349 = tpu.memref_squeeze %dma_wait3A_348 : memref<1x128xi32, #tpu.memory_space<vmem>> -> memref<128xi32, #tpu.memory_space<vmem>>
        %dma_wait3A_350 = arith.constant 0 : i32
        %dma_wait3A_351 = arith.constant 0 : i32
        %dma_wait3A_352 = tpu.memref_slice %arg10[%dma_wait3A_350, %dma_wait3A_351] : memref<10240x32xf32, #tpu.memory_space<vmem_shared>> -> memref<10240x32xf32, #tpu.memory_space<vmem_shared>>
        tpu.wait_indirect_dma semaphore(%run_scoped3A_332 : memref<!tpu.dma_semaphore, #tpu.memory_space<semaphore_mem>>) src(%dma_wait3A_346 : memref<128x32xf32, #tpu.memory_space<vmem>>) dst(%dma_wait3A_352 : memref<10240x32xf32, #tpu.memory_space<vmem_shared>>)
        tpu.yield
      }) : () -> ()
      %add3A_249 = arith.constant 8 : i32
      %add3A_250 = arith.addi %add3A_232, %add3A_249 : i32
      %lt3A_251 = arith.constant 160 : i32
      %lt3A_252 = arith.cmpi slt, %add3A_250, %lt3A_251 : i32
      %convert_element_type3A_253 = arith.extui %lt3A_252 : i1 to i32
      %cond3A_254 = arith.constant 0 : i32
      %cond3A_255 = arith.cmpi ne, %convert_element_type3A_253, %cond3A_254 : i32
      scf.if %cond3A_255 {
        %add3A_332 = arith.constant 8 : i32
        %add3A_333 = arith.addi %add3A_232, %add3A_332 : i32
        %dma_start3A_334 = arith.constant 4 : i32
        %dma_start3A_335 = arith.constant 0 : i32
        %dma_start3A_336 = arith.constant 0 : i32
        %dma_start3A_337 = tpu.memref_slice %arg8[%dma_start3A_334, %dma_start3A_335, %dma_start3A_336] : memref<8x128x32xf32, #tpu.memory_space<vmem>> -> memref<1x128x32xf32, #tpu.memory_space<vmem>>
        %dma_start3A_338 = tpu.memref_squeeze %dma_start3A_337 : memref<1x128x32xf32, #tpu.memory_space<vmem>> -> memref<128x32xf32, #tpu.memory_space<vmem>>
        %dma_start3A_339 = arith.constant 0 : i32
        %dma_start3A_340 = tpu.memref_slice %arg6[%add3A_333, %dma_start3A_339] : memref<160x128xi32, #tpu.memory_space<vmem>> -> memref<1x128xi32, #tpu.memory_space<vmem>>
        %dma_start3A_341 = tpu.memref_squeeze %dma_start3A_340 : memref<1x128xi32, #tpu.memory_space<vmem>> -> memref<128xi32, #tpu.memory_space<vmem>>
        %dma_start3A_342 = arith.constant 0 : i32
        %dma_start3A_343 = arith.constant 0 : i32
        %dma_start3A_344 = tpu.memref_slice %arg11[%dma_start3A_342, %dma_start3A_343] : memref<10240x32xf32, #tpu.memory_space<vmem_shared>> -> memref<10240x32xf32, #tpu.memory_space<vmem_shared>>
        tpu.enqueue_indirect_dma source(%dma_start3A_344 : memref<10240x32xf32, #tpu.memory_space<vmem_shared>>) target(%dma_start3A_338 : memref<128x32xf32, #tpu.memory_space<vmem>>) offsets(%dma_start3A_341 : memref<128xi32, #tpu.memory_space<vmem>>) semaphore(%arg16 : memref<!tpu.dma_semaphore, #tpu.memory_space<semaphore_mem>>)
      } else {
      }
      %add3A_256 = arith.constant 5 : i32
      %add3A_257 = arith.addi %mul3A_135, %add3A_256 : i32
      %dma_wait3A_258 = arith.constant 5 : i32
      %dma_wait3A_259 = arith.constant 0 : i32
      %dma_wait3A_260 = arith.constant 0 : i32
      %dma_wait3A_261 = tpu.memref_slice %arg8[%dma_wait3A_258, %dma_wait3A_259, %dma_wait3A_260] : memref<8x128x32xf32, #tpu.memory_space<vmem>> -> memref<1x128x32xf32, #tpu.memory_space<vmem>>
      %dma_wait3A_262 = tpu.memref_squeeze %dma_wait3A_261 : memref<1x128x32xf32, #tpu.memory_space<vmem>> -> memref<128x32xf32, #tpu.memory_space<vmem>>
      %dma_wait3A_263 = arith.constant 0 : i32
      %dma_wait3A_264 = arith.constant 0 : i32
      %dma_wait3A_265 = tpu.memref_slice %arg4[%dma_wait3A_263, %dma_wait3A_264] : memref<10240x32xf32, #tpu.memory_space<hbm>> -> memref<128x32xf32, #tpu.memory_space<hbm>>
      %dma_wait3A_266 = arith.constant 0 : i32
      %dma_wait3A_267 = arith.constant 0 : i32
      %dma_wait3A_268 = tpu.memref_slice %arg8[%dma_wait3A_258, %dma_wait3A_266, %dma_wait3A_267] : memref<8x128x32xf32, #tpu.memory_space<vmem>> -> memref<1x128x32xf32, #tpu.memory_space<vmem>>
      %dma_wait3A_269 = tpu.memref_squeeze %dma_wait3A_268 : memref<1x128x32xf32, #tpu.memory_space<vmem>> -> memref<128x32xf32, #tpu.memory_space<vmem>>
      %dma_wait3A_270 = arith.constant 0 : i32
      %dma_wait3A_271 = arith.constant 0 : i32
      %dma_wait3A_272 = tpu.memref_slice %arg4[%dma_wait3A_270, %dma_wait3A_271] : memref<10240x32xf32, #tpu.memory_space<hbm>> -> memref<128x32xf32, #tpu.memory_space<hbm>>
      tpu.wait_dma2 semaphore(%arg17 : memref<!tpu.dma_semaphore, #tpu.memory_space<semaphore_mem>>) src(%dma_wait3A_272 : memref<128x32xf32, #tpu.memory_space<hbm>>) dst(%dma_wait3A_269 : memref<128x32xf32, #tpu.memory_space<vmem>>)
      %run_scoped3A_273 = arith.constant 5 : i32
      "tpu.region"() ({
        %run_scoped3A_332 = tpu.sem_alloc : memref<!tpu.dma_semaphore, #tpu.memory_space<semaphore_mem>>
        %dma_start3A_333 = arith.constant 0 : i32
        %dma_start3A_334 = arith.constant 0 : i32
        %dma_start3A_335 = tpu.memref_slice %arg8[%run_scoped3A_273, %dma_start3A_333, %dma_start3A_334] : memref<8x128x32xf32, #tpu.memory_space<vmem>> -> memref<1x128x32xf32, #tpu.memory_space<vmem>>
        %dma_start3A_336 = tpu.memref_squeeze %dma_start3A_335 : memref<1x128x32xf32, #tpu.memory_space<vmem>> -> memref<128x32xf32, #tpu.memory_space<vmem>>
        %dma_start3A_337 = arith.constant 0 : i32
        %dma_start3A_338 = tpu.memref_slice %arg7[%add3A_257, %dma_start3A_337] : memref<160x128xi32, #tpu.memory_space<vmem>> -> memref<1x128xi32, #tpu.memory_space<vmem>>
        %dma_start3A_339 = tpu.memref_squeeze %dma_start3A_338 : memref<1x128xi32, #tpu.memory_space<vmem>> -> memref<128xi32, #tpu.memory_space<vmem>>
        %dma_start3A_340 = arith.constant 0 : i32
        %dma_start3A_341 = arith.constant 0 : i32
        %dma_start3A_342 = tpu.memref_slice %arg10[%dma_start3A_340, %dma_start3A_341] : memref<10240x32xf32, #tpu.memory_space<vmem_shared>> -> memref<10240x32xf32, #tpu.memory_space<vmem_shared>>
        tpu.enqueue_indirect_dma source(%dma_start3A_336 : memref<128x32xf32, #tpu.memory_space<vmem>>) target(%dma_start3A_342 : memref<10240x32xf32, #tpu.memory_space<vmem_shared>>) offsets(%dma_start3A_339 : memref<128xi32, #tpu.memory_space<vmem>>) semaphore(%run_scoped3A_332 : memref<!tpu.dma_semaphore, #tpu.memory_space<semaphore_mem>>) {add = true}
        %dma_wait3A_343 = arith.constant 0 : i32
        %dma_wait3A_344 = arith.constant 0 : i32
        %dma_wait3A_345 = tpu.memref_slice %arg8[%run_scoped3A_273, %dma_wait3A_343, %dma_wait3A_344] : memref<8x128x32xf32, #tpu.memory_space<vmem>> -> memref<1x128x32xf32, #tpu.memory_space<vmem>>
        %dma_wait3A_346 = tpu.memref_squeeze %dma_wait3A_345 : memref<1x128x32xf32, #tpu.memory_space<vmem>> -> memref<128x32xf32, #tpu.memory_space<vmem>>
        %dma_wait3A_347 = arith.constant 0 : i32
        %dma_wait3A_348 = tpu.memref_slice %arg7[%add3A_257, %dma_wait3A_347] : memref<160x128xi32, #tpu.memory_space<vmem>> -> memref<1x128xi32, #tpu.memory_space<vmem>>
        %dma_wait3A_349 = tpu.memref_squeeze %dma_wait3A_348 : memref<1x128xi32, #tpu.memory_space<vmem>> -> memref<128xi32, #tpu.memory_space<vmem>>
        %dma_wait3A_350 = arith.constant 0 : i32
        %dma_wait3A_351 = arith.constant 0 : i32
        %dma_wait3A_352 = tpu.memref_slice %arg10[%dma_wait3A_350, %dma_wait3A_351] : memref<10240x32xf32, #tpu.memory_space<vmem_shared>> -> memref<10240x32xf32, #tpu.memory_space<vmem_shared>>
        tpu.wait_indirect_dma semaphore(%run_scoped3A_332 : memref<!tpu.dma_semaphore, #tpu.memory_space<semaphore_mem>>) src(%dma_wait3A_346 : memref<128x32xf32, #tpu.memory_space<vmem>>) dst(%dma_wait3A_352 : memref<10240x32xf32, #tpu.memory_space<vmem_shared>>)
        tpu.yield
      }) : () -> ()
      %add3A_274 = arith.constant 8 : i32
      %add3A_275 = arith.addi %add3A_257, %add3A_274 : i32
      %lt3A_276 = arith.constant 160 : i32
      %lt3A_277 = arith.cmpi slt, %add3A_275, %lt3A_276 : i32
      %convert_element_type3A_278 = arith.extui %lt3A_277 : i1 to i32
      %cond3A_279 = arith.constant 0 : i32
      %cond3A_280 = arith.cmpi ne, %convert_element_type3A_278, %cond3A_279 : i32
      scf.if %cond3A_280 {
        %add3A_332 = arith.constant 8 : i32
        %add3A_333 = arith.addi %add3A_257, %add3A_332 : i32
        %dma_start3A_334 = arith.constant 5 : i32
        %dma_start3A_335 = arith.constant 0 : i32
        %dma_start3A_336 = arith.constant 0 : i32
        %dma_start3A_337 = tpu.memref_slice %arg8[%dma_start3A_334, %dma_start3A_335, %dma_start3A_336] : memref<8x128x32xf32, #tpu.memory_space<vmem>> -> memref<1x128x32xf32, #tpu.memory_space<vmem>>
        %dma_start3A_338 = tpu.memref_squeeze %dma_start3A_337 : memref<1x128x32xf32, #tpu.memory_space<vmem>> -> memref<128x32xf32, #tpu.memory_space<vmem>>
        %dma_start3A_339 = arith.constant 0 : i32
        %dma_start3A_340 = tpu.memref_slice %arg6[%add3A_333, %dma_start3A_339] : memref<160x128xi32, #tpu.memory_space<vmem>> -> memref<1x128xi32, #tpu.memory_space<vmem>>
        %dma_start3A_341 = tpu.memref_squeeze %dma_start3A_340 : memref<1x128xi32, #tpu.memory_space<vmem>> -> memref<128xi32, #tpu.memory_space<vmem>>
        %dma_start3A_342 = arith.constant 0 : i32
        %dma_start3A_343 = arith.constant 0 : i32
        %dma_start3A_344 = tpu.memref_slice %arg11[%dma_start3A_342, %dma_start3A_343] : memref<10240x32xf32, #tpu.memory_space<vmem_shared>> -> memref<10240x32xf32, #tpu.memory_space<vmem_shared>>
        tpu.enqueue_indirect_dma source(%dma_start3A_344 : memref<10240x32xf32, #tpu.memory_space<vmem_shared>>) target(%dma_start3A_338 : memref<128x32xf32, #tpu.memory_space<vmem>>) offsets(%dma_start3A_341 : memref<128xi32, #tpu.memory_space<vmem>>) semaphore(%arg17 : memref<!tpu.dma_semaphore, #tpu.memory_space<semaphore_mem>>)
      } else {
      }
      %add3A_281 = arith.constant 6 : i32
      %add3A_282 = arith.addi %mul3A_135, %add3A_281 : i32
      %dma_wait3A_283 = arith.constant 6 : i32
      %dma_wait3A_284 = arith.constant 0 : i32
      %dma_wait3A_285 = arith.constant 0 : i32
      %dma_wait3A_286 = tpu.memref_slice %arg8[%dma_wait3A_283, %dma_wait3A_284, %dma_wait3A_285] : memref<8x128x32xf32, #tpu.memory_space<vmem>> -> memref<1x128x32xf32, #tpu.memory_space<vmem>>
      %dma_wait3A_287 = tpu.memref_squeeze %dma_wait3A_286 : memref<1x128x32xf32, #tpu.memory_space<vmem>> -> memref<128x32xf32, #tpu.memory_space<vmem>>
      %dma_wait3A_288 = arith.constant 0 : i32
      %dma_wait3A_289 = arith.constant 0 : i32
      %dma_wait3A_290 = tpu.memref_slice %arg4[%dma_wait3A_288, %dma_wait3A_289] : memref<10240x32xf32, #tpu.memory_space<hbm>> -> memref<128x32xf32, #tpu.memory_space<hbm>>
      %dma_wait3A_291 = arith.constant 0 : i32
      %dma_wait3A_292 = arith.constant 0 : i32
      %dma_wait3A_293 = tpu.memref_slice %arg8[%dma_wait3A_283, %dma_wait3A_291, %dma_wait3A_292] : memref<8x128x32xf32, #tpu.memory_space<vmem>> -> memref<1x128x32xf32, #tpu.memory_space<vmem>>
      %dma_wait3A_294 = tpu.memref_squeeze %dma_wait3A_293 : memref<1x128x32xf32, #tpu.memory_space<vmem>> -> memref<128x32xf32, #tpu.memory_space<vmem>>
      %dma_wait3A_295 = arith.constant 0 : i32
      %dma_wait3A_296 = arith.constant 0 : i32
      %dma_wait3A_297 = tpu.memref_slice %arg4[%dma_wait3A_295, %dma_wait3A_296] : memref<10240x32xf32, #tpu.memory_space<hbm>> -> memref<128x32xf32, #tpu.memory_space<hbm>>
      tpu.wait_dma2 semaphore(%arg18 : memref<!tpu.dma_semaphore, #tpu.memory_space<semaphore_mem>>) src(%dma_wait3A_297 : memref<128x32xf32, #tpu.memory_space<hbm>>) dst(%dma_wait3A_294 : memref<128x32xf32, #tpu.memory_space<vmem>>)
      %run_scoped3A_298 = arith.constant 6 : i32
      "tpu.region"() ({
        %run_scoped3A_332 = tpu.sem_alloc : memref<!tpu.dma_semaphore, #tpu.memory_space<semaphore_mem>>
        %dma_start3A_333 = arith.constant 0 : i32
        %dma_start3A_334 = arith.constant 0 : i32
        %dma_start3A_335 = tpu.memref_slice %arg8[%run_scoped3A_298, %dma_start3A_333, %dma_start3A_334] : memref<8x128x32xf32, #tpu.memory_space<vmem>> -> memref<1x128x32xf32, #tpu.memory_space<vmem>>
        %dma_start3A_336 = tpu.memref_squeeze %dma_start3A_335 : memref<1x128x32xf32, #tpu.memory_space<vmem>> -> memref<128x32xf32, #tpu.memory_space<vmem>>
        %dma_start3A_337 = arith.constant 0 : i32
        %dma_start3A_338 = tpu.memref_slice %arg7[%add3A_282, %dma_start3A_337] : memref<160x128xi32, #tpu.memory_space<vmem>> -> memref<1x128xi32, #tpu.memory_space<vmem>>
        %dma_start3A_339 = tpu.memref_squeeze %dma_start3A_338 : memref<1x128xi32, #tpu.memory_space<vmem>> -> memref<128xi32, #tpu.memory_space<vmem>>
        %dma_start3A_340 = arith.constant 0 : i32
        %dma_start3A_341 = arith.constant 0 : i32
        %dma_start3A_342 = tpu.memref_slice %arg10[%dma_start3A_340, %dma_start3A_341] : memref<10240x32xf32, #tpu.memory_space<vmem_shared>> -> memref<10240x32xf32, #tpu.memory_space<vmem_shared>>
        tpu.enqueue_indirect_dma source(%dma_start3A_336 : memref<128x32xf32, #tpu.memory_space<vmem>>) target(%dma_start3A_342 : memref<10240x32xf32, #tpu.memory_space<vmem_shared>>) offsets(%dma_start3A_339 : memref<128xi32, #tpu.memory_space<vmem>>) semaphore(%run_scoped3A_332 : memref<!tpu.dma_semaphore, #tpu.memory_space<semaphore_mem>>) {add = true}
        %dma_wait3A_343 = arith.constant 0 : i32
        %dma_wait3A_344 = arith.constant 0 : i32
        %dma_wait3A_345 = tpu.memref_slice %arg8[%run_scoped3A_298, %dma_wait3A_343, %dma_wait3A_344] : memref<8x128x32xf32, #tpu.memory_space<vmem>> -> memref<1x128x32xf32, #tpu.memory_space<vmem>>
        %dma_wait3A_346 = tpu.memref_squeeze %dma_wait3A_345 : memref<1x128x32xf32, #tpu.memory_space<vmem>> -> memref<128x32xf32, #tpu.memory_space<vmem>>
        %dma_wait3A_347 = arith.constant 0 : i32
        %dma_wait3A_348 = tpu.memref_slice %arg7[%add3A_282, %dma_wait3A_347] : memref<160x128xi32, #tpu.memory_space<vmem>> -> memref<1x128xi32, #tpu.memory_space<vmem>>
        %dma_wait3A_349 = tpu.memref_squeeze %dma_wait3A_348 : memref<1x128xi32, #tpu.memory_space<vmem>> -> memref<128xi32, #tpu.memory_space<vmem>>
        %dma_wait3A_350 = arith.constant 0 : i32
        %dma_wait3A_351 = arith.constant 0 : i32
        %dma_wait3A_352 = tpu.memref_slice %arg10[%dma_wait3A_350, %dma_wait3A_351] : memref<10240x32xf32, #tpu.memory_space<vmem_shared>> -> memref<10240x32xf32, #tpu.memory_space<vmem_shared>>
        tpu.wait_indirect_dma semaphore(%run_scoped3A_332 : memref<!tpu.dma_semaphore, #tpu.memory_space<semaphore_mem>>) src(%dma_wait3A_346 : memref<128x32xf32, #tpu.memory_space<vmem>>) dst(%dma_wait3A_352 : memref<10240x32xf32, #tpu.memory_space<vmem_shared>>)
        tpu.yield
      }) : () -> ()
      %add3A_299 = arith.constant 8 : i32
      %add3A_300 = arith.addi %add3A_282, %add3A_299 : i32
      %lt3A_301 = arith.constant 160 : i32
      %lt3A_302 = arith.cmpi slt, %add3A_300, %lt3A_301 : i32
      %convert_element_type3A_303 = arith.extui %lt3A_302 : i1 to i32
      %cond3A_304 = arith.constant 0 : i32
      %cond3A_305 = arith.cmpi ne, %convert_element_type3A_303, %cond3A_304 : i32
      scf.if %cond3A_305 {
        %add3A_332 = arith.constant 8 : i32
        %add3A_333 = arith.addi %add3A_282, %add3A_332 : i32
        %dma_start3A_334 = arith.constant 6 : i32
        %dma_start3A_335 = arith.constant 0 : i32
        %dma_start3A_336 = arith.constant 0 : i32
        %dma_start3A_337 = tpu.memref_slice %arg8[%dma_start3A_334, %dma_start3A_335, %dma_start3A_336] : memref<8x128x32xf32, #tpu.memory_space<vmem>> -> memref<1x128x32xf32, #tpu.memory_space<vmem>>
        %dma_start3A_338 = tpu.memref_squeeze %dma_start3A_337 : memref<1x128x32xf32, #tpu.memory_space<vmem>> -> memref<128x32xf32, #tpu.memory_space<vmem>>
        %dma_start3A_339 = arith.constant 0 : i32
        %dma_start3A_340 = tpu.memref_slice %arg6[%add3A_333, %dma_start3A_339] : memref<160x128xi32, #tpu.memory_space<vmem>> -> memref<1x128xi32, #tpu.memory_space<vmem>>
        %dma_start3A_341 = tpu.memref_squeeze %dma_start3A_340 : memref<1x128xi32, #tpu.memory_space<vmem>> -> memref<128xi32, #tpu.memory_space<vmem>>
        %dma_start3A_342 = arith.constant 0 : i32
        %dma_start3A_343 = arith.constant 0 : i32
        %dma_start3A_344 = tpu.memref_slice %arg11[%dma_start3A_342, %dma_start3A_343] : memref<10240x32xf32, #tpu.memory_space<vmem_shared>> -> memref<10240x32xf32, #tpu.memory_space<vmem_shared>>
        tpu.enqueue_indirect_dma source(%dma_start3A_344 : memref<10240x32xf32, #tpu.memory_space<vmem_shared>>) target(%dma_start3A_338 : memref<128x32xf32, #tpu.memory_space<vmem>>) offsets(%dma_start3A_341 : memref<128xi32, #tpu.memory_space<vmem>>) semaphore(%arg18 : memref<!tpu.dma_semaphore, #tpu.memory_space<semaphore_mem>>)
      } else {
      }
      %add3A_306 = arith.constant 7 : i32
      %add3A_307 = arith.addi %mul3A_135, %add3A_306 : i32
      %dma_wait3A_308 = arith.constant 7 : i32
      %dma_wait3A_309 = arith.constant 0 : i32
      %dma_wait3A_310 = arith.constant 0 : i32
      %dma_wait3A_311 = tpu.memref_slice %arg8[%dma_wait3A_308, %dma_wait3A_309, %dma_wait3A_310] : memref<8x128x32xf32, #tpu.memory_space<vmem>> -> memref<1x128x32xf32, #tpu.memory_space<vmem>>
      %dma_wait3A_312 = tpu.memref_squeeze %dma_wait3A_311 : memref<1x128x32xf32, #tpu.memory_space<vmem>> -> memref<128x32xf32, #tpu.memory_space<vmem>>
      %dma_wait3A_313 = arith.constant 0 : i32
      %dma_wait3A_314 = arith.constant 0 : i32
      %dma_wait3A_315 = tpu.memref_slice %arg4[%dma_wait3A_313, %dma_wait3A_314] : memref<10240x32xf32, #tpu.memory_space<hbm>> -> memref<128x32xf32, #tpu.memory_space<hbm>>
      %dma_wait3A_316 = arith.constant 0 : i32
      %dma_wait3A_317 = arith.constant 0 : i32
      %dma_wait3A_318 = tpu.memref_slice %arg8[%dma_wait3A_308, %dma_wait3A_316, %dma_wait3A_317] : memref<8x128x32xf32, #tpu.memory_space<vmem>> -> memref<1x128x32xf32, #tpu.memory_space<vmem>>
      %dma_wait3A_319 = tpu.memref_squeeze %dma_wait3A_318 : memref<1x128x32xf32, #tpu.memory_space<vmem>> -> memref<128x32xf32, #tpu.memory_space<vmem>>
      %dma_wait3A_320 = arith.constant 0 : i32
      %dma_wait3A_321 = arith.constant 0 : i32
      %dma_wait3A_322 = tpu.memref_slice %arg4[%dma_wait3A_320, %dma_wait3A_321] : memref<10240x32xf32, #tpu.memory_space<hbm>> -> memref<128x32xf32, #tpu.memory_space<hbm>>
      tpu.wait_dma2 semaphore(%arg19 : memref<!tpu.dma_semaphore, #tpu.memory_space<semaphore_mem>>) src(%dma_wait3A_322 : memref<128x32xf32, #tpu.memory_space<hbm>>) dst(%dma_wait3A_319 : memref<128x32xf32, #tpu.memory_space<vmem>>)
      %run_scoped3A_323 = arith.constant 7 : i32
      "tpu.region"() ({
        %run_scoped3A_332 = tpu.sem_alloc : memref<!tpu.dma_semaphore, #tpu.memory_space<semaphore_mem>>
        %dma_start3A_333 = arith.constant 0 : i32
        %dma_start3A_334 = arith.constant 0 : i32
        %dma_start3A_335 = tpu.memref_slice %arg8[%run_scoped3A_323, %dma_start3A_333, %dma_start3A_334] : memref<8x128x32xf32, #tpu.memory_space<vmem>> -> memref<1x128x32xf32, #tpu.memory_space<vmem>>
        %dma_start3A_336 = tpu.memref_squeeze %dma_start3A_335 : memref<1x128x32xf32, #tpu.memory_space<vmem>> -> memref<128x32xf32, #tpu.memory_space<vmem>>
        %dma_start3A_337 = arith.constant 0 : i32
        %dma_start3A_338 = tpu.memref_slice %arg7[%add3A_307, %dma_start3A_337] : memref<160x128xi32, #tpu.memory_space<vmem>> -> memref<1x128xi32, #tpu.memory_space<vmem>>
        %dma_start3A_339 = tpu.memref_squeeze %dma_start3A_338 : memref<1x128xi32, #tpu.memory_space<vmem>> -> memref<128xi32, #tpu.memory_space<vmem>>
        %dma_start3A_340 = arith.constant 0 : i32
        %dma_start3A_341 = arith.constant 0 : i32
        %dma_start3A_342 = tpu.memref_slice %arg10[%dma_start3A_340, %dma_start3A_341] : memref<10240x32xf32, #tpu.memory_space<vmem_shared>> -> memref<10240x32xf32, #tpu.memory_space<vmem_shared>>
        tpu.enqueue_indirect_dma source(%dma_start3A_336 : memref<128x32xf32, #tpu.memory_space<vmem>>) target(%dma_start3A_342 : memref<10240x32xf32, #tpu.memory_space<vmem_shared>>) offsets(%dma_start3A_339 : memref<128xi32, #tpu.memory_space<vmem>>) semaphore(%run_scoped3A_332 : memref<!tpu.dma_semaphore, #tpu.memory_space<semaphore_mem>>) {add = true}
        %dma_wait3A_343 = arith.constant 0 : i32
        %dma_wait3A_344 = arith.constant 0 : i32
        %dma_wait3A_345 = tpu.memref_slice %arg8[%run_scoped3A_323, %dma_wait3A_343, %dma_wait3A_344] : memref<8x128x32xf32, #tpu.memory_space<vmem>> -> memref<1x128x32xf32, #tpu.memory_space<vmem>>
        %dma_wait3A_346 = tpu.memref_squeeze %dma_wait3A_345 : memref<1x128x32xf32, #tpu.memory_space<vmem>> -> memref<128x32xf32, #tpu.memory_space<vmem>>
        %dma_wait3A_347 = arith.constant 0 : i32
        %dma_wait3A_348 = tpu.memref_slice %arg7[%add3A_307, %dma_wait3A_347] : memref<160x128xi32, #tpu.memory_space<vmem>> -> memref<1x128xi32, #tpu.memory_space<vmem>>
        %dma_wait3A_349 = tpu.memref_squeeze %dma_wait3A_348 : memref<1x128xi32, #tpu.memory_space<vmem>> -> memref<128xi32, #tpu.memory_space<vmem>>
        %dma_wait3A_350 = arith.constant 0 : i32
        %dma_wait3A_351 = arith.constant 0 : i32
        %dma_wait3A_352 = tpu.memref_slice %arg10[%dma_wait3A_350, %dma_wait3A_351] : memref<10240x32xf32, #tpu.memory_space<vmem_shared>> -> memref<10240x32xf32, #tpu.memory_space<vmem_shared>>
        tpu.wait_indirect_dma semaphore(%run_scoped3A_332 : memref<!tpu.dma_semaphore, #tpu.memory_space<semaphore_mem>>) src(%dma_wait3A_346 : memref<128x32xf32, #tpu.memory_space<vmem>>) dst(%dma_wait3A_352 : memref<10240x32xf32, #tpu.memory_space<vmem_shared>>)
        tpu.yield
      }) : () -> ()
      %add3A_324 = arith.constant 8 : i32
      %add3A_325 = arith.addi %add3A_307, %add3A_324 : i32
      %lt3A_326 = arith.constant 160 : i32
      %lt3A_327 = arith.cmpi slt, %add3A_325, %lt3A_326 : i32
      %convert_element_type3A_328 = arith.extui %lt3A_327 : i1 to i32
      %cond3A_329 = arith.constant 0 : i32
      %cond3A_330 = arith.cmpi ne, %convert_element_type3A_328, %cond3A_329 : i32
      scf.if %cond3A_330 {
        %add3A_332 = arith.constant 8 : i32
        %add3A_333 = arith.addi %add3A_307, %add3A_332 : i32
        %dma_start3A_334 = arith.constant 7 : i32
        %dma_start3A_335 = arith.constant 0 : i32
        %dma_start3A_336 = arith.constant 0 : i32
        %dma_start3A_337 = tpu.memref_slice %arg8[%dma_start3A_334, %dma_start3A_335, %dma_start3A_336] : memref<8x128x32xf32, #tpu.memory_space<vmem>> -> memref<1x128x32xf32, #tpu.memory_space<vmem>>
        %dma_start3A_338 = tpu.memref_squeeze %dma_start3A_337 : memref<1x128x32xf32, #tpu.memory_space<vmem>> -> memref<128x32xf32, #tpu.memory_space<vmem>>
        %dma_start3A_339 = arith.constant 0 : i32
        %dma_start3A_340 = tpu.memref_slice %arg6[%add3A_333, %dma_start3A_339] : memref<160x128xi32, #tpu.memory_space<vmem>> -> memref<1x128xi32, #tpu.memory_space<vmem>>
        %dma_start3A_341 = tpu.memref_squeeze %dma_start3A_340 : memref<1x128xi32, #tpu.memory_space<vmem>> -> memref<128xi32, #tpu.memory_space<vmem>>
        %dma_start3A_342 = arith.constant 0 : i32
        %dma_start3A_343 = arith.constant 0 : i32
        %dma_start3A_344 = tpu.memref_slice %arg11[%dma_start3A_342, %dma_start3A_343] : memref<10240x32xf32, #tpu.memory_space<vmem_shared>> -> memref<10240x32xf32, #tpu.memory_space<vmem_shared>>
        tpu.enqueue_indirect_dma source(%dma_start3A_344 : memref<10240x32xf32, #tpu.memory_space<vmem_shared>>) target(%dma_start3A_338 : memref<128x32xf32, #tpu.memory_space<vmem>>) offsets(%dma_start3A_341 : memref<128xi32, #tpu.memory_space<vmem>>) semaphore(%arg19 : memref<!tpu.dma_semaphore, #tpu.memory_space<semaphore_mem>>)
      } else {
      }
      %scan3A_331 = arith.constant 0 : i32
      scf.yield %scan3A_331 : i32
    }
    %scan3A_123 = arith.constant 20 : i32
    %barrier3A_124 = arith.constant 0 : index
    tpu.barrier barrier_id(%barrier3A_124)
    %mul3A_125 = arith.constant 640 : i32
    %mul3A_126 = arith.muli %arg1, %mul3A_125 : i32
    %mul3A_127 = arith.constant 10240 : i32
    %mul3A_128 = arith.muli %arg0, %mul3A_127 : i32
    %mul3A_129 = arith.constant 640 : i32
    %mul3A_130 = arith.muli %arg1, %mul3A_129 : i32
    %add3A_131 = arith.addi %mul3A_128, %mul3A_130 : i32
    "tpu.region"() ({
      %run_scoped3A = tpu.sem_alloc : memref<!tpu.dma_semaphore, #tpu.memory_space<semaphore_mem>>
      %dma_start3A_132 = arith.constant 0 : i32
      %dma_start3A_133 = tpu.memref_slice %arg5[%add3A_131, %dma_start3A_132] : memref<20480x32xf32, #tpu.memory_space<hbm>> -> memref<640x32xf32, #tpu.memory_space<hbm>>
      %dma_start3A_134 = arith.constant 0 : i32
      %dma_start3A_135 = tpu.memref_slice %arg10[%mul3A_126, %dma_start3A_134] : memref<10240x32xf32, #tpu.memory_space<vmem_shared>> -> memref<640x32xf32, #tpu.memory_space<vmem_shared>>
      tpu.enqueue_dma source(%dma_start3A_135 : memref<640x32xf32, #tpu.memory_space<vmem_shared>>) target(%dma_start3A_133 : memref<640x32xf32, #tpu.memory_space<hbm>>) target_semaphore(%run_scoped3A : memref<!tpu.dma_semaphore, #tpu.memory_space<semaphore_mem>>)
      %dma_wait3A = arith.constant 0 : i32
      %dma_wait3A_136 = tpu.memref_slice %arg5[%add3A_131, %dma_wait3A] : memref<20480x32xf32, #tpu.memory_space<hbm>> -> memref<640x32xf32, #tpu.memory_space<hbm>>
      %dma_wait3A_137 = arith.constant 0 : i32
      %dma_wait3A_138 = tpu.memref_slice %arg10[%mul3A_126, %dma_wait3A_137] : memref<10240x32xf32, #tpu.memory_space<vmem_shared>> -> memref<640x32xf32, #tpu.memory_space<vmem_shared>>
      tpu.wait_dma2 semaphore(%run_scoped3A : memref<!tpu.dma_semaphore, #tpu.memory_space<semaphore_mem>>) src(%dma_wait3A_138 : memref<640x32xf32, #tpu.memory_space<vmem_shared>>) dst(%dma_wait3A_136 : memref<640x32xf32, #tpu.memory_space<hbm>>)
      tpu.yield
    }) : () -> ()
    return
  }
}

module attributes {stable_mosaic.version = 14 : i64} {
  func.func @_tc1_body(%arg0: memref<10240x128xf32, #tpu.memory_space<vmem>>, %arg1: memref<20480x16xf32, #tpu.memory_space<vmem>>, %arg2: memref<128x32xf32, #tpu.memory_space<vmem>>, %arg3: memref<1x32xf32, #tpu.memory_space<vmem>>, %arg4: memref<32x32xf32, #tpu.memory_space<vmem>>, %arg5: memref<1x32xf32, #tpu.memory_space<vmem>>, %arg6: memref<32x32xf32, #tpu.memory_space<vmem>>, %arg7: memref<1x32xf32, #tpu.memory_space<vmem>>, %arg8: memref<32x32xf32, #tpu.memory_space<vmem>>, %arg9: memref<1x32xf32, #tpu.memory_space<vmem>>, %arg10: memref<10240x32xf32, #tpu.memory_space<vmem>>, %arg11: memref<10240x32xf32, #tpu.memory_space<vmem>>, %arg12: memref<10240x32xf32, #tpu.memory_space<vmem>>) attributes {dimension_semantics = [], scalar_prefetch = 0 : i64, scratch_operands = 0 : i64, tpu.core_type = #tpu.core_type<tc>} {
    %get3A = arith.constant 0 : index
    %get3A_0 = arith.constant 0 : index
    %get3A_1 = vector.load %arg0[%get3A, %get3A_0] : memref<10240x128xf32, #tpu.memory_space<vmem>>, vector<10240x128xf32>
    %get3A_2 = arith.constant 0 : index
    %get3A_3 = arith.constant 0 : index
    %get3A_4 = vector.load %arg2[%get3A_2, %get3A_3] : memref<128x32xf32, #tpu.memory_space<vmem>>, vector<128x32xf32>
    %dot_general3A = arith.constant dense<0.000000e+00> : vector<10240x32xf32>
    %dot_general3A_5 = tpu.matmul %get3A_1, %get3A_4, %dot_general3A {dimension_numbers = #tpu.dot_dimension_numbers<[1], [0], [0], [1], [0, 0, 1, 1], [], []>, transpose_lhs_hint = false} : vector<10240x128xf32>, vector<128x32xf32>, vector<10240x32xf32> -> vector<10240x32xf32>
    %get3A_6 = arith.constant 0 : index
    %get3A_7 = arith.constant 0 : index
    %get3A_8 = vector.load %arg3[%get3A_6, %get3A_7] : memref<1x32xf32, #tpu.memory_space<vmem>>, vector<1x32xf32>
    %add3A = vector.broadcast %get3A_8 : vector<1x32xf32> to vector<10240x32xf32>
    %add3A_9 = arith.addf %dot_general3A_5, %add3A : vector<10240x32xf32>
    %get3A_10 = arith.constant 0 : index
    %get3A_11 = arith.constant 0 : index
    %get3A_12 = vector.load %arg4[%get3A_10, %get3A_11] : memref<32x32xf32, #tpu.memory_space<vmem>>, vector<32x32xf32>
    %dot_general3A_13 = arith.constant dense<0.000000e+00> : vector<10240x32xf32>
    %dot_general3A_14 = tpu.matmul %add3A_9, %get3A_12, %dot_general3A_13 {dimension_numbers = #tpu.dot_dimension_numbers<[1], [0], [0], [1], [0, 0, 1, 1], [], []>, transpose_lhs_hint = false} : vector<10240x32xf32>, vector<32x32xf32>, vector<10240x32xf32> -> vector<10240x32xf32>
    %get3A_15 = arith.constant 0 : index
    %get3A_16 = arith.constant 0 : index
    %get3A_17 = vector.load %arg5[%get3A_15, %get3A_16] : memref<1x32xf32, #tpu.memory_space<vmem>>, vector<1x32xf32>
    %add3A_18 = vector.broadcast %get3A_17 : vector<1x32xf32> to vector<10240x32xf32>
    %add3A_19 = arith.addf %dot_general3A_14, %add3A_18 : vector<10240x32xf32>
    %get3A_20 = arith.constant 0 : index
    %get3A_21 = arith.constant 0 : index
    %get3A_22 = vector.load %arg6[%get3A_20, %get3A_21] : memref<32x32xf32, #tpu.memory_space<vmem>>, vector<32x32xf32>
    %dot_general3A_23 = arith.constant dense<0.000000e+00> : vector<10240x32xf32>
    %dot_general3A_24 = tpu.matmul %add3A_9, %get3A_22, %dot_general3A_23 {dimension_numbers = #tpu.dot_dimension_numbers<[1], [0], [0], [1], [0, 0, 1, 1], [], []>, transpose_lhs_hint = false} : vector<10240x32xf32>, vector<32x32xf32>, vector<10240x32xf32> -> vector<10240x32xf32>
    %get3A_25 = arith.constant 0 : index
    %get3A_26 = arith.constant 0 : index
    %get3A_27 = vector.load %arg7[%get3A_25, %get3A_26] : memref<1x32xf32, #tpu.memory_space<vmem>>, vector<1x32xf32>
    %add3A_28 = vector.broadcast %get3A_27 : vector<1x32xf32> to vector<10240x32xf32>
    %add3A_29 = arith.addf %dot_general3A_24, %add3A_28 : vector<10240x32xf32>
    %get3A_30 = arith.constant 0 : index
    %get3A_31 = arith.constant 0 : index
    %get3A_32 = vector.load %arg8[%get3A_30, %get3A_31] : memref<32x32xf32, #tpu.memory_space<vmem>>, vector<32x32xf32>
    %dot_general3A_33 = arith.constant dense<0.000000e+00> : vector<10240x32xf32>
    %dot_general3A_34 = tpu.matmul %add3A_9, %get3A_32, %dot_general3A_33 {dimension_numbers = #tpu.dot_dimension_numbers<[1], [0], [0], [1], [0, 0, 1, 1], [], []>, transpose_lhs_hint = false} : vector<10240x32xf32>, vector<32x32xf32>, vector<10240x32xf32> -> vector<10240x32xf32>
    %get3A_35 = arith.constant 0 : index
    %get3A_36 = arith.constant 0 : index
    %get3A_37 = vector.load %arg9[%get3A_35, %get3A_36] : memref<1x32xf32, #tpu.memory_space<vmem>>, vector<1x32xf32>
    %add3A_38 = vector.broadcast %get3A_37 : vector<1x32xf32> to vector<10240x32xf32>
    %add3A_39 = arith.addf %dot_general3A_34, %add3A_38 : vector<10240x32xf32>
    %neg3A = arith.constant 0.000000e+00 : f32
    %neg3A_40 = vector.broadcast %neg3A : f32 to vector<10240x32xf32>
    %neg3A_41 = arith.subf %neg3A_40, %add3A_29 : vector<10240x32xf32>
    %exp3A = math.exp %neg3A_41 : vector<10240x32xf32>
    %add3A_42 = arith.constant 1.000000e+00 : f32
    %add3A_43 = vector.broadcast %add3A_42 : f32 to vector<10240x32xf32>
    %add3A_44 = arith.addf %add3A_43, %exp3A : vector<10240x32xf32>
    %div3A = arith.constant 1.000000e+00 : f32
    %div3A_45 = vector.broadcast %div3A : f32 to vector<10240x32xf32>
    %div3A_46 = arith.divf %div3A_45, %add3A_44 : vector<10240x32xf32>
    %mul3A = arith.mulf %add3A_19, %div3A_46 : vector<10240x32xf32>
    %add3A_47 = arith.addf %mul3A, %add3A_39 : vector<10240x32xf32>
    %max3A = arith.constant 0.000000e+00 : f32
    %max3A_48 = vector.broadcast %max3A : f32 to vector<10240x32xf32>
    %max3A_49 = arith.maximumf %add3A_47, %max3A_48 : vector<10240x32xf32>
    %get3A_50 = arith.constant 0 : index
    %get3A_51 = arith.constant 0 : index
    %get3A_52 = vector.load %arg1[%get3A_50, %get3A_51] : memref<20480x16xf32, #tpu.memory_space<vmem>>, vector<20480x16xf32>
    %slice3A = vector.extract_strided_slice %get3A_52 {offsets = [0, 0], sizes = [10240, 16], strides = [1, 1]} : vector<20480x16xf32> to vector<10240x16xf32>
    %slice3A_53 = vector.extract_strided_slice %get3A_52 {offsets = [10240, 0], sizes = [10240, 16], strides = [1, 1]} : vector<20480x16xf32> to vector<10240x16xf32>
    %add3A_54 = arith.addf %slice3A, %slice3A_53 : vector<10240x16xf32>
    %iota3A = tpu.iota {dimensions = array<i32: 0>} : vector<10240x16xi32>
    %gt3A = arith.constant 0.000000e+00 : f32
    %gt3A_55 = vector.broadcast %gt3A : f32 to vector<10240x16xf32>
    %gt3A_56 = arith.cmpf ogt, %add3A_54, %gt3A_55 : vector<10240x16xf32>
    %lt3A = arith.constant 10000 : i32
    %lt3A_57 = vector.broadcast %lt3A : i32 to vector<10240x16xi32>
    %lt3A_58 = arith.cmpi slt, %iota3A, %lt3A_57 : vector<10240x16xi32>
    %and3A = arith.andi %gt3A_56, %lt3A_58 : vector<10240x16xi1>
    %rsqrt3A = math.rsqrt %add3A_54 : vector<10240x16xf32>
    %jit3A = arith.constant 0.000000e+00 : f32
    %broadcast_in_dim3A = vector.broadcast %jit3A : f32 to vector<10240x16xf32>
    %select_n3A = arith.select %and3A, %rsqrt3A, %broadcast_in_dim3A : vector<10240x16xi1>, vector<10240x16xf32>
    %concatenate3A = tpu.concatenate %select_n3A, %select_n3A in 1 : vector<10240x16xf32>, vector<10240x16xf32> -> vector<10240x32xf32>
    %iota3A_59 = tpu.iota {dimensions = array<i32: 0>} : vector<10240x32xi32>
    %lt3A_60 = arith.constant 10000 : i32
    %lt3A_61 = vector.broadcast %lt3A_60 : i32 to vector<10240x32xi32>
    %lt3A_62 = arith.cmpi slt, %iota3A_59, %lt3A_61 : vector<10240x32xi32>
    %jit3A_63 = arith.constant 0.000000e+00 : f32
    %broadcast_in_dim3A_64 = vector.broadcast %jit3A_63 : f32 to vector<10240x32xf32>
    %select_n3A_65 = arith.select %lt3A_62, %max3A_49, %broadcast_in_dim3A_64 : vector<10240x32xi1>, vector<10240x32xf32>
    %swap3A = arith.constant 0 : index
    %swap3A_66 = arith.constant 0 : index
    %swap3A_67 = vector.load %arg10[%swap3A, %swap3A_66] : memref<10240x32xf32, #tpu.memory_space<vmem>>, vector<10240x32xf32>
    tpu.vector_store %arg10[%swap3A, %swap3A_66], %select_n3A_65 {strides = array<i32>} : memref<10240x32xf32, #tpu.memory_space<vmem>>, vector<10240x32xf32>,
    %mul3A_68 = arith.mulf %concatenate3A, %select_n3A_65 : vector<10240x32xf32>
    %swap3A_69 = arith.constant 0 : index
    %swap3A_70 = arith.constant 0 : index
    %swap3A_71 = vector.load %arg11[%swap3A_69, %swap3A_70] : memref<10240x32xf32, #tpu.memory_space<vmem>>, vector<10240x32xf32>
    tpu.vector_store %arg11[%swap3A_69, %swap3A_70], %mul3A_68 {strides = array<i32>} : memref<10240x32xf32, #tpu.memory_space<vmem>>, vector<10240x32xf32>,
    %swap3A_72 = arith.constant 0 : index
    %swap3A_73 = arith.constant 0 : index
    %swap3A_74 = vector.load %arg12[%swap3A_72, %swap3A_73] : memref<10240x32xf32, #tpu.memory_space<vmem>>, vector<10240x32xf32>
    tpu.vector_store %arg12[%swap3A_72, %swap3A_73], %concatenate3A {strides = array<i32>} : memref<10240x32xf32, #tpu.memory_space<vmem>>, vector<10240x32xf32>,
    return
  }
}

module attributes {stable_mosaic.version = 14 : i64} {
  func.func @_tc2_body(%arg0: memref<20480x32xf32, #tpu.memory_space<vmem>>, %arg1: memref<10240x32xf32, #tpu.memory_space<vmem>>, %arg2: memref<10240x32xf32, #tpu.memory_space<vmem>>, %arg3: memref<10240x32xf32, #tpu.memory_space<vmem>>) attributes {dimension_semantics = [], scalar_prefetch = 0 : i64, scratch_operands = 0 : i64, tpu.core_type = #tpu.core_type<tc>} {
    %get3A = arith.constant 0 : index
    %get3A_0 = arith.constant 0 : index
    %get3A_1 = vector.load %arg0[%get3A, %get3A_0] : memref<20480x32xf32, #tpu.memory_space<vmem>>, vector<20480x32xf32>
    %get3A_2 = arith.constant 0 : index
    %get3A_3 = arith.constant 0 : index
    %get3A_4 = vector.load %arg1[%get3A_2, %get3A_3] : memref<10240x32xf32, #tpu.memory_space<vmem>>, vector<10240x32xf32>
    %slice3A = vector.extract_strided_slice %get3A_1 {offsets = [0, 0], sizes = [10240, 32], strides = [1, 1]} : vector<20480x32xf32> to vector<10240x32xf32>
    %slice3A_5 = vector.extract_strided_slice %get3A_1 {offsets = [10240, 0], sizes = [10240, 32], strides = [1, 1]} : vector<20480x32xf32> to vector<10240x32xf32>
    %add3A = arith.addf %slice3A, %slice3A_5 : vector<10240x32xf32>
    %neg3A = arith.constant 0.000000e+00 : f32
    %neg3A_6 = vector.broadcast %neg3A : f32 to vector<10240x32xf32>
    %neg3A_7 = arith.subf %neg3A_6, %get3A_4 : vector<10240x32xf32>
    %mul3A = arith.mulf %neg3A_7, %add3A : vector<10240x32xf32>
    %swap3A = arith.constant 0 : index
    %swap3A_8 = arith.constant 0 : index
    %swap3A_9 = vector.load %arg2[%swap3A, %swap3A_8] : memref<10240x32xf32, #tpu.memory_space<vmem>>, vector<10240x32xf32>
    tpu.vector_store %arg2[%swap3A, %swap3A_8], %mul3A {strides = array<i32>} : memref<10240x32xf32, #tpu.memory_space<vmem>>, vector<10240x32xf32>,
    %mul3A_10 = arith.mulf %get3A_4, %mul3A : vector<10240x32xf32>
    %swap3A_11 = arith.constant 0 : index
    %swap3A_12 = arith.constant 0 : index
    %swap3A_13 = vector.load %arg3[%swap3A_11, %swap3A_12] : memref<10240x32xf32, #tpu.memory_space<vmem>>, vector<10240x32xf32>
    tpu.vector_store %arg3[%swap3A_11, %swap3A_12], %mul3A_10 {strides = array<i32>} : memref<10240x32xf32, #tpu.memory_space<vmem>>, vector<10240x32xf32>,
    return
  }
}

module attributes {stable_mosaic.version = 14 : i64} {
  func.func @_tc3_body(%arg0: memref<20480x32xf32, #tpu.memory_space<vmem>>, %arg1: memref<10240x32xf32, #tpu.memory_space<vmem>>, %arg2: memref<10240x32xf32, #tpu.memory_space<vmem>>, %arg3: memref<10240x32xf32, #tpu.memory_space<vmem>>, %arg4: memref<32x32xf32, #tpu.memory_space<vmem>>, %arg5: memref<32x32xf32, #tpu.memory_space<vmem>>, %arg6: memref<32x32xf32, #tpu.memory_space<vmem>>, %arg7: memref<1x32xf32, #tpu.memory_space<vmem>>, %arg8: memref<32x32xf32, #tpu.memory_space<vmem>>, %arg9: memref<1x32xf32, #tpu.memory_space<vmem>>, %arg10: memref<32x32xf32, #tpu.memory_space<vmem>>, %arg11: memref<1x32xf32, #tpu.memory_space<vmem>>, %arg12: memref<32x32xf32, #tpu.memory_space<vmem>>, %arg13: memref<1x32xf32, #tpu.memory_space<vmem>>, %arg14: memref<10240x32xf32, #tpu.memory_space<vmem>>) attributes {dimension_semantics = [], scalar_prefetch = 0 : i64, scratch_operands = 0 : i64, tpu.core_type = #tpu.core_type<tc>} {
    %get3A = arith.constant 0 : index
    %get3A_0 = arith.constant 0 : index
    %get3A_1 = vector.load %arg0[%get3A, %get3A_0] : memref<20480x32xf32, #tpu.memory_space<vmem>>, vector<20480x32xf32>
    %get3A_2 = arith.constant 0 : index
    %get3A_3 = arith.constant 0 : index
    %get3A_4 = vector.load %arg1[%get3A_2, %get3A_3] : memref<10240x32xf32, #tpu.memory_space<vmem>>, vector<10240x32xf32>
    %get3A_5 = arith.constant 0 : index
    %get3A_6 = arith.constant 0 : index
    %get3A_7 = vector.load %arg2[%get3A_5, %get3A_6] : memref<10240x32xf32, #tpu.memory_space<vmem>>, vector<10240x32xf32>
    %get3A_8 = arith.constant 0 : index
    %get3A_9 = arith.constant 0 : index
    %get3A_10 = vector.load %arg3[%get3A_8, %get3A_9] : memref<10240x32xf32, #tpu.memory_space<vmem>>, vector<10240x32xf32>
    %slice3A = vector.extract_strided_slice %get3A_1 {offsets = [0, 0], sizes = [10240, 32], strides = [1, 1]} : vector<20480x32xf32> to vector<10240x32xf32>
    %slice3A_11 = vector.extract_strided_slice %get3A_1 {offsets = [10240, 0], sizes = [10240, 32], strides = [1, 1]} : vector<20480x32xf32> to vector<10240x32xf32>
    %add3A = arith.addf %slice3A, %slice3A_11 : vector<10240x32xf32>
    %mul3A = arith.constant -2.000000e+00 : f32
    %mul3A_12 = vector.broadcast %mul3A : f32 to vector<10240x32xf32>
    %mul3A_13 = arith.mulf %mul3A_12, %get3A_4 : vector<10240x32xf32>
    %mul3A_14 = arith.mulf %mul3A_13, %add3A : vector<10240x32xf32>
    %sub3A = arith.subf %mul3A_14, %get3A_7 : vector<10240x32xf32>
    %get3A_15 = arith.constant 0 : index
    %get3A_16 = arith.constant 0 : index
    %get3A_17 = vector.load %arg4[%get3A_15, %get3A_16] : memref<32x32xf32, #tpu.memory_space<vmem>>, vector<32x32xf32>
    %dot_general3A = arith.constant dense<0.000000e+00> : vector<10240x32xf32>
    %dot_general3A_18 = tpu.matmul %get3A_7, %get3A_17, %dot_general3A {dimension_numbers = #tpu.dot_dimension_numbers<[1], [0], [0], [1], [0, 0, 1, 1], [], []>, transpose_lhs_hint = false} : vector<10240x32xf32>, vector<32x32xf32>, vector<10240x32xf32> -> vector<10240x32xf32>
    %get3A_19 = arith.constant 0 : index
    %get3A_20 = arith.constant 0 : index
    %get3A_21 = vector.load %arg5[%get3A_19, %get3A_20] : memref<32x32xf32, #tpu.memory_space<vmem>>, vector<32x32xf32>
    %dot_general3A_22 = arith.constant dense<0.000000e+00> : vector<10240x32xf32>
    %dot_general3A_23 = tpu.matmul %get3A_10, %get3A_21, %dot_general3A_22 {dimension_numbers = #tpu.dot_dimension_numbers<[1], [0], [0], [1], [0, 0, 1, 1], [], []>, transpose_lhs_hint = false} : vector<10240x32xf32>, vector<32x32xf32>, vector<10240x32xf32> -> vector<10240x32xf32>
    %add3A_24 = arith.addf %dot_general3A_18, %dot_general3A_23 : vector<10240x32xf32>
    %get3A_25 = arith.constant 0 : index
    %get3A_26 = arith.constant 0 : index
    %get3A_27 = vector.load %arg6[%get3A_25, %get3A_26] : memref<32x32xf32, #tpu.memory_space<vmem>>, vector<32x32xf32>
    %dot_general3A_28 = arith.constant dense<0.000000e+00> : vector<10240x32xf32>
    %dot_general3A_29 = tpu.matmul %sub3A, %get3A_27, %dot_general3A_28 {dimension_numbers = #tpu.dot_dimension_numbers<[1], [0], [0], [1], [0, 0, 1, 1], [], []>, transpose_lhs_hint = false} : vector<10240x32xf32>, vector<32x32xf32>, vector<10240x32xf32> -> vector<10240x32xf32>
    %add3A_30 = arith.addf %add3A_24, %dot_general3A_29 : vector<10240x32xf32>
    %get3A_31 = arith.constant 0 : index
    %get3A_32 = arith.constant 0 : index
    %get3A_33 = vector.load %arg7[%get3A_31, %get3A_32] : memref<1x32xf32, #tpu.memory_space<vmem>>, vector<1x32xf32>
    %add3A_34 = vector.broadcast %get3A_33 : vector<1x32xf32> to vector<10240x32xf32>
    %add3A_35 = arith.addf %add3A_30, %add3A_34 : vector<10240x32xf32>
    %max3A = arith.constant 0.000000e+00 : f32
    %max3A_36 = vector.broadcast %max3A : f32 to vector<10240x32xf32>
    %max3A_37 = arith.maximumf %add3A_35, %max3A_36 : vector<10240x32xf32>
    %get3A_38 = arith.constant 0 : index
    %get3A_39 = arith.constant 0 : index
    %get3A_40 = vector.load %arg8[%get3A_38, %get3A_39] : memref<32x32xf32, #tpu.memory_space<vmem>>, vector<32x32xf32>
    %dot_general3A_41 = arith.constant dense<0.000000e+00> : vector<10240x32xf32>
    %dot_general3A_42 = tpu.matmul %max3A_37, %get3A_40, %dot_general3A_41 {dimension_numbers = #tpu.dot_dimension_numbers<[1], [0], [0], [1], [0, 0, 1, 1], [], []>, transpose_lhs_hint = false} : vector<10240x32xf32>, vector<32x32xf32>, vector<10240x32xf32> -> vector<10240x32xf32>
    %get3A_43 = arith.constant 0 : index
    %get3A_44 = arith.constant 0 : index
    %get3A_45 = vector.load %arg9[%get3A_43, %get3A_44] : memref<1x32xf32, #tpu.memory_space<vmem>>, vector<1x32xf32>
    %add3A_46 = vector.broadcast %get3A_45 : vector<1x32xf32> to vector<10240x32xf32>
    %add3A_47 = arith.addf %dot_general3A_42, %add3A_46 : vector<10240x32xf32>
    %get3A_48 = arith.constant 0 : index
    %get3A_49 = arith.constant 0 : index
    %get3A_50 = vector.load %arg10[%get3A_48, %get3A_49] : memref<32x32xf32, #tpu.memory_space<vmem>>, vector<32x32xf32>
    %dot_general3A_51 = arith.constant dense<0.000000e+00> : vector<10240x32xf32>
    %dot_general3A_52 = tpu.matmul %max3A_37, %get3A_50, %dot_general3A_51 {dimension_numbers = #tpu.dot_dimension_numbers<[1], [0], [0], [1], [0, 0, 1, 1], [], []>, transpose_lhs_hint = false} : vector<10240x32xf32>, vector<32x32xf32>, vector<10240x32xf32> -> vector<10240x32xf32>
    %get3A_53 = arith.constant 0 : index
    %get3A_54 = arith.constant 0 : index
    %get3A_55 = vector.load %arg11[%get3A_53, %get3A_54] : memref<1x32xf32, #tpu.memory_space<vmem>>, vector<1x32xf32>
    %add3A_56 = vector.broadcast %get3A_55 : vector<1x32xf32> to vector<10240x32xf32>
    %add3A_57 = arith.addf %dot_general3A_52, %add3A_56 : vector<10240x32xf32>
    %get3A_58 = arith.constant 0 : index
    %get3A_59 = arith.constant 0 : index
    %get3A_60 = vector.load %arg12[%get3A_58, %get3A_59] : memref<32x32xf32, #tpu.memory_space<vmem>>, vector<32x32xf32>
    %dot_general3A_61 = arith.constant dense<0.000000e+00> : vector<10240x32xf32>
    %dot_general3A_62 = tpu.matmul %max3A_37, %get3A_60, %dot_general3A_61 {dimension_numbers = #tpu.dot_dimension_numbers<[1], [0], [0], [1], [0, 0, 1, 1], [], []>, transpose_lhs_hint = false} : vector<10240x32xf32>, vector<32x32xf32>, vector<10240x32xf32> -> vector<10240x32xf32>
    %get3A_63 = arith.constant 0 : index
    %get3A_64 = arith.constant 0 : index
    %get3A_65 = vector.load %arg13[%get3A_63, %get3A_64] : memref<1x32xf32, #tpu.memory_space<vmem>>, vector<1x32xf32>
    %add3A_66 = vector.broadcast %get3A_65 : vector<1x32xf32> to vector<10240x32xf32>
    %add3A_67 = arith.addf %dot_general3A_62, %add3A_66 : vector<10240x32xf32>
    %neg3A = arith.constant 0.000000e+00 : f32
    %neg3A_68 = vector.broadcast %neg3A : f32 to vector<10240x32xf32>
    %neg3A_69 = arith.subf %neg3A_68, %add3A_57 : vector<10240x32xf32>
    %exp3A = math.exp %neg3A_69 : vector<10240x32xf32>
    %add3A_70 = arith.constant 1.000000e+00 : f32
    %add3A_71 = vector.broadcast %add3A_70 : f32 to vector<10240x32xf32>
    %add3A_72 = arith.addf %add3A_71, %exp3A : vector<10240x32xf32>
    %div3A = arith.constant 1.000000e+00 : f32
    %div3A_73 = vector.broadcast %div3A : f32 to vector<10240x32xf32>
    %div3A_74 = arith.divf %div3A_73, %add3A_72 : vector<10240x32xf32>
    %mul3A_75 = arith.mulf %add3A_47, %div3A_74 : vector<10240x32xf32>
    %add3A_76 = arith.addf %mul3A_75, %add3A_67 : vector<10240x32xf32>
    %max3A_77 = arith.constant 0.000000e+00 : f32
    %max3A_78 = vector.broadcast %max3A_77 : f32 to vector<10240x32xf32>
    %max3A_79 = arith.maximumf %add3A_76, %max3A_78 : vector<10240x32xf32>
    %swap3A = arith.constant 0 : index
    %swap3A_80 = arith.constant 0 : index
    %swap3A_81 = vector.load %arg14[%swap3A, %swap3A_80] : memref<10240x32xf32, #tpu.memory_space<vmem>>, vector<10240x32xf32>
    tpu.vector_store %arg14[%swap3A, %swap3A_80], %max3A_79 {strides = array<i32>} : memref<10240x32xf32, #tpu.memory_space<vmem>>, vector<10240x32xf32>,
    return
  }
}

</mosaic_0001>

<sc_bundles>
// kernel: kernel.11.cloned.1.call-start
scs
__scs_entry_jumppad:
0x0: {  	(pc) =	sbr.rel $0x88, $3  }
0x1: {  	(tag) =	ssettag $0x0;
	lr =	simm.s32 $0x1  }
0x2: {  	[smem:$0x3F8F] =	sst lr;
	_ =	strace $0xD0000000  }
0x3: {  	_ = 	snop  }
0x4: {  	_ = 	snop  }
0x5: {  	_ = 	snop  }
0x6: {  	_ = 	snop  }
0x7: {  	_ = 	snop  }
__scs_overlays_trampoline_lowered:
0x8: {  	[smem:$0x3F9E] =	sst s0  }
0x9: {  	[smem:$0x3F9F] =	sst s1  }
0xa: {  	[smem:$0x3FA0] =	sst s2  }
0xb: {  	[smem:$0x3FA1] =	sst s3  }
0xc: {  	[smem:$0x3FA2] =	sst s4  }
0xd: {  	[smem:$0x3FA3] =	sst s5  }
0xe: {  	[smem:$0x3FA4] =	sst s6  }
0xf: {  	[smem:$0x3FA5] =	sst s7  }
0x10: {  	[smem:$0x3FA6] =	sst s8  }
0x11: {  	[smem:$0x3FA7] =	sst s9;
	s0 =	simm.s32 @!p0 $0x0  }
0x12: {  	s1 =	sld [smem:$0x3F8D];
	s0 =	simm.s32 @p0 $0x1  }
0x13: {  	[smem:$0x3FA8] =	sst s0;
	s0 =	simm.s32 @!p1 $0x0  }
0x14: {  	s2 =	sld [smem:$0x3F8C];
	s0 =	simm.s32 @p1 $0x1  }
0x15: {  	[smem:$0x3FA9] =	sst s0;
	s0 =	simm.s32 @!p2 $0x0  }
0x16: {  	s3 =	sld [smem:$0x3FDB];
	s0 =	simm.s32 @p2 $0x1  }
0x17: {  	s4 =	simm.s32 $0x1BF5;
	[smem:$0x3FAB] =	sst s0  }
0x18: {  	s0 =	sld [smem:$0x3F8E];
	_ =	swait.ge [sflag:s4], $0x0  }
0x19: {  	s7 =	sld [smem:$0x3F8F]  }
0x1a: {  	s8 =	sadd.s32 $0xFFFFE003, lr  }
0x1b: {  	s9 =	sadd.s32 $0xFFFFFEF7, lr;
	s5 =	simm.s32 $0xFFFFFFFF;
	p2 =	slt.u32 s8, $0xFFFFF086  }
0x1c: {  	p1 =	slt.u32 s9, $0xF7A;
	s5 =	simm.s32 @!p2 $0x0  }
0x1d: {  	s5 =	simm.s32 @p1 $0x1;
	p0 =	seq.s32 s7, s2  }
0x1e: {  	s7 =	smul.u32 @!p0 $0xF7A, s2;
	p2 =	seq.s32 @!p0 s5, $0x0  }
0x1f: {  	s9 =	smul.u32 $0xF7A, s1;
	s8 =	simm.s32 @!p0 $0x1BF5;
	p2 =	por !p2, p0  }
0x20: {  	[sflag:s8] =	ssyncset.s32 @!p0 $0xFFFFF086;
	s6 =	sadd.s32 @!p0 s3, s7;
	s7 =	simm.s32 @!p0 $0x108  }
0x21: {  	s3 =	sadd.s32 s3, s9;
	s6 =	sadd.s32 @!p0 $0x88, s6;
	s7 =	simm.s32 @p2 $0x1082  }
0x22: {  	[simem:s7], [sflag:s8] =	dma.local @!p0 [hbm:s6], $0xF7A  }
0x23: {  	s9 =	sor.u32 $0xD0000000, s2;
	s6 =	simm.s32 $0x108;
	_ =	swait.ge @!p0 [sflag:s8], $0x0  }
0x24: {  	s3 =	sadd.s32 $0x88, s3;
	s6 =	simm.s32 @!p1 $0x1082;
	[sflag:s4] =	ssyncset.s32 $0xFFFFF086  }
0x25: {  	[simem:s6], [sflag:s4] =	dma.local [hbm:s3], $0xF7A  }
0x26: {  	[smem:$0x3F8F] =	sst s1;
	(tag) =	ssettag s2;
	_ =	strace s9  }
0x27: {  	s1 =	sld [smem:$0x3F9F]  }
0x28: {  	s2 =	sld [smem:$0x3FA0]  }
0x29: {  	s4 =	sld [smem:$0x3FA2]  }
0x2a: {  	p0 =	seq.s32 s5, $0x0;
	s5 =	sld [smem:$0x3FA3]  }
0x2b: {  	s6 =	sld [smem:$0x3FA4]  }
0x2c: {  	s7 =	sld [smem:$0x3FA5]  }
0x2d: {  	s3 =	simm.s32 $0x108;
	s8 =	sld [smem:$0x3FA6]  }
0x2e: {  	s3 =	simm.s32 @!p0 $0x1082;
	s9 =	sld [smem:$0x3FA7]  }
0x2f: {  	lr =	sadd.s32 s0, s3;
	s0 =	sld [smem:$0x3F9E]  }
0x30: {  	s3 =	sld [smem:$0x3FA1]  }
0x31: {  	[smem:$0x3FAA] =	sst s10  }
0x32: {  	s10 =	sld [smem:$0x3FA8];
	_ =	sdelay $0x3  }
0x33: {  	p0 =	seq.s32 s10, $0x1;
	s10 =	sld [smem:$0x3FAA];
	_ =	sdelay $0x3  }
0x34: {  	[smem:$0x3FAA] =	sst s10  }
0x35: {  	s10 =	sld [smem:$0x3FA9];
	_ =	sdelay $0x3  }
0x36: {  	p1 =	seq.s32 s10, $0x1;
	s10 =	sld [smem:$0x3FAA];
	_ =	sdelay $0x3  }
0x37: {  	[smem:$0x3FAA] =	sst s10  }
0x38: {  	s10 =	sld [smem:$0x3FAB]  }
0x39: {  	_ = 	snop;
	(pc) =	sbr.ind lr, $3  }
0x3a: {  	_ = 	snop  }
0x3b: {  	_ = 	snop  }
0x3c: {  	p2 =	seq.s32 s10, $0x1;
	s10 =	sld [smem:$0x3FAA]  }
0x3d: {  	_ =	shalt  }
0x3e: {  	_ =	shalt  }
0x3f: {  	_ =	shalt  }
0x40: {  	_ =	shalt  }
0x41: {  	_ =	shalt  }
0x42: {  	_ =	shalt  }
0x43: {  	_ =	shalt  }
0x44: {  	_ =	shalt  }
0x45: {  	_ =	shalt  }
0x46: {  	_ =	shalt  }
0x47: {  	_ =	shalt  }
0x48: {  	_ =	shalt  }
0x49: {  	_ =	shalt  }
0x4a: {  	_ =	shalt  }
0x4b: {  	_ =	shalt  }
0x4c: {  	_ =	shalt  }
0x4d: {  	_ =	shalt  }
0x4e: {  	_ =	shalt  }
0x4f: {  	_ =	shalt  }
0x50: {  	_ =	shalt  }
0x51: {  	_ =	shalt  }
0x52: {  	_ =	shalt  }
0x53: {  	_ =	shalt  }
0x54: {  	_ =	shalt  }
0x55: {  	_ =	shalt  }
0x56: {  	_ =	shalt  }
0x57: {  	_ =	shalt  }
0x58: {  	_ =	shalt  }
0x59: {  	_ =	shalt  }
0x5a: {  	_ =	shalt  }
0x5b: {  	_ =	shalt  }
0x5c: {  	_ =	shalt  }
0x5d: {  	_ =	shalt  }
0x5e: {  	_ =	shalt  }
0x5f: {  	_ =	shalt  }
0x60: {  	_ =	shalt  }
0x61: {  	_ =	shalt  }
0x62: {  	_ =	shalt  }
0x63: {  	_ =	shalt  }
0x64: {  	_ =	shalt  }
0x65: {  	_ =	shalt  }
0x66: {  	_ =	shalt  }
0x67: {  	_ =	shalt  }
0x68: {  	_ =	shalt  }
0x69: {  	_ =	shalt  }
0x6a: {  	_ =	shalt  }
0x6b: {  	_ =	shalt  }
0x6c: {  	_ =	shalt  }
0x6d: {  	_ =	shalt  }
0x6e: {  	_ =	shalt  }
0x6f: {  	_ =	shalt  }
0x70: {  	_ =	shalt  }
0x71: {  	_ =	shalt  }
0x72: {  	_ =	shalt  }
0x73: {  	_ =	shalt  }
0x74: {  	_ =	shalt  }
0x75: {  	_ =	shalt  }
0x76: {  	_ =	shalt  }
0x77: {  	_ =	shalt  }
0x78: {  	_ =	shalt  }
0x79: {  	_ =	shalt  }
0x7a: {  	_ =	shalt  }
0x7b: {  	_ =	shalt  }
0x7c: {  	_ =	shalt  }
0x7d: {  	_ =	shalt  }
0x7e: {  	_ =	shalt  }
0x7f: {  	_ =	shalt  }
0x80: {  	_ =	shalt  }
0x81: {  	_ =	shalt  }
0x82: {  	_ =	shalt  }
0x83: {  	_ =	shalt  }
0x84: {  	_ =	shalt  }
0x85: {  	_ =	shalt  }
0x86: {  	_ =	shalt  }
0x87: {  	_ =	shalt  }
.Lfunc_end0:
.L_simem_size_0:
called_computation.1_lowered:
.L_overlay_start_0:
0x88: {  	s2 =	sld [smem:$0x3FD9]  }
0x89: {  	s3 =	sld [smem:$0x3FFE];
	_ =	sdelay $0x1  }
0x8a: {  	s1 =	srdreg.scid  }
0x8b: {  	s0 =	sand.u32 $0x1, s1  }
0x8c: {  	s17 =	sshll.u32 s0, $0xA;
	s2 =	sadd.s32 s3, s2  }
0x8d: {  	s2 =	sadd.s32 s2, s17  }
0x8e: {  	[smem:$0x3FB6] =	sst s2  }
0x8f: {  	_ = 	snop  }
0x90: {  	s2 =	sld [smem:$0x3FD0];
	(tm) =	ssettm $0x1  }
0x91: {  	s18 =	sld [smem:$0x3FFB];
	_ =	sdelay $0x3  }
0x92: {  	_ =	strace s18  }
0x93: {  	s3 =	sld [smem:$0x3FFC];
	_ =	sdelay $0x3  }
0x94: {  	_ =	strace s3  }
0x95: {  	s3 =	sld [smem:$0x3FFD];
	_ =	sdelay $0x3  }
0x96: {  	_ =	strace s3  }
0x97: {  	_ =	strace $0x8FFFFFFF  }
0x98: {  	s19 =	sld [smem:$0x3FDB];
	_ =	sdelay $0x1  }
0x99: {  	s4 =	simm.s32 $_scs_section_size  }
0x9a: {  	s5 =	simm.s32 $_size__tile_overlayer_lowered;
	s6 =	simm.s32 $_tile_overlayer_lowered  }
0x9b: {  	s22 =	simm.s32 $0x1BFF;
	s21 =	sshll.u32 s6, $0x1;
	s3 =	sadd.s32 s4, s19  }
0x9c: {  	s7 =	simm.s32 $0x0;
	s20 =	sshll.u32 s5, $0x1;
	s5 =	sadd.s32 s21, s3  }
0x9d: {  	[timem:s7], [sflag:s22] =	dma.local [hbm:s5], s20  }
0x9e: {  	_ =	swait.ge [sflag:s22], s20  }
0x9f: {  	s4 =	ssub.s32 $0x0, s20;
	[sflag:s22] =	ssyncset.done $0x0  }
0xa0: {  	[sflag:s22] =	ssyncadd.s32 s4;
	_ =	sdelay $0x1  }
0xa1: {  	s23 =	simm.s32 $0x1B8B  }
0xa2: {  	_ =	swait.ge [sflag:s23], $0x1  }
0xa3: {  	[sflag:s23] =	ssyncset.done $0x0  }
0xa4: {  	s25 =	simm.s32 $0x1B8E;
	s24 =	sld [smem:$0x3FFE];
	[sflag:s23] =	ssyncadd.s32 $0xFFFFFFFF  }
0xa5: {  	s26 =	simm.s32 $execute0_lowered;
	[smem:$0x3FD2] =	sst s25  }
0xa6: {  	s5 =	sshll.u32 s26, $0x1;
	_ =	strace $0x80000049;
	[dreg:$0x1] =	wrdreg $0xFFFFFFFF  }
0xa7: {  	s28 =	simm.s32 $_size_execute0_lowered;
	s3 =	sadd.s32 s3, s5;
	[dreg:$0x0] =	wrdreg $0x0  }
0xa8: {  	s5 =	sshll.u32 s28, $0x1;
	[dreg:$0x2] =	wrdreg s3  }
0xa9: {  	[dreg:$0x3] =	wrdreg s5  }
0xaa: {  	[dreg:$0x4] =	wrdreg $0xC0  }
0xab: {  	_ =	task [dreg:s7], $0x5FFFF  }
0xac: {  	[dreg:$0x1] =	wrdreg $0xFFFFFFFF  }
0xad: {  	[dreg:$0x0] =	wrdreg $0x60  }
0xae: {  	[dreg:$0x2] =	wrdreg s24  }
0xaf: {  	[dreg:$0x3] =	wrdreg s2  }
0xb0: {  	[dreg:$0x4] =	wrdreg $0x128000  }
0xb1: {  	[dreg:$0x5] =	wrdreg $0x178000  }
0xb2: {  	[dreg:$0x6] =	wrdreg $0x9  }
0xb3: {  	_ =	task.clear_ibuf [dreg:s7], $0x7FFFF;
	_ =	strace $0x90000049  }
0xb4: {  	s29 =	simm.s32 $0x9;
	_ =	strace $0x8000004B  }
0xb5: {  	_ =	swait.ge [sflag:s29], $0x1  }
0xb6: {  	[sflag:s29] =	ssyncadd.s32 $0xFFFFFFFF  }
0xb7: {  	_ =	strace $0x9000004B  }
0xb8: {  	_ =	sfence  }
0xb9: {  	s30 =	sld [smem:$0x0];
	_ =	sdelay $0x2  }
0xba: {  	s31 =	sshll.u32 s1, $0xD;
	s1 =	sshrl.u32 s1, $0x2  }
0xbb: {  	s3 =	sand.u32 $0x4000, s31;
	s1 =	sadd.s32 s1, s30  }
0xbc: {  	s0 =	sor.u32 s3, s0;
	s1 =	sshll.u32 s1, $0x11  }
0xbd: {  	s0 =	sor.u32 s1, s0  }
0xbe: {  	s0 =	sadd.s32 $0x8F2B, s0  }
0xbf: {  	[sflag:s0] =	ssyncadd.remote.s32 $0x1  }
0xc0: {  	_ =	sfence.sel $0xFFFF  }
0xc1: {  	[dreg:$0x0] =	wrdreg $0xFFFFFFFF;
	(pc) =	sbr.abs _section_cstart, $3  }
0xc2: {  	[dreg:$0x1] =	wrdreg $0xFFFFFFFF  }
0xc3: {  	_ =	task.clear_ibuf [dreg:s7], $0x2FFFF;
	_ =	strace $0x9FFFFFFF  }
0xc4: {  	(tm) =	ssettm $0x7FFFFFFF  }
0xc5: {  	_ =	shalt  }
tec
execute0_lowered:
.L_overlay_start_1:
0x0: {  	(tag) =	ssettag $0x1  }
0x1: {  	s0 =	rddreg [dreg:$0x0];
	s12 =	stileid.u32  }
0x2: {  	s1 =	srdreg.scid;
	s8 =	smul.u32 $0x5000, s12  }
0x3: {  	s6 =	rddreg [dreg:$0x1];
	s5 =	smul.u32 $0xA00, s12  }
0x4: {  	s1 =	sand.u32 $0x1, s1;
	s3 =	sshll.u32 s12, $0x1;
	s12 =	smul.u32 $0x14000, s12  }
0x5: {  	s2 =	rddreg [dreg:$0x2];
	s4 =	sor.u32 s1, s3;
	s10 =	smul.u32 $0xA000, s1  }
0x6: {  	s3 =	rddreg [dreg:$0x3];
	s1 =	ssub.s32 $0x2, s1;
	s7 =	smul.u32 $0xA00, s4  }
0x7: {  	s4 =	simm.s32 $0x0;
	s11 =	sshrl.u32 s8, $0x3;
	s15 =	sshrl.u32 s1, $0x1  }
0x8: {  	s16 =	sshrl.u32 s12, $0x2;
	[smem:$0x7FF] =	sst s4;
	s11 =	sadd.s32 s11, s0  }
0x9: {  	s5 =	sadd.s32 s5, s10;
	s1 =	ssub.s32 s1, s15;
	s11 =	sadd.s32 $0x15000, s11  }
0xa: {  	_ =	strace $0x8000004A;
	s6 =	sadd.s32 s6, s7;
	[dreg:$0x5] =	wrdreg s11  }
0xb: {  	s9 =	sadd.s32 s7, s0;
	s1 =	smax.u32 s1, $0x1;
	[dreg:$0x7] =	wrdreg s6  }
0xc: {  	s0 =	sadd.s32 s5, s0;
	s9 =	sadd.s32 $0x1000, s9;
	[dreg:$0x9] =	wrdreg s1  }
0xd: {  	s5 =	sadd.s32 s16, s2;
	s0 =	sadd.s32 $0x1F000, s0;
	[dreg:$0x6] =	wrdreg s9  }
0xe: {  	s30 =	simm.s32 $0xC000;
	s19 =	sadd.s32 $0x800, s5;
	[dreg:$0x8] =	wrdreg s0  }
0xf: {  	s28 =	simm.s32 $0x11000;
	s20 =	sadd.s32 $0x1000, s5;
	[dreg:$0xa] =	wrdreg s19  }
0x10: {  	s29 =	simm.s32 $0x1;
	s21 =	sadd.s32 $0x1800, s5;
	[dreg:$0xb] =	wrdreg s20  }
0x11: {  	s31 =	simm.s32 $0x3;
	s22 =	sadd.s32 $0x2000, s5;
	[dreg:$0xc] =	wrdreg s21  }
0x12: {  	s17 =	sadd.s32 s8, s3;
	s23 =	sadd.s32 $0x2800, s5;
	[dreg:$0xd] =	wrdreg s22  }
0x13: {  	s18 =	sadd.s32 s8, s2;
	s24 =	sadd.s32 $0x3000, s5;
	[dreg:$0xe] =	wrdreg s23  }
0x14: {  	s7 =	simm.s32 $0x8;
	s25 =	sadd.s32 $0x3800, s5;
	[dreg:$0xf] =	wrdreg s24  }
.Ltmp0:
0x15: {  	s26 =	sadd.s32 $0x4000, s5;
	[dreg:$0x10] =	wrdreg s25;
	(pc) =	sbr.rel .LBB2_1-.Ltmp0, $4  }
0x16: {  	s1 =	simm.s32 $0x10000;
	s6 =	simm.s32 $0x7;
	[dreg:$0x11] =	wrdreg s26  }
0x17: {  	s19 =	sadd.s32 $0x4800, s5;
	s20 =	simm.s32 $0x12000;
	s21 =	simm.s32 $0x9  }
0x18: {  	s22 =	sshrl.u32 s17, $0x3;
	s24 =	simm.s32 $0x80;
	s25 =	sshrl.u32 s18, $0x3  }
0x19: {  	v0 =	vimm.f32 $0.0e+00;
	s26 =	simm.s32 $0xA000;
	s23 =	simm.s32 $0xE000;
	s0 =	simm.s32 $0x5  }
.LBB2_6:
0x1a: {  	_ =	swait.ge [sflag:s7], $0x1000  }
0x1b: {  	[sflag:s7] =	ssyncset.done $0x0  }
0x1c: {  	[sflag:s7] =	ssyncadd.s32 $0xFFFFF000  }
0x1d: {  	[spmem:s2] =	stream.indirect.scatter.add.f32 [tilespmem:s28], [sflag:$0x9], $0x20, s11, s24, $0xb8;
	[tilespmem:$0x1C800] =	vst v63  }
0x1e: {  	_ =	swait.ge [sflag:s21], $0x1000  }
0x1f: {  	[sflag:s21] =	ssyncset.done $0x0  }
0x20: {  	[sflag:s21] =	ssyncadd.s32 $0xFFFFF000  }
0x21: {  	[bflag:$0x0] =	sbarrier.arrive $0xFFFF  }
0x22: {  	s9 =	rddreg [dreg:$0x8]  }
0x23: {  	[hbm:s9], [sflag:s8] =	dma.local [spmem:s25], $0xA00  }
0x24: {  	_ =	swait.ge [sflag:s21], $0xA00  }
0x25: {  	s4 =	sadd.s32 $0x1, s4;
	s18 =	rddreg [dreg:$0x9]  }
0x26: {  	p0 =	sne.s32 s4, s18  }
.Ltmp1:
0x27: {  	_ = 	snop;
	(pc) =	sbr.rel @!p0 .LBB2_7-.Ltmp1, $3  }
0x28: {  	_ =	sdelay $0x1  }
0x29: {  	[sflag:s21] =	ssyncset.done $0x0  }
0x2a: {  	[sflag:s21] =	ssyncadd.s32 $0xFFFFF600  }
.LBB2_1:
0x2b: {  	s8 =	simm.s32 $0x80;
	s9 =	simm.s32 $0x0  }
.LBB2_2:
0x2c: {  	p0 =	sne.s32 s8, $0x1F80;
	[tilespmem:s9+$0x12000] =	vst v0;
	s10 =	smov.u32 s8;
	s8 =	sadd.s32 $0x80, s8  }
.Ltmp2:
0x2d: {  	[tilespmem:s9+$0x12010] =	vst v0;
	(pc) =	sbr.rel @p0 .LBB2_2-.Ltmp2, $2  }
0x2e: {  	_ =	sdelay $0x2  }
0x2f: {  	s9 =	sshra.s32 s10, $0x2  }
0x30: {  	[tilespmem:s9+$0x12000] =	vst v0  }
0x31: {  	[tilespmem:s9+$0x12010] =	vst v0  }
0x32: {  	[spmem:s5] =	stream.linear.scatter [tilespmem:s20], [sflag:$0x9], $0x800, $0x38;
	[tilespmem:$0x1C800] =	vst v63  }
0x33: {  	_ =	swait.ge [sflag:s21], $0x800  }
0x34: {  	[sflag:s21] =	ssyncset.done $0x0  }
0x35: {  	s8 =	rddreg [dreg:$0xa];
	[sflag:s21] =	ssyncadd.s32 $0xFFFFF800  }
0x36: {  	[spmem:s8] =	stream.linear.scatter [tilespmem:s20], [sflag:$0x9], $0x800, $0x38;
	[tilespmem:$0x1C800] =	vst v63  }
0x37: {  	_ =	swait.ge [sflag:s21], $0x800  }
0x38: {  	[sflag:s21] =	ssyncset.done $0x0  }
0x39: {  	s18 =	rddreg [dreg:$0xb];
	[sflag:s21] =	ssyncadd.s32 $0xFFFFF800  }
0x3a: {  	[spmem:s18] =	stream.linear.scatter [tilespmem:s20], [sflag:$0x9], $0x800, $0x38;
	[tilespmem:$0x1C800] =	vst v63  }
0x3b: {  	_ =	swait.ge [sflag:s21], $0x800  }
0x3c: {  	[sflag:s21] =	ssyncset.done $0x0  }
0x3d: {  	s9 =	rddreg [dreg:$0xc];
	[sflag:s21] =	ssyncadd.s32 $0xFFFFF800  }
0x3e: {  	[spmem:s9] =	stream.linear.scatter [tilespmem:s20], [sflag:$0x9], $0x800, $0x38;
	[tilespmem:$0x1C800] =	vst v63  }
0x3f: {  	_ =	swait.ge [sflag:s21], $0x800  }
0x40: {  	[sflag:s21] =	ssyncset.done $0x0  }
0x41: {  	s10 =	rddreg [dreg:$0xd];
	[sflag:s21] =	ssyncadd.s32 $0xFFFFF800  }
0x42: {  	[spmem:s10] =	stream.linear.scatter [tilespmem:s20], [sflag:$0x9], $0x800, $0x38;
	[tilespmem:$0x1C800] =	vst v63  }
0x43: {  	_ =	swait.ge [sflag:s21], $0x800  }
0x44: {  	[sflag:s21] =	ssyncset.done $0x0  }
0x45: {  	s11 =	rddreg [dreg:$0xe];
	[sflag:s21] =	ssyncadd.s32 $0xFFFFF800  }
0x46: {  	[spmem:s11] =	stream.linear.scatter [tilespmem:s20], [sflag:$0x9], $0x800, $0x38;
	[tilespmem:$0x1C800] =	vst v63  }
0x47: {  	_ =	swait.ge [sflag:s21], $0x800  }
0x48: {  	[sflag:s21] =	ssyncset.done $0x0  }
0x49: {  	s12 =	rddreg [dreg:$0xf];
	[sflag:s21] =	ssyncadd.s32 $0xFFFFF800  }
0x4a: {  	[spmem:s12] =	stream.linear.scatter [tilespmem:s20], [sflag:$0x9], $0x800, $0x38;
	[tilespmem:$0x1C800] =	vst v63  }
0x4b: {  	_ =	swait.ge [sflag:s21], $0x800  }
0x4c: {  	[sflag:s21] =	ssyncset.done $0x0  }
0x4d: {  	s13 =	rddreg [dreg:$0x10];
	[sflag:s21] =	ssyncadd.s32 $0xFFFFF800  }
0x4e: {  	[spmem:s13] =	stream.linear.scatter [tilespmem:s20], [sflag:$0x9], $0x800, $0x38;
	[tilespmem:$0x1C800] =	vst v63  }
0x4f: {  	_ =	swait.ge [sflag:s21], $0x800  }
0x50: {  	[sflag:s21] =	ssyncset.done $0x0  }
0x51: {  	s14 =	rddreg [dreg:$0x11];
	[sflag:s21] =	ssyncadd.s32 $0xFFFFF800  }
0x52: {  	[spmem:s14] =	stream.linear.scatter [tilespmem:s20], [sflag:$0x9], $0x800, $0x38;
	[tilespmem:$0x1C800] =	vst v63  }
0x53: {  	_ =	swait.ge [sflag:s21], $0x800  }
0x54: {  	[sflag:s21] =	ssyncset.done $0x0  }
0x55: {  	[sflag:s21] =	ssyncadd.s32 $0xFFFFF800  }
0x56: {  	[spmem:s19] =	stream.linear.scatter [tilespmem:s20], [sflag:$0x9], $0x800, $0x38;
	[tilespmem:$0x1C800] =	vst v63  }
0x57: {  	s15 =	stileid.u32;
	_ =	swait.ge [sflag:s21], $0x800  }
0x58: {  	s8 =	sshll.u32 s15, $0x6;
	[sflag:s21] =	ssyncset.done $0x0  }
0x59: {  	s8 =	sor.u32 $0x1C09, s8;
	s16 =	rddreg [dreg:$0x5];
	[sflag:s21] =	ssyncadd.s32 $0xFFFFF800  }
0x5a: {  	[spmem:s22], [sflag:s8] =	dma.local [hbm:s16], $0xA00  }
0x5b: {  	_ =	swait.ge [sflag:s21], $0xA00  }
0x5c: {  	[sflag:s21] =	ssyncset.done $0x0  }
0x5d: {  	s9 =	simm.s32 $0x0;
	s10 =	rddreg [dreg:$0x6];
	[sflag:s21] =	ssyncadd.s32 $0xFFFFF600  }
0x5e: {  	[tilespmem:s9], [sflag:$0x9] =	stream.linear.gather [hbm4b:s10+s9], $0x5000, $0x38;
	[tilespmem:$0x1C800] =	vst v63  }
0x5f: {  	_ =	swait.ge [sflag:s21], $0x5000  }
0x60: {  	[sflag:s21] =	ssyncset.done $0x0  }
0x61: {  	s11 =	simm.s32 $0x5000;
	s17 =	rddreg [dreg:$0x7];
	[sflag:s21] =	ssyncadd.s32 $0xFFFFB000  }
0x62: {  	[tilespmem:s11], [sflag:$0x9] =	stream.linear.gather [hbm4b:s17+s9], $0x5000, $0x38;
	[tilespmem:$0x1C800] =	vst v63  }
0x63: {  	_ =	swait.ge [sflag:s21], $0x5000  }
0x64: {  	[sflag:s21] =	ssyncset.done $0x0  }
0x65: {  	[sflag:s21] =	ssyncadd.s32 $0xFFFFB000  }
0x66: {  	[bflag:$0x0] =	sbarrier.arrive $0xFFFF  }
0x67: {  	[tilespmem:s26], [sflag:$0x1] =	stream.indirect.gather [spmem:s3], $0x20, s9, s24, $0xb8;
	[tilespmem:$0x1C800] =	vst v63  }
0x68: {  	s18 =	simm.s32 $0xB000  }
0x69: {  	[tilespmem:s18], [sflag:$0x2] =	stream.indirect.gather [spmem:s3], $0x20, s24, s24, $0xb8;
	[tilespmem:$0x1C800] =	vst v63  }
0x6a: {  	s11 =	simm.s32 $0x100  }
0x6b: {  	[tilespmem:s30], [sflag:$0x3] =	stream.indirect.gather [spmem:s3], $0x20, s11, s24, $0xb8;
	[tilespmem:$0x1C800] =	vst v63  }
0x6c: {  	s12 =	simm.s32 $0x180;
	s13 =	simm.s32 $0xD000  }
0x6d: {  	[tilespmem:s13], [sflag:$0x4] =	stream.indirect.gather [spmem:s3], $0x20, s12, s24, $0xb8;
	[tilespmem:$0x1C800] =	vst v63  }
0x6e: {  	s14 =	simm.s32 $0x200  }
0x6f: {  	[tilespmem:s23], [sflag:$0x5] =	stream.indirect.gather [spmem:s3], $0x20, s14, s24, $0xb8;
	[tilespmem:$0x1C800] =	vst v63  }
0x70: {  	s15 =	simm.s32 $0x280;
	s16 =	simm.s32 $0xF000  }
0x71: {  	[tilespmem:s16], [sflag:$0x6] =	stream.indirect.gather [spmem:s3], $0x20, s15, s24, $0xb8;
	[tilespmem:$0x1C800] =	vst v63  }
0x72: {  	s17 =	simm.s32 $0x300  }
0x73: {  	[tilespmem:s1], [sflag:$0x7] =	stream.indirect.gather [spmem:s3], $0x20, s17, s24, $0xb8;
	[tilespmem:$0x1C800] =	vst v63  }
0x74: {  	s18 =	simm.s32 $0x380  }
0x75: {  	[tilespmem:s28], [sflag:$0x8] =	stream.indirect.gather [spmem:s3], $0x20, s18, s24, $0xb8;
	[tilespmem:$0x1C800] =	vst v63  }
.LBB2_4:
0x76: {  	_ =	swait.ge [sflag:s29], $0x1000  }
0x77: {  	s10 =	sshra.s32 s9, $0x2;
	[sflag:s29] =	ssyncset.done $0x0  }
0x78: {  	s11 =	sadd.s32 $0x5000, s10;
	[sflag:s29] =	ssyncadd.s32 $0xFFFFF000  }
0x79: {  	[spmem:s2] =	stream.indirect.scatter.add.f32 [tilespmem:s26], [sflag:$0x9], $0x20, s11, s24, $0xb8;
	[tilespmem:$0x1C800] =	vst v63  }
0x7a: {  	_ =	swait.ge [sflag:s21], $0x1000  }
0x7b: {  	p0 =	seq.s32 s9, $0x13000;
	[sflag:s21] =	ssyncset.done $0x0  }
0x7c: {  	s11 =	simm.s32 @p0 $0x2;
	[sflag:s21] =	ssyncadd.s32 $0xFFFFF000  }
0x7d: {  	s13 =	sshra.s32 @p0 s9, $0x2;
	_ =	swait.ge @p0 [sflag:s11], $0x1000  }
0x7e: {  	s14 =	simm.s32 @p0 $0x80;
	s12 =	simm.s32 @p0 $0xB000;
	[sflag:s11] =	ssyncset.done @p0 $0x0  }
0x7f: {  	s15 =	simm.s32 @p0 $0x9;
	[sflag:s11] =	ssyncadd.s32 @p0 $0xFFFFF000;
	s11 =	sadd.s32 @p0 $0x5080, s13  }
0x80: {  	[spmem:s2] =	stream.indirect.scatter.add.f32 @p0 [tilespmem:s12], [sflag:$0x9], $0x20, s11, s14, $0xb8;
	[tilespmem:$0x1C800] =	vst v63  }
0x81: {  	_ =	swait.ge @p0 [sflag:s15], $0x1000  }
0x82: {  	s17 =	simm.s32 @!p0 $0xA000;
	s11 =	sshra.s32 @!p0 s9, $0x2;
	[sflag:s15] =	ssyncset.done @p0 $0x0  }
0x83: {  	s12 =	simm.s32 @!p0 $0x80;
	s16 =	sadd.s32 @!p0 $0x400, s11;
	[sflag:s15] =	ssyncadd.s32 @p0 $0xFFFFF000  }
0x84: {  	[tilespmem:s17], [sflag:$0x1] =	stream.indirect.gather @!p0 [spmem:s3], $0x20, s16, s12, $0xb8;
	[tilespmem:$0x1C800] =	vst v63  }
0x85: {  	s16 =	simm.s32 @!p0 $0x2  }
0x86: {  	_ =	swait.ge @!p0 [sflag:s16], $0x1000  }
0x87: {  	[sflag:s16] =	ssyncset.done @!p0 $0x0  }
0x88: {  	s17 =	simm.s32 @!p0 $0xB000;
	[sflag:s16] =	ssyncadd.s32 @!p0 $0xFFFFF000;
	s16 =	sadd.s32 @!p0 $0x5080, s11  }
0x89: {  	[spmem:s2] =	stream.indirect.scatter.add.f32 @!p0 [tilespmem:s17], [sflag:$0x9], $0x20, s16, s12, $0xb8;
	[tilespmem:$0x1C800] =	vst v63  }
0x8a: {  	s16 =	simm.s32 @!p0 $0x9  }
0x8b: {  	_ =	swait.ge @!p0 [sflag:s16], $0x1000  }
0x8c: {  	[sflag:s16] =	ssyncset.done @!p0 $0x0  }
0x8d: {  	s18 =	sadd.s32 @!p0 $0x480, s11;
	[sflag:s16] =	ssyncadd.s32 @!p0 $0xFFFFF000  }
0x8e: {  	[tilespmem:s17], [sflag:$0x2] =	stream.indirect.gather @!p0 [spmem:s3], $0x20, s18, s12, $0xb8;
	[tilespmem:$0x1C800] =	vst v63  }
0x8f: {  	_ =	swait.ge [sflag:s31], $0x1000  }
0x90: {  	[sflag:s31] =	ssyncset.done $0x0  }
0x91: {  	s18 =	sadd.s32 $0x5100, s10;
	[sflag:s31] =	ssyncadd.s32 $0xFFFFF000  }
0x92: {  	[spmem:s2] =	stream.indirect.scatter.add.f32 [tilespmem:s30], [sflag:$0x9], $0x20, s18, s24, $0xb8;
	[tilespmem:$0x1C800] =	vst v63  }
0x93: {  	_ =	swait.ge [sflag:s21], $0x1000  }
0x94: {  	[sflag:s21] =	ssyncset.done $0x0  }
0x95: {  	s17 =	simm.s32 @p0 $0x4;
	[sflag:s21] =	ssyncadd.s32 $0xFFFFF000  }
0x96: {  	_ =	swait.ge @p0 [sflag:s17], $0x1000  }
0x97: {  	[sflag:s17] =	ssyncset.done @p0 $0x0  }
0x98: {  	s18 =	simm.s32 @p0 $0xD000;
	[sflag:s17] =	ssyncadd.s32 @p0 $0xFFFFF000;
	s17 =	sadd.s32 @p0 $0x5180, s13  }
0x99: {  	[spmem:s2] =	stream.indirect.scatter.add.f32 @p0 [tilespmem:s18], [sflag:$0x9], $0x20, s17, s14, $0xb8;
	[tilespmem:$0x1C800] =	vst v63  }
0x9a: {  	_ =	swait.ge @p0 [sflag:s15], $0x1000  }
0x9b: {  	[sflag:s15] =	ssyncset.done @p0 $0x0  }
0x9c: {  	s17 =	sadd.s32 @!p0 $0x500, s11;
	s18 =	simm.s32 @!p0 $0xC000;
	[sflag:s15] =	ssyncadd.s32 @p0 $0xFFFFF000  }
0x9d: {  	[tilespmem:s18], [sflag:$0x3] =	stream.indirect.gather @!p0 [spmem:s3], $0x20, s17, s12, $0xb8;
	[tilespmem:$0x1C800] =	vst v63  }
0x9e: {  	s17 =	simm.s32 @!p0 $0x4  }
0x9f: {  	_ =	swait.ge @!p0 [sflag:s17], $0x1000  }
0xa0: {  	[sflag:s17] =	ssyncset.done @!p0 $0x0  }
0xa1: {  	s18 =	simm.s32 @!p0 $0xD000;
	[sflag:s17] =	ssyncadd.s32 @!p0 $0xFFFFF000;
	s17 =	sadd.s32 @!p0 $0x5180, s11  }
0xa2: {  	[spmem:s2] =	stream.indirect.scatter.add.f32 @!p0 [tilespmem:s18], [sflag:$0x9], $0x20, s17, s12, $0xb8;
	[tilespmem:$0x1C800] =	vst v63  }
0xa3: {  	_ =	swait.ge @!p0 [sflag:s16], $0x1000  }
0xa4: {  	[sflag:s16] =	ssyncset.done @!p0 $0x0  }
0xa5: {  	s17 =	sadd.s32 @!p0 $0x580, s11;
	[sflag:s16] =	ssyncadd.s32 @!p0 $0xFFFFF000  }
0xa6: {  	[tilespmem:s18], [sflag:$0x4] =	stream.indirect.gather @!p0 [spmem:s3], $0x20, s17, s12, $0xb8;
	[tilespmem:$0x1C800] =	vst v63  }
0xa7: {  	_ =	swait.ge [sflag:s0], $0x1000  }
0xa8: {  	[sflag:s0] =	ssyncset.done $0x0  }
0xa9: {  	s18 =	sadd.s32 $0x5200, s10;
	[sflag:s0] =	ssyncadd.s32 $0xFFFFF000  }
0xaa: {  	[spmem:s2] =	stream.indirect.scatter.add.f32 [tilespmem:s23], [sflag:$0x9], $0x20, s18, s24, $0xb8;
	[tilespmem:$0x1C800] =	vst v63  }
0xab: {  	_ =	swait.ge [sflag:s21], $0x1000  }
0xac: {  	[sflag:s21] =	ssyncset.done $0x0  }
0xad: {  	s17 =	simm.s32 @p0 $0x6;
	[sflag:s21] =	ssyncadd.s32 $0xFFFFF000  }
0xae: {  	_ =	swait.ge @p0 [sflag:s17], $0x1000  }
0xaf: {  	[sflag:s17] =	ssyncset.done @p0 $0x0  }
0xb0: {  	s13 =	sadd.s32 @p0 $0x5280, s13;
	[sflag:s17] =	ssyncadd.s32 @p0 $0xFFFFF000;
	s17 =	simm.s32 @p0 $0xF000  }
0xb1: {  	[spmem:s2] =	stream.indirect.scatter.add.f32 @p0 [tilespmem:s17], [sflag:$0x9], $0x20, s13, s14, $0xb8;
	[tilespmem:$0x1C800] =	vst v63  }
0xb2: {  	_ =	swait.ge @p0 [sflag:s15], $0x1000  }
0xb3: {  	[sflag:s15] =	ssyncset.done @p0 $0x0  }
0xb4: {  	s13 =	sadd.s32 @!p0 $0x600, s11;
	s14 =	simm.s32 @!p0 $0xE000;
	[sflag:s15] =	ssyncadd.s32 @p0 $0xFFFFF000  }
0xb5: {  	[tilespmem:s14], [sflag:$0x5] =	stream.indirect.gather @!p0 [spmem:s3], $0x20, s13, s12, $0xb8;
	[tilespmem:$0x1C800] =	vst v63  }
0xb6: {  	s13 =	simm.s32 @!p0 $0x6  }
0xb7: {  	_ =	swait.ge @!p0 [sflag:s13], $0x1000  }
0xb8: {  	[sflag:s13] =	ssyncset.done @!p0 $0x0  }
0xb9: {  	s14 =	simm.s32 @!p0 $0xF000;
	[sflag:s13] =	ssyncadd.s32 @!p0 $0xFFFFF000;
	s13 =	sadd.s32 @!p0 $0x5280, s11  }
0xba: {  	[spmem:s2] =	stream.indirect.scatter.add.f32 @!p0 [tilespmem:s14], [sflag:$0x9], $0x20, s13, s12, $0xb8;
	[tilespmem:$0x1C800] =	vst v63  }
0xbb: {  	_ =	swait.ge @!p0 [sflag:s16], $0x1000  }
0xbc: {  	[sflag:s16] =	ssyncset.done @!p0 $0x0  }
0xbd: {  	s11 =	sadd.s32 @!p0 $0x680, s11;
	[sflag:s16] =	ssyncadd.s32 @!p0 $0xFFFFF000  }
0xbe: {  	[tilespmem:s14], [sflag:$0x6] =	stream.indirect.gather @!p0 [spmem:s3], $0x20, s11, s12, $0xb8;
	[tilespmem:$0x1C800] =	vst v63  }
0xbf: {  	_ =	swait.ge [sflag:s6], $0x1000  }
0xc0: {  	[sflag:s6] =	ssyncset.done $0x0  }
.Ltmp3:
0xc1: {  	s18 =	sadd.s32 $0x5300, s10;
	[sflag:s6] =	ssyncadd.s32 $0xFFFFF000;
	(pc) =	sbr.rel @p0 .LBB2_6-.Ltmp3, $4  }
0xc2: {  	[spmem:s2] =	stream.indirect.scatter.add.f32 [tilespmem:s1], [sflag:$0x9], $0x20, s18, s24, $0xb8;
	[tilespmem:$0x1C800] =	vst v63  }
0xc3: {  	_ =	swait.ge [sflag:s21], $0x1000  }
0xc4: {  	[sflag:s21] =	ssyncset.done $0x0  }
0xc5: {  	s11 =	sadd.s32 $0x5380, s10;
	[sflag:s21] =	ssyncadd.s32 $0xFFFFF000  }
0xc6: {  	s12 =	sadd.s32 $0x700, s10  }
0xc7: {  	[tilespmem:s1], [sflag:$0x7] =	stream.indirect.gather [spmem:s3], $0x20, s12, s24, $0xb8;
	[tilespmem:$0x1C800] =	vst v63  }
0xc8: {  	_ =	swait.ge [sflag:s7], $0x1000  }
0xc9: {  	[sflag:s7] =	ssyncset.done $0x0  }
0xca: {  	[sflag:s7] =	ssyncadd.s32 $0xFFFFF000  }
0xcb: {  	[spmem:s2] =	stream.indirect.scatter.add.f32 [tilespmem:s28], [sflag:$0x9], $0x20, s11, s24, $0xb8;
	[tilespmem:$0x1C800] =	vst v63  }
.Ltmp4:
0xcc: {  	_ = 	snop;
	(pc) =	sbr.rel .LBB2_4-.Ltmp4, $4  }
0xcd: {  	_ =	swait.ge [sflag:s21], $0x1000  }
0xce: {  	[sflag:s21] =	ssyncset.done $0x0  }
0xcf: {  	s18 =	sadd.s32 $0x780, s10;
	s9 =	sadd.s32 $0x1000, s9;
	[sflag:s21] =	ssyncadd.s32 $0xFFFFF000  }
0xd0: {  	[tilespmem:s28], [sflag:$0x8] =	stream.indirect.gather [spmem:s3], $0x20, s18, s24, $0xb8;
	[tilespmem:$0x1C800] =	vst v63  }
.LBB2_7:
0xd1: {  	_ =	sfence.sel $0x180000  }
0xd2: {  	[bflag:$0x0] =	sbarrier.arrive $0xFFFF  }
0xd3: {  	_ =	strace $0x9000004A  }
0xd4: {  	s0 =	stileid.u32;
	[bflag:$0x2] =	sbarrier.arrive $0xFFFF  }
0xd5: {  	p0 =	sne.s32 s0, $0x0;
	s0 =	rddreg [dreg:$0x4]  }
0xd6: {  	s0 =	sadd.s32 @!p0 $0x100000, s0  }
0xd7: {  	[sflag:s0] =	ssyncadd.tile.s32 @!p0 $0x1;
	_ =	shalt  }
.Lfunc_end2:
_tile_overlayer_lowered:
.L_overlay_start_2:
0xd8: {  	(tag) =	ssettag $0x2  }
0xd9: {  	s0 =	rddreg [dreg:$0x0];
	s2 =	stileid.u32  }
0xda: {  	s1 =	rddreg [dreg:$0x1];
	p0 =	sne.s32 s2, $0x0  }
0xdb: {  	s3 =	rddreg [dreg:$0x2];
	[bflag:$0x3] =	sbarrier.arrive $0xFFFF;
	s2 =	simm.s32 @!p0 $0x1C09  }
0xdc: {  	[timem:s3], [sflag:s2] =	dma.local @!p0 [hbm:s0], s1  }
0xdd: {  	s0 =	simm.s32 @!p0 $0x9  }
0xde: {  	_ =	swait.ge @!p0 [sflag:s0], s1  }
0xdf: {  	s1 =	ssub.s32 @!p0 $0x0, s1;
	[sflag:s0] =	ssyncset.done @!p0 $0x0  }
0xe0: {  	[sflag:s0] =	ssyncadd.s32 @!p0 s1  }
0xe1: {  	[bflag:$0x3] =	sbarrier.arrive $0xFFFF  }
0xe2: {  	_ =	shalt  }

// kernel: kernel.14.cloned.1.call-start
scs
__scs_entry_jumppad:
0x0: {  	(pc) =	sbr.rel $0x88, $3  }
0x1: {  	(tag) =	ssettag $0x0;
	lr =	simm.s32 $0x1  }
0x2: {  	[smem:$0x3F8F] =	sst lr;
	_ =	strace $0xD0000000  }
0x3: {  	_ = 	snop  }
0x4: {  	_ = 	snop  }
0x5: {  	_ = 	snop  }
0x6: {  	_ = 	snop  }
0x7: {  	_ = 	snop  }
__scs_overlays_trampoline_lowered:
0x8: {  	[smem:$0x3F9E] =	sst s0  }
0x9: {  	[smem:$0x3F9F] =	sst s1  }
0xa: {  	[smem:$0x3FA0] =	sst s2  }
0xb: {  	[smem:$0x3FA1] =	sst s3  }
0xc: {  	[smem:$0x3FA2] =	sst s4  }
0xd: {  	[smem:$0x3FA3] =	sst s5  }
0xe: {  	[smem:$0x3FA4] =	sst s6  }
0xf: {  	[smem:$0x3FA5] =	sst s7  }
0x10: {  	[smem:$0x3FA6] =	sst s8  }
0x11: {  	[smem:$0x3FA7] =	sst s9;
	s0 =	simm.s32 @!p0 $0x0  }
0x12: {  	s1 =	sld [smem:$0x3F8D];
	s0 =	simm.s32 @p0 $0x1  }
0x13: {  	[smem:$0x3FA8] =	sst s0;
	s0 =	simm.s32 @!p1 $0x0  }
0x14: {  	s2 =	sld [smem:$0x3F8C];
	s0 =	simm.s32 @p1 $0x1  }
0x15: {  	[smem:$0x3FA9] =	sst s0;
	s0 =	simm.s32 @!p2 $0x0  }
0x16: {  	s3 =	sld [smem:$0x3FDB];
	s0 =	simm.s32 @p2 $0x1  }
0x17: {  	s4 =	simm.s32 $0x1BF5;
	[smem:$0x3FAB] =	sst s0  }
0x18: {  	s0 =	sld [smem:$0x3F8E];
	_ =	swait.ge [sflag:s4], $0x0  }
0x19: {  	s7 =	sld [smem:$0x3F8F]  }
0x1a: {  	s8 =	sadd.s32 $0xFFFFE003, lr  }
0x1b: {  	s9 =	sadd.s32 $0xFFFFFEF7, lr;
	s5 =	simm.s32 $0xFFFFFFFF;
	p2 =	slt.u32 s8, $0xFFFFF086  }
0x1c: {  	p1 =	slt.u32 s9, $0xF7A;
	s5 =	simm.s32 @!p2 $0x0  }
0x1d: {  	s5 =	simm.s32 @p1 $0x1;
	p0 =	seq.s32 s7, s2  }
0x1e: {  	s7 =	smul.u32 @!p0 $0xF7A, s2;
	p2 =	seq.s32 @!p0 s5, $0x0  }
0x1f: {  	s9 =	smul.u32 $0xF7A, s1;
	s8 =	simm.s32 @!p0 $0x1BF5;
	p2 =	por !p2, p0  }
0x20: {  	[sflag:s8] =	ssyncset.s32 @!p0 $0xFFFFF086;
	s6 =	sadd.s32 @!p0 s3, s7;
	s7 =	simm.s32 @!p0 $0x108  }
0x21: {  	s3 =	sadd.s32 s3, s9;
	s6 =	sadd.s32 @!p0 $0x88, s6;
	s7 =	simm.s32 @p2 $0x1082  }
0x22: {  	[simem:s7], [sflag:s8] =	dma.local @!p0 [hbm:s6], $0xF7A  }
0x23: {  	s9 =	sor.u32 $0xD0000000, s2;
	s6 =	simm.s32 $0x108;
	_ =	swait.ge @!p0 [sflag:s8], $0x0  }
0x24: {  	s3 =	sadd.s32 $0x88, s3;
	s6 =	simm.s32 @!p1 $0x1082;
	[sflag:s4] =	ssyncset.s32 $0xFFFFF086  }
0x25: {  	[simem:s6], [sflag:s4] =	dma.local [hbm:s3], $0xF7A  }
0x26: {  	[smem:$0x3F8F] =	sst s1;
	(tag) =	ssettag s2;
	_ =	strace s9  }
0x27: {  	s1 =	sld [smem:$0x3F9F]  }
0x28: {  	s2 =	sld [smem:$0x3FA0]  }
0x29: {  	s4 =	sld [smem:$0x3FA2]  }
0x2a: {  	p0 =	seq.s32 s5, $0x0;
	s5 =	sld [smem:$0x3FA3]  }
0x2b: {  	s6 =	sld [smem:$0x3FA4]  }
0x2c: {  	s7 =	sld [smem:$0x3FA5]  }
0x2d: {  	s3 =	simm.s32 $0x108;
	s8 =	sld [smem:$0x3FA6]  }
0x2e: {  	s3 =	simm.s32 @!p0 $0x1082;
	s9 =	sld [smem:$0x3FA7]  }
0x2f: {  	lr =	sadd.s32 s0, s3;
	s0 =	sld [smem:$0x3F9E]  }
0x30: {  	s3 =	sld [smem:$0x3FA1]  }
0x31: {  	[smem:$0x3FAA] =	sst s10  }
0x32: {  	s10 =	sld [smem:$0x3FA8];
	_ =	sdelay $0x3  }
0x33: {  	p0 =	seq.s32 s10, $0x1;
	s10 =	sld [smem:$0x3FAA];
	_ =	sdelay $0x3  }
0x34: {  	[smem:$0x3FAA] =	sst s10  }
0x35: {  	s10 =	sld [smem:$0x3FA9];
	_ =	sdelay $0x3  }
0x36: {  	p1 =	seq.s32 s10, $0x1;
	s10 =	sld [smem:$0x3FAA];
	_ =	sdelay $0x3  }
0x37: {  	[smem:$0x3FAA] =	sst s10  }
0x38: {  	s10 =	sld [smem:$0x3FAB]  }
0x39: {  	_ = 	snop;
	(pc) =	sbr.ind lr, $3  }
0x3a: {  	_ = 	snop  }
0x3b: {  	_ = 	snop  }
0x3c: {  	p2 =	seq.s32 s10, $0x1;
	s10 =	sld [smem:$0x3FAA]  }
0x3d: {  	_ =	shalt  }
0x3e: {  	_ =	shalt  }
0x3f: {  	_ =	shalt  }
0x40: {  	_ =	shalt  }
0x41: {  	_ =	shalt  }
0x42: {  	_ =	shalt  }
0x43: {  	_ =	shalt  }
0x44: {  	_ =	shalt  }
0x45: {  	_ =	shalt  }
0x46: {  	_ =	shalt  }
0x47: {  	_ =	shalt  }
0x48: {  	_ =	shalt  }
0x49: {  	_ =	shalt  }
0x4a: {  	_ =	shalt  }
0x4b: {  	_ =	shalt  }
0x4c: {  	_ =	shalt  }
0x4d: {  	_ =	shalt  }
0x4e: {  	_ =	shalt  }
0x4f: {  	_ =	shalt  }
0x50: {  	_ =	shalt  }
0x51: {  	_ =	shalt  }
0x52: {  	_ =	shalt  }
0x53: {  	_ =	shalt  }
0x54: {  	_ =	shalt  }
0x55: {  	_ =	shalt  }
0x56: {  	_ =	shalt  }
0x57: {  	_ =	shalt  }
0x58: {  	_ =	shalt  }
0x59: {  	_ =	shalt  }
0x5a: {  	_ =	shalt  }
0x5b: {  	_ =	shalt  }
0x5c: {  	_ =	shalt  }
0x5d: {  	_ =	shalt  }
0x5e: {  	_ =	shalt  }
0x5f: {  	_ =	shalt  }
0x60: {  	_ =	shalt  }
0x61: {  	_ =	shalt  }
0x62: {  	_ =	shalt  }
0x63: {  	_ =	shalt  }
0x64: {  	_ =	shalt  }
0x65: {  	_ =	shalt  }
0x66: {  	_ =	shalt  }
0x67: {  	_ =	shalt  }
0x68: {  	_ =	shalt  }
0x69: {  	_ =	shalt  }
0x6a: {  	_ =	shalt  }
0x6b: {  	_ =	shalt  }
0x6c: {  	_ =	shalt  }
0x6d: {  	_ =	shalt  }
0x6e: {  	_ =	shalt  }
0x6f: {  	_ =	shalt  }
0x70: {  	_ =	shalt  }
0x71: {  	_ =	shalt  }
0x72: {  	_ =	shalt  }
0x73: {  	_ =	shalt  }
0x74: {  	_ =	shalt  }
0x75: {  	_ =	shalt  }
0x76: {  	_ =	shalt  }
0x77: {  	_ =	shalt  }
0x78: {  	_ =	shalt  }
0x79: {  	_ =	shalt  }
0x7a: {  	_ =	shalt  }
0x7b: {  	_ =	shalt  }
0x7c: {  	_ =	shalt  }
0x7d: {  	_ =	shalt  }
0x7e: {  	_ =	shalt  }
0x7f: {  	_ =	shalt  }
0x80: {  	_ =	shalt  }
0x81: {  	_ =	shalt  }
0x82: {  	_ =	shalt  }
0x83: {  	_ =	shalt  }
0x84: {  	_ =	shalt  }
0x85: {  	_ =	shalt  }
0x86: {  	_ =	shalt  }
0x87: {  	_ =	shalt  }
.Lfunc_end0:
.L_simem_size_0:
called_computation.2_lowered:
.L_overlay_start_0:
0x88: {  	s2 =	sld [smem:$0x3FD9]  }
0x89: {  	s3 =	sld [smem:$0x3FFE];
	_ =	sdelay $0x1  }
0x8a: {  	s1 =	srdreg.scid  }
0x8b: {  	s0 =	sand.u32 $0x1, s1  }
0x8c: {  	s17 =	sshll.u32 s0, $0xA;
	s2 =	sadd.s32 s3, s2  }
0x8d: {  	s2 =	sadd.s32 s2, s17  }
0x8e: {  	[smem:$0x3FB6] =	sst s2  }
0x8f: {  	_ = 	snop  }
0x90: {  	s2 =	sld [smem:$0x3FD0];
	(tm) =	ssettm $0x1  }
0x91: {  	s18 =	sld [smem:$0x3FFB];
	_ =	sdelay $0x3  }
0x92: {  	_ =	strace s18  }
0x93: {  	s3 =	sld [smem:$0x3FFC];
	_ =	sdelay $0x3  }
0x94: {  	_ =	strace s3  }
0x95: {  	s3 =	sld [smem:$0x3FFD];
	_ =	sdelay $0x3  }
0x96: {  	_ =	strace s3  }
0x97: {  	_ =	strace $0x8FFFFFFF  }
0x98: {  	s19 =	sld [smem:$0x3FDB];
	_ =	sdelay $0x1  }
0x99: {  	s4 =	simm.s32 $_scs_section_size  }
0x9a: {  	s5 =	simm.s32 $_size__tile_overlayer_lowered;
	s6 =	simm.s32 $_tile_overlayer_lowered  }
0x9b: {  	s22 =	simm.s32 $0x1BFF;
	s21 =	sshll.u32 s6, $0x1;
	s3 =	sadd.s32 s4, s19  }
0x9c: {  	s7 =	simm.s32 $0x0;
	s20 =	sshll.u32 s5, $0x1;
	s5 =	sadd.s32 s21, s3  }
0x9d: {  	[timem:s7], [sflag:s22] =	dma.local [hbm:s5], s20  }
0x9e: {  	_ =	swait.ge [sflag:s22], s20  }
0x9f: {  	s4 =	ssub.s32 $0x0, s20;
	[sflag:s22] =	ssyncset.done $0x0  }
0xa0: {  	[sflag:s22] =	ssyncadd.s32 s4;
	_ =	sdelay $0x1  }
0xa1: {  	s23 =	simm.s32 $0x1B8B  }
0xa2: {  	_ =	swait.ge [sflag:s23], $0x1  }
0xa3: {  	[sflag:s23] =	ssyncset.done $0x0  }
0xa4: {  	s25 =	simm.s32 $0x1B8E;
	s24 =	sld [smem:$0x3FFE];
	[sflag:s23] =	ssyncadd.s32 $0xFFFFFFFF  }
0xa5: {  	s26 =	simm.s32 $execute0_lowered;
	[smem:$0x3FD2] =	sst s25  }
0xa6: {  	s5 =	sshll.u32 s26, $0x1;
	_ =	strace $0x8000004C;
	[dreg:$0x1] =	wrdreg $0xFFFFFFFF  }
0xa7: {  	s28 =	simm.s32 $_size_execute0_lowered;
	s3 =	sadd.s32 s3, s5;
	[dreg:$0x0] =	wrdreg $0x0  }
0xa8: {  	s5 =	sshll.u32 s28, $0x1;
	[dreg:$0x2] =	wrdreg s3  }
0xa9: {  	[dreg:$0x3] =	wrdreg s5  }
0xaa: {  	[dreg:$0x4] =	wrdreg $0xC0  }
0xab: {  	_ =	task [dreg:s7], $0x5FFFF  }
0xac: {  	[dreg:$0x1] =	wrdreg $0xFFFFFFFF  }
0xad: {  	[dreg:$0x0] =	wrdreg $0x60  }
0xae: {  	[dreg:$0x2] =	wrdreg s24  }
0xaf: {  	[dreg:$0x3] =	wrdreg s2  }
0xb0: {  	[dreg:$0x4] =	wrdreg $0x128000  }
0xb1: {  	[dreg:$0x5] =	wrdreg $0x178000  }
0xb2: {  	[dreg:$0x6] =	wrdreg $0x9  }
0xb3: {  	_ =	task.clear_ibuf [dreg:s7], $0x7FFFF;
	_ =	strace $0x9000004C  }
0xb4: {  	s29 =	simm.s32 $0x9;
	_ =	strace $0x8000004E  }
0xb5: {  	_ =	swait.ge [sflag:s29], $0x1  }
0xb6: {  	[sflag:s29] =	ssyncadd.s32 $0xFFFFFFFF  }
0xb7: {  	_ =	strace $0x9000004E  }
0xb8: {  	_ =	sfence  }
0xb9: {  	s30 =	sld [smem:$0x0];
	_ =	sdelay $0x2  }
0xba: {  	s31 =	sshll.u32 s1, $0xD;
	s1 =	sshrl.u32 s1, $0x2  }
0xbb: {  	s3 =	sand.u32 $0x4000, s31;
	s1 =	sadd.s32 s1, s30  }
0xbc: {  	s0 =	sor.u32 s3, s0;
	s1 =	sshll.u32 s1, $0x11  }
0xbd: {  	s0 =	sor.u32 s1, s0  }
0xbe: {  	s0 =	sadd.s32 $0x8F2B, s0  }
0xbf: {  	[sflag:s0] =	ssyncadd.remote.s32 $0x1  }
0xc0: {  	_ =	sfence.sel $0xFFFF  }
0xc1: {  	[dreg:$0x0] =	wrdreg $0xFFFFFFFF;
	(pc) =	sbr.abs _section_cstart, $3  }
0xc2: {  	[dreg:$0x1] =	wrdreg $0xFFFFFFFF  }
0xc3: {  	_ =	task.clear_ibuf [dreg:s7], $0x2FFFF;
	_ =	strace $0x9FFFFFFF  }
0xc4: {  	(tm) =	ssettm $0x7FFFFFFF  }
0xc5: {  	_ =	shalt  }
tec
execute0_lowered:
.L_overlay_start_1:
0x0: {  	(tag) =	ssettag $0x1  }
0x1: {  	s0 =	rddreg [dreg:$0x0];
	s12 =	stileid.u32  }
0x2: {  	s1 =	srdreg.scid;
	s8 =	smul.u32 $0x5000, s12  }
0x3: {  	s6 =	rddreg [dreg:$0x1];
	s5 =	smul.u32 $0xA00, s12  }
0x4: {  	s1 =	sand.u32 $0x1, s1;
	s3 =	sshll.u32 s12, $0x1;
	s12 =	smul.u32 $0x14000, s12  }
0x5: {  	s2 =	rddreg [dreg:$0x2];
	s4 =	sor.u32 s1, s3;
	s10 =	smul.u32 $0xA000, s1  }
0x6: {  	s3 =	rddreg [dreg:$0x3];
	s1 =	ssub.s32 $0x2, s1;
	s7 =	smul.u32 $0xA00, s4  }
0x7: {  	s4 =	simm.s32 $0x0;
	s11 =	sshrl.u32 s8, $0x3;
	s15 =	sshrl.u32 s1, $0x1  }
0x8: {  	s16 =	sshrl.u32 s12, $0x2;
	[smem:$0x7FF] =	sst s4;
	s11 =	sadd.s32 s11, s0  }
0x9: {  	s5 =	sadd.s32 s5, s10;
	s1 =	ssub.s32 s1, s15;
	s11 =	sadd.s32 $0x15000, s11  }
0xa: {  	_ =	strace $0x8000004D;
	s6 =	sadd.s32 s6, s7;
	[dreg:$0x5] =	wrdreg s11  }
0xb: {  	s9 =	sadd.s32 s7, s0;
	s1 =	smax.u32 s1, $0x1;
	[dreg:$0x7] =	wrdreg s6  }
0xc: {  	s0 =	sadd.s32 s5, s0;
	s9 =	sadd.s32 $0x1000, s9;
	[dreg:$0x9] =	wrdreg s1  }
0xd: {  	s5 =	sadd.s32 s16, s2;
	s0 =	sadd.s32 $0x1F000, s0;
	[dreg:$0x6] =	wrdreg s9  }
0xe: {  	s30 =	simm.s32 $0xC000;
	s19 =	sadd.s32 $0x800, s5;
	[dreg:$0x8] =	wrdreg s0  }
0xf: {  	s28 =	simm.s32 $0x11000;
	s20 =	sadd.s32 $0x1000, s5;
	[dreg:$0xa] =	wrdreg s19  }
0x10: {  	s29 =	simm.s32 $0x1;
	s21 =	sadd.s32 $0x1800, s5;
	[dreg:$0xb] =	wrdreg s20  }
0x11: {  	s31 =	simm.s32 $0x3;
	s22 =	sadd.s32 $0x2000, s5;
	[dreg:$0xc] =	wrdreg s21  }
0x12: {  	s17 =	sadd.s32 s8, s3;
	s23 =	sadd.s32 $0x2800, s5;
	[dreg:$0xd] =	wrdreg s22  }
0x13: {  	s18 =	sadd.s32 s8, s2;
	s24 =	sadd.s32 $0x3000, s5;
	[dreg:$0xe] =	wrdreg s23  }
0x14: {  	s7 =	simm.s32 $0x8;
	s25 =	sadd.s32 $0x3800, s5;
	[dreg:$0xf] =	wrdreg s24  }
.Ltmp0:
0x15: {  	s26 =	sadd.s32 $0x4000, s5;
	[dreg:$0x10] =	wrdreg s25;
	(pc) =	sbr.rel .LBB2_1-.Ltmp0, $4  }
0x16: {  	s1 =	simm.s32 $0x10000;
	s6 =	simm.s32 $0x7;
	[dreg:$0x11] =	wrdreg s26  }
0x17: {  	s19 =	sadd.s32 $0x4800, s5;
	s20 =	simm.s32 $0x12000;
	s21 =	simm.s32 $0x9  }
0x18: {  	s22 =	sshrl.u32 s17, $0x3;
	s24 =	simm.s32 $0x80;
	s25 =	sshrl.u32 s18, $0x3  }
0x19: {  	v0 =	vimm.f32 $0.0e+00;
	s26 =	simm.s32 $0xA000;
	s23 =	simm.s32 $0xE000;
	s0 =	simm.s32 $0x5  }
.LBB2_6:
0x1a: {  	_ =	swait.ge [sflag:s7], $0x1000  }
0x1b: {  	[sflag:s7] =	ssyncset.done $0x0  }
0x1c: {  	[sflag:s7] =	ssyncadd.s32 $0xFFFFF000  }
0x1d: {  	[spmem:s2] =	stream.indirect.scatter.add.f32 [tilespmem:s28], [sflag:$0x9], $0x20, s11, s24, $0xb8;
	[tilespmem:$0x1C800] =	vst v63  }
0x1e: {  	_ =	swait.ge [sflag:s21], $0x1000  }
0x1f: {  	[sflag:s21] =	ssyncset.done $0x0  }
0x20: {  	[sflag:s21] =	ssyncadd.s32 $0xFFFFF000  }
0x21: {  	[bflag:$0x0] =	sbarrier.arrive $0xFFFF  }
0x22: {  	s9 =	rddreg [dreg:$0x8]  }
0x23: {  	[hbm:s9], [sflag:s8] =	dma.local [spmem:s25], $0xA00  }
0x24: {  	_ =	swait.ge [sflag:s21], $0xA00  }
0x25: {  	s4 =	sadd.s32 $0x1, s4;
	s18 =	rddreg [dreg:$0x9]  }
0x26: {  	p0 =	sne.s32 s4, s18  }
.Ltmp1:
0x27: {  	_ = 	snop;
	(pc) =	sbr.rel @!p0 .LBB2_7-.Ltmp1, $3  }
0x28: {  	_ =	sdelay $0x1  }
0x29: {  	[sflag:s21] =	ssyncset.done $0x0  }
0x2a: {  	[sflag:s21] =	ssyncadd.s32 $0xFFFFF600  }
.LBB2_1:
0x2b: {  	s8 =	simm.s32 $0x80;
	s9 =	simm.s32 $0x0  }
.LBB2_2:
0x2c: {  	p0 =	sne.s32 s8, $0x1F80;
	[tilespmem:s9+$0x12000] =	vst v0;
	s10 =	smov.u32 s8;
	s8 =	sadd.s32 $0x80, s8  }
.Ltmp2:
0x2d: {  	[tilespmem:s9+$0x12010] =	vst v0;
	(pc) =	sbr.rel @p0 .LBB2_2-.Ltmp2, $2  }
0x2e: {  	_ =	sdelay $0x2  }
0x2f: {  	s9 =	sshra.s32 s10, $0x2  }
0x30: {  	[tilespmem:s9+$0x12000] =	vst v0  }
0x31: {  	[tilespmem:s9+$0x12010] =	vst v0  }
0x32: {  	[spmem:s5] =	stream.linear.scatter [tilespmem:s20], [sflag:$0x9], $0x800, $0x38;
	[tilespmem:$0x1C800] =	vst v63  }
0x33: {  	_ =	swait.ge [sflag:s21], $0x800  }
0x34: {  	[sflag:s21] =	ssyncset.done $0x0  }
0x35: {  	s8 =	rddreg [dreg:$0xa];
	[sflag:s21] =	ssyncadd.s32 $0xFFFFF800  }
0x36: {  	[spmem:s8] =	stream.linear.scatter [tilespmem:s20], [sflag:$0x9], $0x800, $0x38;
	[tilespmem:$0x1C800] =	vst v63  }
0x37: {  	_ =	swait.ge [sflag:s21], $0x800  }
0x38: {  	[sflag:s21] =	ssyncset.done $0x0  }
0x39: {  	s18 =	rddreg [dreg:$0xb];
	[sflag:s21] =	ssyncadd.s32 $0xFFFFF800  }
0x3a: {  	[spmem:s18] =	stream.linear.scatter [tilespmem:s20], [sflag:$0x9], $0x800, $0x38;
	[tilespmem:$0x1C800] =	vst v63  }
0x3b: {  	_ =	swait.ge [sflag:s21], $0x800  }
0x3c: {  	[sflag:s21] =	ssyncset.done $0x0  }
0x3d: {  	s9 =	rddreg [dreg:$0xc];
	[sflag:s21] =	ssyncadd.s32 $0xFFFFF800  }
0x3e: {  	[spmem:s9] =	stream.linear.scatter [tilespmem:s20], [sflag:$0x9], $0x800, $0x38;
	[tilespmem:$0x1C800] =	vst v63  }
0x3f: {  	_ =	swait.ge [sflag:s21], $0x800  }
0x40: {  	[sflag:s21] =	ssyncset.done $0x0  }
0x41: {  	s10 =	rddreg [dreg:$0xd];
	[sflag:s21] =	ssyncadd.s32 $0xFFFFF800  }
0x42: {  	[spmem:s10] =	stream.linear.scatter [tilespmem:s20], [sflag:$0x9], $0x800, $0x38;
	[tilespmem:$0x1C800] =	vst v63  }
0x43: {  	_ =	swait.ge [sflag:s21], $0x800  }
0x44: {  	[sflag:s21] =	ssyncset.done $0x0  }
0x45: {  	s11 =	rddreg [dreg:$0xe];
	[sflag:s21] =	ssyncadd.s32 $0xFFFFF800  }
0x46: {  	[spmem:s11] =	stream.linear.scatter [tilespmem:s20], [sflag:$0x9], $0x800, $0x38;
	[tilespmem:$0x1C800] =	vst v63  }
0x47: {  	_ =	swait.ge [sflag:s21], $0x800  }
0x48: {  	[sflag:s21] =	ssyncset.done $0x0  }
0x49: {  	s12 =	rddreg [dreg:$0xf];
	[sflag:s21] =	ssyncadd.s32 $0xFFFFF800  }
0x4a: {  	[spmem:s12] =	stream.linear.scatter [tilespmem:s20], [sflag:$0x9], $0x800, $0x38;
	[tilespmem:$0x1C800] =	vst v63  }
0x4b: {  	_ =	swait.ge [sflag:s21], $0x800  }
0x4c: {  	[sflag:s21] =	ssyncset.done $0x0  }
0x4d: {  	s13 =	rddreg [dreg:$0x10];
	[sflag:s21] =	ssyncadd.s32 $0xFFFFF800  }
0x4e: {  	[spmem:s13] =	stream.linear.scatter [tilespmem:s20], [sflag:$0x9], $0x800, $0x38;
	[tilespmem:$0x1C800] =	vst v63  }
0x4f: {  	_ =	swait.ge [sflag:s21], $0x800  }
0x50: {  	[sflag:s21] =	ssyncset.done $0x0  }
0x51: {  	s14 =	rddreg [dreg:$0x11];
	[sflag:s21] =	ssyncadd.s32 $0xFFFFF800  }
0x52: {  	[spmem:s14] =	stream.linear.scatter [tilespmem:s20], [sflag:$0x9], $0x800, $0x38;
	[tilespmem:$0x1C800] =	vst v63  }
0x53: {  	_ =	swait.ge [sflag:s21], $0x800  }
0x54: {  	[sflag:s21] =	ssyncset.done $0x0  }
0x55: {  	[sflag:s21] =	ssyncadd.s32 $0xFFFFF800  }
0x56: {  	[spmem:s19] =	stream.linear.scatter [tilespmem:s20], [sflag:$0x9], $0x800, $0x38;
	[tilespmem:$0x1C800] =	vst v63  }
0x57: {  	s15 =	stileid.u32;
	_ =	swait.ge [sflag:s21], $0x800  }
0x58: {  	s8 =	sshll.u32 s15, $0x6;
	[sflag:s21] =	ssyncset.done $0x0  }
0x59: {  	s8 =	sor.u32 $0x1C09, s8;
	s16 =	rddreg [dreg:$0x5];
	[sflag:s21] =	ssyncadd.s32 $0xFFFFF800  }
0x5a: {  	[spmem:s22], [sflag:s8] =	dma.local [hbm:s16], $0xA00  }
0x5b: {  	_ =	swait.ge [sflag:s21], $0xA00  }
0x5c: {  	[sflag:s21] =	ssyncset.done $0x0  }
0x5d: {  	s9 =	simm.s32 $0x0;
	s10 =	rddreg [dreg:$0x6];
	[sflag:s21] =	ssyncadd.s32 $0xFFFFF600  }
0x5e: {  	[tilespmem:s9], [sflag:$0x9] =	stream.linear.gather [hbm4b:s10+s9], $0x5000, $0x38;
	[tilespmem:$0x1C800] =	vst v63  }
0x5f: {  	_ =	swait.ge [sflag:s21], $0x5000  }
0x60: {  	[sflag:s21] =	ssyncset.done $0x0  }
0x61: {  	s11 =	simm.s32 $0x5000;
	s17 =	rddreg [dreg:$0x7];
	[sflag:s21] =	ssyncadd.s32 $0xFFFFB000  }
0x62: {  	[tilespmem:s11], [sflag:$0x9] =	stream.linear.gather [hbm4b:s17+s9], $0x5000, $0x38;
	[tilespmem:$0x1C800] =	vst v63  }
0x63: {  	_ =	swait.ge [sflag:s21], $0x5000  }
0x64: {  	[sflag:s21] =	ssyncset.done $0x0  }
0x65: {  	[sflag:s21] =	ssyncadd.s32 $0xFFFFB000  }
0x66: {  	[bflag:$0x0] =	sbarrier.arrive $0xFFFF  }
0x67: {  	[tilespmem:s26], [sflag:$0x1] =	stream.indirect.gather [spmem:s3], $0x20, s9, s24, $0xb8;
	[tilespmem:$0x1C800] =	vst v63  }
0x68: {  	s18 =	simm.s32 $0xB000  }
0x69: {  	[tilespmem:s18], [sflag:$0x2] =	stream.indirect.gather [spmem:s3], $0x20, s24, s24, $0xb8;
	[tilespmem:$0x1C800] =	vst v63  }
0x6a: {  	s11 =	simm.s32 $0x100  }
0x6b: {  	[tilespmem:s30], [sflag:$0x3] =	stream.indirect.gather [spmem:s3], $0x20, s11, s24, $0xb8;
	[tilespmem:$0x1C800] =	vst v63  }
0x6c: {  	s12 =	simm.s32 $0x180;
	s13 =	simm.s32 $0xD000  }
0x6d: {  	[tilespmem:s13], [sflag:$0x4] =	stream.indirect.gather [spmem:s3], $0x20, s12, s24, $0xb8;
	[tilespmem:$0x1C800] =	vst v63  }
0x6e: {  	s14 =	simm.s32 $0x200  }
0x6f: {  	[tilespmem:s23], [sflag:$0x5] =	stream.indirect.gather [spmem:s3], $0x20, s14, s24, $0xb8;
	[tilespmem:$0x1C800] =	vst v63  }
0x70: {  	s15 =	simm.s32 $0x280;
	s16 =	simm.s32 $0xF000  }
0x71: {  	[tilespmem:s16], [sflag:$0x6] =	stream.indirect.gather [spmem:s3], $0x20, s15, s24, $0xb8;
	[tilespmem:$0x1C800] =	vst v63  }
0x72: {  	s17 =	simm.s32 $0x300  }
0x73: {  	[tilespmem:s1], [sflag:$0x7] =	stream.indirect.gather [spmem:s3], $0x20, s17, s24, $0xb8;
	[tilespmem:$0x1C800] =	vst v63  }
0x74: {  	s18 =	simm.s32 $0x380  }
0x75: {  	[tilespmem:s28], [sflag:$0x8] =	stream.indirect.gather [spmem:s3], $0x20, s18, s24, $0xb8;
	[tilespmem:$0x1C800] =	vst v63  }
.LBB2_4:
0x76: {  	_ =	swait.ge [sflag:s29], $0x1000  }
0x77: {  	s10 =	sshra.s32 s9, $0x2;
	[sflag:s29] =	ssyncset.done $0x0  }
0x78: {  	s11 =	sadd.s32 $0x5000, s10;
	[sflag:s29] =	ssyncadd.s32 $0xFFFFF000  }
0x79: {  	[spmem:s2] =	stream.indirect.scatter.add.f32 [tilespmem:s26], [sflag:$0x9], $0x20, s11, s24, $0xb8;
	[tilespmem:$0x1C800] =	vst v63  }
0x7a: {  	_ =	swait.ge [sflag:s21], $0x1000  }
0x7b: {  	p0 =	seq.s32 s9, $0x13000;
	[sflag:s21] =	ssyncset.done $0x0  }
0x7c: {  	s11 =	simm.s32 @p0 $0x2;
	[sflag:s21] =	ssyncadd.s32 $0xFFFFF000  }
0x7d: {  	s13 =	sshra.s32 @p0 s9, $0x2;
	_ =	swait.ge @p0 [sflag:s11], $0x1000  }
0x7e: {  	s14 =	simm.s32 @p0 $0x80;
	s12 =	simm.s32 @p0 $0xB000;
	[sflag:s11] =	ssyncset.done @p0 $0x0  }
0x7f: {  	s15 =	simm.s32 @p0 $0x9;
	[sflag:s11] =	ssyncadd.s32 @p0 $0xFFFFF000;
	s11 =	sadd.s32 @p0 $0x5080, s13  }
0x80: {  	[spmem:s2] =	stream.indirect.scatter.add.f32 @p0 [tilespmem:s12], [sflag:$0x9], $0x20, s11, s14, $0xb8;
	[tilespmem:$0x1C800] =	vst v63  }
0x81: {  	_ =	swait.ge @p0 [sflag:s15], $0x1000  }
0x82: {  	s17 =	simm.s32 @!p0 $0xA000;
	s11 =	sshra.s32 @!p0 s9, $0x2;
	[sflag:s15] =	ssyncset.done @p0 $0x0  }
0x83: {  	s12 =	simm.s32 @!p0 $0x80;
	s16 =	sadd.s32 @!p0 $0x400, s11;
	[sflag:s15] =	ssyncadd.s32 @p0 $0xFFFFF000  }
0x84: {  	[tilespmem:s17], [sflag:$0x1] =	stream.indirect.gather @!p0 [spmem:s3], $0x20, s16, s12, $0xb8;
	[tilespmem:$0x1C800] =	vst v63  }
0x85: {  	s16 =	simm.s32 @!p0 $0x2  }
0x86: {  	_ =	swait.ge @!p0 [sflag:s16], $0x1000  }
0x87: {  	[sflag:s16] =	ssyncset.done @!p0 $0x0  }
0x88: {  	s17 =	simm.s32 @!p0 $0xB000;
	[sflag:s16] =	ssyncadd.s32 @!p0 $0xFFFFF000;
	s16 =	sadd.s32 @!p0 $0x5080, s11  }
0x89: {  	[spmem:s2] =	stream.indirect.scatter.add.f32 @!p0 [tilespmem:s17], [sflag:$0x9], $0x20, s16, s12, $0xb8;
	[tilespmem:$0x1C800] =	vst v63  }
0x8a: {  	s16 =	simm.s32 @!p0 $0x9  }
0x8b: {  	_ =	swait.ge @!p0 [sflag:s16], $0x1000  }
0x8c: {  	[sflag:s16] =	ssyncset.done @!p0 $0x0  }
0x8d: {  	s18 =	sadd.s32 @!p0 $0x480, s11;
	[sflag:s16] =	ssyncadd.s32 @!p0 $0xFFFFF000  }
0x8e: {  	[tilespmem:s17], [sflag:$0x2] =	stream.indirect.gather @!p0 [spmem:s3], $0x20, s18, s12, $0xb8;
	[tilespmem:$0x1C800] =	vst v63  }
0x8f: {  	_ =	swait.ge [sflag:s31], $0x1000  }
0x90: {  	[sflag:s31] =	ssyncset.done $0x0  }
0x91: {  	s18 =	sadd.s32 $0x5100, s10;
	[sflag:s31] =	ssyncadd.s32 $0xFFFFF000  }
0x92: {  	[spmem:s2] =	stream.indirect.scatter.add.f32 [tilespmem:s30], [sflag:$0x9], $0x20, s18, s24, $0xb8;
	[tilespmem:$0x1C800] =	vst v63  }
0x93: {  	_ =	swait.ge [sflag:s21], $0x1000  }
0x94: {  	[sflag:s21] =	ssyncset.done $0x0  }
0x95: {  	s17 =	simm.s32 @p0 $0x4;
	[sflag:s21] =	ssyncadd.s32 $0xFFFFF000  }
0x96: {  	_ =	swait.ge @p0 [sflag:s17], $0x1000  }
0x97: {  	[sflag:s17] =	ssyncset.done @p0 $0x0  }
0x98: {  	s18 =	simm.s32 @p0 $0xD000;
	[sflag:s17] =	ssyncadd.s32 @p0 $0xFFFFF000;
	s17 =	sadd.s32 @p0 $0x5180, s13  }
0x99: {  	[spmem:s2] =	stream.indirect.scatter.add.f32 @p0 [tilespmem:s18], [sflag:$0x9], $0x20, s17, s14, $0xb8;
	[tilespmem:$0x1C800] =	vst v63  }
0x9a: {  	_ =	swait.ge @p0 [sflag:s15], $0x1000  }
0x9b: {  	[sflag:s15] =	ssyncset.done @p0 $0x0  }
0x9c: {  	s17 =	sadd.s32 @!p0 $0x500, s11;
	s18 =	simm.s32 @!p0 $0xC000;
	[sflag:s15] =	ssyncadd.s32 @p0 $0xFFFFF000  }
0x9d: {  	[tilespmem:s18], [sflag:$0x3] =	stream.indirect.gather @!p0 [spmem:s3], $0x20, s17, s12, $0xb8;
	[tilespmem:$0x1C800] =	vst v63  }
0x9e: {  	s17 =	simm.s32 @!p0 $0x4  }
0x9f: {  	_ =	swait.ge @!p0 [sflag:s17], $0x1000  }
0xa0: {  	[sflag:s17] =	ssyncset.done @!p0 $0x0  }
0xa1: {  	s18 =	simm.s32 @!p0 $0xD000;
	[sflag:s17] =	ssyncadd.s32 @!p0 $0xFFFFF000;
	s17 =	sadd.s32 @!p0 $0x5180, s11  }
0xa2: {  	[spmem:s2] =	stream.indirect.scatter.add.f32 @!p0 [tilespmem:s18], [sflag:$0x9], $0x20, s17, s12, $0xb8;
	[tilespmem:$0x1C800] =	vst v63  }
0xa3: {  	_ =	swait.ge @!p0 [sflag:s16], $0x1000  }
0xa4: {  	[sflag:s16] =	ssyncset.done @!p0 $0x0  }
0xa5: {  	s17 =	sadd.s32 @!p0 $0x580, s11;
	[sflag:s16] =	ssyncadd.s32 @!p0 $0xFFFFF000  }
0xa6: {  	[tilespmem:s18], [sflag:$0x4] =	stream.indirect.gather @!p0 [spmem:s3], $0x20, s17, s12, $0xb8;
	[tilespmem:$0x1C800] =	vst v63  }
0xa7: {  	_ =	swait.ge [sflag:s0], $0x1000  }
0xa8: {  	[sflag:s0] =	ssyncset.done $0x0  }
0xa9: {  	s18 =	sadd.s32 $0x5200, s10;
	[sflag:s0] =	ssyncadd.s32 $0xFFFFF000  }
0xaa: {  	[spmem:s2] =	stream.indirect.scatter.add.f32 [tilespmem:s23], [sflag:$0x9], $0x20, s18, s24, $0xb8;
	[tilespmem:$0x1C800] =	vst v63  }
0xab: {  	_ =	swait.ge [sflag:s21], $0x1000  }
0xac: {  	[sflag:s21] =	ssyncset.done $0x0  }
0xad: {  	s17 =	simm.s32 @p0 $0x6;
	[sflag:s21] =	ssyncadd.s32 $0xFFFFF000  }
0xae: {  	_ =	swait.ge @p0 [sflag:s17], $0x1000  }
0xaf: {  	[sflag:s17] =	ssyncset.done @p0 $0x0  }
0xb0: {  	s13 =	sadd.s32 @p0 $0x5280, s13;
	[sflag:s17] =	ssyncadd.s32 @p0 $0xFFFFF000;
	s17 =	simm.s32 @p0 $0xF000  }
0xb1: {  	[spmem:s2] =	stream.indirect.scatter.add.f32 @p0 [tilespmem:s17], [sflag:$0x9], $0x20, s13, s14, $0xb8;
	[tilespmem:$0x1C800] =	vst v63  }
0xb2: {  	_ =	swait.ge @p0 [sflag:s15], $0x1000  }
0xb3: {  	[sflag:s15] =	ssyncset.done @p0 $0x0  }
0xb4: {  	s13 =	sadd.s32 @!p0 $0x600, s11;
	s14 =	simm.s32 @!p0 $0xE000;
	[sflag:s15] =	ssyncadd.s32 @p0 $0xFFFFF000  }
0xb5: {  	[tilespmem:s14], [sflag:$0x5] =	stream.indirect.gather @!p0 [spmem:s3], $0x20, s13, s12, $0xb8;
	[tilespmem:$0x1C800] =	vst v63  }
0xb6: {  	s13 =	simm.s32 @!p0 $0x6  }
0xb7: {  	_ =	swait.ge @!p0 [sflag:s13], $0x1000  }
0xb8: {  	[sflag:s13] =	ssyncset.done @!p0 $0x0  }
0xb9: {  	s14 =	simm.s32 @!p0 $0xF000;
	[sflag:s13] =	ssyncadd.s32 @!p0 $0xFFFFF000;
	s13 =	sadd.s32 @!p0 $0x5280, s11  }
0xba: {  	[spmem:s2] =	stream.indirect.scatter.add.f32 @!p0 [tilespmem:s14], [sflag:$0x9], $0x20, s13, s12, $0xb8;
	[tilespmem:$0x1C800] =	vst v63  }
0xbb: {  	_ =	swait.ge @!p0 [sflag:s16], $0x1000  }
0xbc: {  	[sflag:s16] =	ssyncset.done @!p0 $0x0  }
0xbd: {  	s11 =	sadd.s32 @!p0 $0x680, s11;
	[sflag:s16] =	ssyncadd.s32 @!p0 $0xFFFFF000  }
0xbe: {  	[tilespmem:s14], [sflag:$0x6] =	stream.indirect.gather @!p0 [spmem:s3], $0x20, s11, s12, $0xb8;
	[tilespmem:$0x1C800] =	vst v63  }
0xbf: {  	_ =	swait.ge [sflag:s6], $0x1000  }
0xc0: {  	[sflag:s6] =	ssyncset.done $0x0  }
.Ltmp3:
0xc1: {  	s18 =	sadd.s32 $0x5300, s10;
	[sflag:s6] =	ssyncadd.s32 $0xFFFFF000;
	(pc) =	sbr.rel @p0 .LBB2_6-.Ltmp3, $4  }
0xc2: {  	[spmem:s2] =	stream.indirect.scatter.add.f32 [tilespmem:s1], [sflag:$0x9], $0x20, s18, s24, $0xb8;
	[tilespmem:$0x1C800] =	vst v63  }
0xc3: {  	_ =	swait.ge [sflag:s21], $0x1000  }
0xc4: {  	[sflag:s21] =	ssyncset.done $0x0  }
0xc5: {  	s11 =	sadd.s32 $0x5380, s10;
	[sflag:s21] =	ssyncadd.s32 $0xFFFFF000  }
0xc6: {  	s12 =	sadd.s32 $0x700, s10  }
0xc7: {  	[tilespmem:s1], [sflag:$0x7] =	stream.indirect.gather [spmem:s3], $0x20, s12, s24, $0xb8;
	[tilespmem:$0x1C800] =	vst v63  }
0xc8: {  	_ =	swait.ge [sflag:s7], $0x1000  }
0xc9: {  	[sflag:s7] =	ssyncset.done $0x0  }
0xca: {  	[sflag:s7] =	ssyncadd.s32 $0xFFFFF000  }
0xcb: {  	[spmem:s2] =	stream.indirect.scatter.add.f32 [tilespmem:s28], [sflag:$0x9], $0x20, s11, s24, $0xb8;
	[tilespmem:$0x1C800] =	vst v63  }
.Ltmp4:
0xcc: {  	_ = 	snop;
	(pc) =	sbr.rel .LBB2_4-.Ltmp4, $4  }
0xcd: {  	_ =	swait.ge [sflag:s21], $0x1000  }
0xce: {  	[sflag:s21] =	ssyncset.done $0x0  }
0xcf: {  	s18 =	sadd.s32 $0x780, s10;
	s9 =	sadd.s32 $0x1000, s9;
	[sflag:s21] =	ssyncadd.s32 $0xFFFFF000  }
0xd0: {  	[tilespmem:s28], [sflag:$0x8] =	stream.indirect.gather [spmem:s3], $0x20, s18, s24, $0xb8;
	[tilespmem:$0x1C800] =	vst v63  }
.LBB2_7:
0xd1: {  	_ =	sfence.sel $0x180000  }
0xd2: {  	[bflag:$0x0] =	sbarrier.arrive $0xFFFF  }
0xd3: {  	_ =	strace $0x9000004D  }
0xd4: {  	s0 =	stileid.u32;
	[bflag:$0x2] =	sbarrier.arrive $0xFFFF  }
0xd5: {  	p0 =	sne.s32 s0, $0x0;
	s0 =	rddreg [dreg:$0x4]  }
0xd6: {  	s0 =	sadd.s32 @!p0 $0x100000, s0  }
0xd7: {  	[sflag:s0] =	ssyncadd.tile.s32 @!p0 $0x1;
	_ =	shalt  }
.Lfunc_end2:
_tile_overlayer_lowered:
.L_overlay_start_2:
0xd8: {  	(tag) =	ssettag $0x2  }
0xd9: {  	s0 =	rddreg [dreg:$0x0];
	s2 =	stileid.u32  }
0xda: {  	s1 =	rddreg [dreg:$0x1];
	p0 =	sne.s32 s2, $0x0  }
0xdb: {  	s3 =	rddreg [dreg:$0x2];
	[bflag:$0x3] =	sbarrier.arrive $0xFFFF;
	s2 =	simm.s32 @!p0 $0x1C09  }
0xdc: {  	[timem:s3], [sflag:s2] =	dma.local @!p0 [hbm:s0], s1  }
0xdd: {  	s0 =	simm.s32 @!p0 $0x9  }
0xde: {  	_ =	swait.ge @!p0 [sflag:s0], s1  }
0xdf: {  	s1 =	ssub.s32 @!p0 $0x0, s1;
	[sflag:s0] =	ssyncset.done @!p0 $0x0  }
0xe0: {  	[sflag:s0] =	ssyncadd.s32 @!p0 s1  }
0xe1: {  	[bflag:$0x3] =	sbarrier.arrive $0xFFFF  }
0xe2: {  	_ =	shalt  }

// kernel: kernel.8.cloned.1.call-start
scs
__scs_entry_jumppad:
0x0: {  	(pc) =	sbr.rel $0x88, $3  }
0x1: {  	(tag) =	ssettag $0x0;
	lr =	simm.s32 $0x1  }
0x2: {  	[smem:$0x3F8F] =	sst lr;
	_ =	strace $0xD0000000  }
0x3: {  	_ = 	snop  }
0x4: {  	_ = 	snop  }
0x5: {  	_ = 	snop  }
0x6: {  	_ = 	snop  }
0x7: {  	_ = 	snop  }
__scs_overlays_trampoline_lowered:
0x8: {  	[smem:$0x3F9E] =	sst s0  }
0x9: {  	[smem:$0x3F9F] =	sst s1  }
0xa: {  	[smem:$0x3FA0] =	sst s2  }
0xb: {  	[smem:$0x3FA1] =	sst s3  }
0xc: {  	[smem:$0x3FA2] =	sst s4  }
0xd: {  	[smem:$0x3FA3] =	sst s5  }
0xe: {  	[smem:$0x3FA4] =	sst s6  }
0xf: {  	[smem:$0x3FA5] =	sst s7  }
0x10: {  	[smem:$0x3FA6] =	sst s8  }
0x11: {  	[smem:$0x3FA7] =	sst s9;
	s0 =	simm.s32 @!p0 $0x0  }
0x12: {  	s1 =	sld [smem:$0x3F8D];
	s0 =	simm.s32 @p0 $0x1  }
0x13: {  	[smem:$0x3FA8] =	sst s0;
	s0 =	simm.s32 @!p1 $0x0  }
0x14: {  	s2 =	sld [smem:$0x3F8C];
	s0 =	simm.s32 @p1 $0x1  }
0x15: {  	[smem:$0x3FA9] =	sst s0;
	s0 =	simm.s32 @!p2 $0x0  }
0x16: {  	s3 =	sld [smem:$0x3FDB];
	s0 =	simm.s32 @p2 $0x1  }
0x17: {  	s4 =	simm.s32 $0x1BF5;
	[smem:$0x3FAB] =	sst s0  }
0x18: {  	s0 =	sld [smem:$0x3F8E];
	_ =	swait.ge [sflag:s4], $0x0  }
0x19: {  	s7 =	sld [smem:$0x3F8F]  }
0x1a: {  	s8 =	sadd.s32 $0xFFFFE003, lr  }
0x1b: {  	s9 =	sadd.s32 $0xFFFFFEF7, lr;
	s5 =	simm.s32 $0xFFFFFFFF;
	p2 =	slt.u32 s8, $0xFFFFF086  }
0x1c: {  	p1 =	slt.u32 s9, $0xF7A;
	s5 =	simm.s32 @!p2 $0x0  }
0x1d: {  	s5 =	simm.s32 @p1 $0x1;
	p0 =	seq.s32 s7, s2  }
0x1e: {  	s7 =	smul.u32 @!p0 $0xF7A, s2;
	p2 =	seq.s32 @!p0 s5, $0x0  }
0x1f: {  	s9 =	smul.u32 $0xF7A, s1;
	s8 =	simm.s32 @!p0 $0x1BF5;
	p2 =	por !p2, p0  }
0x20: {  	[sflag:s8] =	ssyncset.s32 @!p0 $0xFFFFF086;
	s6 =	sadd.s32 @!p0 s3, s7;
	s7 =	simm.s32 @!p0 $0x108  }
0x21: {  	s3 =	sadd.s32 s3, s9;
	s6 =	sadd.s32 @!p0 $0x88, s6;
	s7 =	simm.s32 @p2 $0x1082  }
0x22: {  	[simem:s7], [sflag:s8] =	dma.local @!p0 [hbm:s6], $0xF7A  }
0x23: {  	s9 =	sor.u32 $0xD0000000, s2;
	s6 =	simm.s32 $0x108;
	_ =	swait.ge @!p0 [sflag:s8], $0x0  }
0x24: {  	s3 =	sadd.s32 $0x88, s3;
	s6 =	simm.s32 @!p1 $0x1082;
	[sflag:s4] =	ssyncset.s32 $0xFFFFF086  }
0x25: {  	[simem:s6], [sflag:s4] =	dma.local [hbm:s3], $0xF7A  }
0x26: {  	[smem:$0x3F8F] =	sst s1;
	(tag) =	ssettag s2;
	_ =	strace s9  }
0x27: {  	s1 =	sld [smem:$0x3F9F]  }
0x28: {  	s2 =	sld [smem:$0x3FA0]  }
0x29: {  	s4 =	sld [smem:$0x3FA2]  }
0x2a: {  	p0 =	seq.s32 s5, $0x0;
	s5 =	sld [smem:$0x3FA3]  }
0x2b: {  	s6 =	sld [smem:$0x3FA4]  }
0x2c: {  	s7 =	sld [smem:$0x3FA5]  }
0x2d: {  	s3 =	simm.s32 $0x108;
	s8 =	sld [smem:$0x3FA6]  }
0x2e: {  	s3 =	simm.s32 @!p0 $0x1082;
	s9 =	sld [smem:$0x3FA7]  }
0x2f: {  	lr =	sadd.s32 s0, s3;
	s0 =	sld [smem:$0x3F9E]  }
0x30: {  	s3 =	sld [smem:$0x3FA1]  }
0x31: {  	[smem:$0x3FAA] =	sst s10  }
0x32: {  	s10 =	sld [smem:$0x3FA8];
	_ =	sdelay $0x3  }
0x33: {  	p0 =	seq.s32 s10, $0x1;
	s10 =	sld [smem:$0x3FAA];
	_ =	sdelay $0x3  }
0x34: {  	[smem:$0x3FAA] =	sst s10  }
0x35: {  	s10 =	sld [smem:$0x3FA9];
	_ =	sdelay $0x3  }
0x36: {  	p1 =	seq.s32 s10, $0x1;
	s10 =	sld [smem:$0x3FAA];
	_ =	sdelay $0x3  }
0x37: {  	[smem:$0x3FAA] =	sst s10  }
0x38: {  	s10 =	sld [smem:$0x3FAB]  }
0x39: {  	_ = 	snop;
	(pc) =	sbr.ind lr, $3  }
0x3a: {  	_ = 	snop  }
0x3b: {  	_ = 	snop  }
0x3c: {  	p2 =	seq.s32 s10, $0x1;
	s10 =	sld [smem:$0x3FAA]  }
0x3d: {  	_ =	shalt  }
0x3e: {  	_ =	shalt  }
0x3f: {  	_ =	shalt  }
0x40: {  	_ =	shalt  }
0x41: {  	_ =	shalt  }
0x42: {  	_ =	shalt  }
0x43: {  	_ =	shalt  }
0x44: {  	_ =	shalt  }
0x45: {  	_ =	shalt  }
0x46: {  	_ =	shalt  }
0x47: {  	_ =	shalt  }
0x48: {  	_ =	shalt  }
0x49: {  	_ =	shalt  }
0x4a: {  	_ =	shalt  }
0x4b: {  	_ =	shalt  }
0x4c: {  	_ =	shalt  }
0x4d: {  	_ =	shalt  }
0x4e: {  	_ =	shalt  }
0x4f: {  	_ =	shalt  }
0x50: {  	_ =	shalt  }
0x51: {  	_ =	shalt  }
0x52: {  	_ =	shalt  }
0x53: {  	_ =	shalt  }
0x54: {  	_ =	shalt  }
0x55: {  	_ =	shalt  }
0x56: {  	_ =	shalt  }
0x57: {  	_ =	shalt  }
0x58: {  	_ =	shalt  }
0x59: {  	_ =	shalt  }
0x5a: {  	_ =	shalt  }
0x5b: {  	_ =	shalt  }
0x5c: {  	_ =	shalt  }
0x5d: {  	_ =	shalt  }
0x5e: {  	_ =	shalt  }
0x5f: {  	_ =	shalt  }
0x60: {  	_ =	shalt  }
0x61: {  	_ =	shalt  }
0x62: {  	_ =	shalt  }
0x63: {  	_ =	shalt  }
0x64: {  	_ =	shalt  }
0x65: {  	_ =	shalt  }
0x66: {  	_ =	shalt  }
0x67: {  	_ =	shalt  }
0x68: {  	_ =	shalt  }
0x69: {  	_ =	shalt  }
0x6a: {  	_ =	shalt  }
0x6b: {  	_ =	shalt  }
0x6c: {  	_ =	shalt  }
0x6d: {  	_ =	shalt  }
0x6e: {  	_ =	shalt  }
0x6f: {  	_ =	shalt  }
0x70: {  	_ =	shalt  }
0x71: {  	_ =	shalt  }
0x72: {  	_ =	shalt  }
0x73: {  	_ =	shalt  }
0x74: {  	_ =	shalt  }
0x75: {  	_ =	shalt  }
0x76: {  	_ =	shalt  }
0x77: {  	_ =	shalt  }
0x78: {  	_ =	shalt  }
0x79: {  	_ =	shalt  }
0x7a: {  	_ =	shalt  }
0x7b: {  	_ =	shalt  }
0x7c: {  	_ =	shalt  }
0x7d: {  	_ =	shalt  }
0x7e: {  	_ =	shalt  }
0x7f: {  	_ =	shalt  }
0x80: {  	_ =	shalt  }
0x81: {  	_ =	shalt  }
0x82: {  	_ =	shalt  }
0x83: {  	_ =	shalt  }
0x84: {  	_ =	shalt  }
0x85: {  	_ =	shalt  }
0x86: {  	_ =	shalt  }
0x87: {  	_ =	shalt  }
.Lfunc_end0:
.L_simem_size_0:
called_computation_lowered:
.L_overlay_start_0:
0x88: {  	s2 =	sld [smem:$0x3FD9]  }
0x89: {  	s3 =	sld [smem:$0x3FFE];
	_ =	sdelay $0x1  }
0x8a: {  	s1 =	srdreg.scid  }
0x8b: {  	s0 =	sand.u32 $0x1, s1  }
0x8c: {  	s16 =	sshll.u32 s0, $0xA;
	s2 =	sadd.s32 s3, s2  }
0x8d: {  	s2 =	sadd.s32 s2, s16  }
0x8e: {  	[smem:$0x3FB6] =	sst s2  }
0x8f: {  	_ = 	snop  }
0x90: {  	(tm) =	ssettm $0x1  }
0x91: {  	s17 =	sld [smem:$0x3FFB];
	_ =	sdelay $0x3  }
0x92: {  	_ =	strace s17  }
0x93: {  	s2 =	sld [smem:$0x3FFC];
	_ =	sdelay $0x3  }
0x94: {  	_ =	strace s2  }
0x95: {  	s2 =	sld [smem:$0x3FFD];
	_ =	sdelay $0x3  }
0x96: {  	_ =	strace s2  }
0x97: {  	_ =	strace $0x8FFFFFFF  }
0x98: {  	s18 =	sld [smem:$0x3FDB];
	_ =	sdelay $0x1  }
0x99: {  	s19 =	simm.s32 $_scs_section_size  }
0x9a: {  	s4 =	simm.s32 $_size__tile_overlayer_lowered;
	s5 =	simm.s32 $_tile_overlayer_lowered  }
0x9b: {  	s22 =	simm.s32 $0x1BFF;
	s21 =	sshll.u32 s5, $0x1;
	s2 =	sadd.s32 s19, s18  }
0x9c: {  	s6 =	simm.s32 $0x0;
	s20 =	sshll.u32 s4, $0x1;
	s4 =	sadd.s32 s21, s2  }
0x9d: {  	[timem:s6], [sflag:s22] =	dma.local [hbm:s4], s20  }
0x9e: {  	_ =	swait.ge [sflag:s22], s20  }
0x9f: {  	s3 =	ssub.s32 $0x0, s20;
	[sflag:s22] =	ssyncset.done $0x0  }
0xa0: {  	[sflag:s22] =	ssyncadd.s32 s3;
	_ =	sdelay $0x1  }
0xa1: {  	s23 =	simm.s32 $0x1B8B  }
0xa2: {  	_ =	swait.ge [sflag:s23], $0x1  }
0xa3: {  	[sflag:s23] =	ssyncset.done $0x0  }
0xa4: {  	s25 =	simm.s32 $0x1B8E;
	s24 =	sld [smem:$0x3FFE];
	[sflag:s23] =	ssyncadd.s32 $0xFFFFFFFF  }
0xa5: {  	s26 =	simm.s32 $execute0_lowered;
	[smem:$0x3FD2] =	sst s25  }
0xa6: {  	s4 =	sshll.u32 s26, $0x1;
	_ =	strace $0x80000046;
	[dreg:$0x1] =	wrdreg $0xFFFFFFFF  }
0xa7: {  	s28 =	simm.s32 $_size_execute0_lowered;
	s2 =	sadd.s32 s2, s4;
	[dreg:$0x0] =	wrdreg $0x0  }
0xa8: {  	s4 =	sshll.u32 s28, $0x1;
	[dreg:$0x2] =	wrdreg s2  }
0xa9: {  	[dreg:$0x3] =	wrdreg s4  }
0xaa: {  	[dreg:$0x4] =	wrdreg $0xC0  }
0xab: {  	_ =	task [dreg:s6], $0x5FFFF  }
0xac: {  	[dreg:$0x1] =	wrdreg $0xFFFFFFFF  }
0xad: {  	[dreg:$0x0] =	wrdreg $0x60  }
0xae: {  	[dreg:$0x2] =	wrdreg s24  }
0xaf: {  	[dreg:$0x3] =	wrdreg $0x5C000  }
0xb0: {  	[dreg:$0x4] =	wrdreg $0x9  }
0xb1: {  	_ =	task.clear_ibuf [dreg:s6], $0x5FFFF;
	_ =	strace $0x90000046  }
0xb2: {  	s29 =	simm.s32 $0x9;
	_ =	strace $0x80000048  }
0xb3: {  	_ =	swait.ge [sflag:s29], $0x1  }
0xb4: {  	[sflag:s29] =	ssyncadd.s32 $0xFFFFFFFF  }
0xb5: {  	_ =	strace $0x90000048  }
0xb6: {  	_ =	sfence  }
0xb7: {  	s30 =	sld [smem:$0x0];
	_ =	sdelay $0x2  }
0xb8: {  	s31 =	sshll.u32 s1, $0xD;
	s1 =	sshrl.u32 s1, $0x2  }
0xb9: {  	s3 =	sand.u32 $0x4000, s31;
	s1 =	sadd.s32 s1, s30  }
0xba: {  	s0 =	sor.u32 s3, s0;
	s1 =	sshll.u32 s1, $0x11  }
0xbb: {  	s0 =	sor.u32 s1, s0  }
0xbc: {  	s0 =	sadd.s32 $0x8F2B, s0  }
0xbd: {  	[sflag:s0] =	ssyncadd.remote.s32 $0x1  }
0xbe: {  	_ =	sfence.sel $0xFFFF  }
0xbf: {  	[dreg:$0x0] =	wrdreg $0xFFFFFFFF;
	(pc) =	sbr.abs _section_cstart, $3  }
0xc0: {  	[dreg:$0x1] =	wrdreg $0xFFFFFFFF  }
0xc1: {  	_ =	task.clear_ibuf [dreg:s6], $0x2FFFF;
	_ =	strace $0x9FFFFFFF  }
0xc2: {  	(tm) =	ssettm $0x7FFFFFFF  }
0xc3: {  	_ =	shalt  }
tec
execute0_lowered:
.L_overlay_start_1:
0x0: {  	(tag) =	ssettag $0x1  }
0x1: {  	s1 =	srdreg.scid  }
0x2: {  	s0 =	stileid.u32;
	s5 =	rddreg [dreg:$0x0]  }
0x3: {  	s2 =	rddreg [dreg:$0x1];
	s3 =	simm.s32 $0x0;
	s17 =	simm.s32 $0x5800  }
0x4: {  	s18 =	simm.s32 $0x1;
	s19 =	simm.s32 $0x80;
	s8 =	smul.u32 $0x500, s0  }
0x5: {  	s4 =	sand.u32 $0x1, s1;
	s28 =	sshll.u32 s0, $0x1;
	s9 =	smul.u32 $0xA000, s0  }
0x6: {  	s20 =	simm.s32 $0x5000;
	s1 =	sor.u32 s4, s28;
	s7 =	smul.u32 $0x5000, s4  }
0x7: {  	[smem:$0x7FF] =	sst s3;
	s4 =	ssub.s32 $0x2, s4;
	s6 =	smul.u32 $0xA00, s1  }
0x8: {  	s1 =	rddreg [dreg:$0x2];
	_ =	strace $0x80000047;
	s29 =	sshrl.u32 s4, $0x1  }
0x9: {  	s30 =	sshrl.u32 s9, $0x2;
	s7 =	sadd.s32 s8, s7;
	s31 =	ssub.s32 s4, s29  }
0xa: {  	s4 =	sadd.s32 s30, s2;
	s6 =	sadd.s32 s6, s5;
	s7 =	sadd.s32 s7, s5  }
0xb: {  	s8 =	sadd.s32 $0x400, s4;
	s9 =	sadd.s32 $0x800, s4;
	s10 =	sadd.s32 $0xC00, s4  }
0xc: {  	s11 =	sadd.s32 $0x1000, s4;
	s12 =	sadd.s32 $0x1400, s4;
	s13 =	sadd.s32 $0x1800, s4  }
0xd: {  	s14 =	sadd.s32 $0x1C00, s4;
	s15 =	sadd.s32 $0x2000, s4;
	s16 =	sadd.s32 $0x2400, s4  }
0xe: {  	v0 =	vimm.f32 $1.000000000e+00;
	v1 =	vimm.f32 $0.0e+00;
	s5 =	sadd.s32 $0x1000, s6;
	s6 =	sadd.s32 $0x15000, s7;
	s7 =	smax.u32 s31, $0x1  }
.LBB2_1:
0xf: {  	s21 =	simm.s32 $0x0  }
.LBB2_2:
0x10: {  	p0 =	sne.s32 s21, $0x1FC0  }
.Ltmp0:
0x11: {  	_ = 	snop;
	(pc) =	sbr.rel @p0 .LBB2_2-.Ltmp0, $3  }
0x12: {  	_ =	sdelay $0x1  }
0x13: {  	s22 =	sshra.s32 s21, $0x2  }
0x14: {  	s21 =	sadd.s32 $0x40, s21;
	[tilespmem:s22+$0x5000] =	vst v0  }
0x15: {  	s21 =	simm.s32 $0x40;
	s22 =	simm.s32 $0x0  }
.LBB2_4:
0x16: {  	p0 =	sne.s32 s21, $0xFC0;
	[tilespmem:s22+$0x5800] =	vst v1;
	s22 =	smov.u32 s21;
	s21 =	sadd.s32 $0x40, s21  }
.Ltmp1:
0x17: {  	(pc) =	sbr.rel @p0 .LBB2_4-.Ltmp1, $2  }
0x18: {  	_ =	sdelay $0x2  }
0x19: {  	s22 =	sshra.s32 s22, $0x2  }
0x1a: {  	[tilespmem:s22+$0x5800] =	vst v1  }
0x1b: {  	[spmem:s4] =	stream.linear.scatter [tilespmem:s17], [sflag:$0x1], $0x400, $0x38;
	[tilespmem:$0x8400] =	vst v63  }
0x1c: {  	_ =	swait.ge [sflag:s18], $0x400  }
0x1d: {  	[sflag:s18] =	ssyncset.done $0x0  }
0x1e: {  	[sflag:s18] =	ssyncadd.s32 $0xFFFFFC00  }
0x1f: {  	[spmem:s8] =	stream.linear.scatter [tilespmem:s17], [sflag:$0x1], $0x400, $0x38;
	[tilespmem:$0x8400] =	vst v63  }
0x20: {  	_ =	swait.ge [sflag:s18], $0x400  }
0x21: {  	[sflag:s18] =	ssyncset.done $0x0  }
0x22: {  	[sflag:s18] =	ssyncadd.s32 $0xFFFFFC00  }
0x23: {  	[spmem:s9] =	stream.linear.scatter [tilespmem:s17], [sflag:$0x1], $0x400, $0x38;
	[tilespmem:$0x8400] =	vst v63  }
0x24: {  	_ =	swait.ge [sflag:s18], $0x400  }
0x25: {  	[sflag:s18] =	ssyncset.done $0x0  }
0x26: {  	[sflag:s18] =	ssyncadd.s32 $0xFFFFFC00  }
0x27: {  	[spmem:s10] =	stream.linear.scatter [tilespmem:s17], [sflag:$0x1], $0x400, $0x38;
	[tilespmem:$0x8400] =	vst v63  }
0x28: {  	_ =	swait.ge [sflag:s18], $0x400  }
0x29: {  	[sflag:s18] =	ssyncset.done $0x0  }
0x2a: {  	[sflag:s18] =	ssyncadd.s32 $0xFFFFFC00  }
0x2b: {  	[spmem:s11] =	stream.linear.scatter [tilespmem:s17], [sflag:$0x1], $0x400, $0x38;
	[tilespmem:$0x8400] =	vst v63  }
0x2c: {  	_ =	swait.ge [sflag:s18], $0x400  }
0x2d: {  	[sflag:s18] =	ssyncset.done $0x0  }
0x2e: {  	[sflag:s18] =	ssyncadd.s32 $0xFFFFFC00  }
0x2f: {  	[spmem:s12] =	stream.linear.scatter [tilespmem:s17], [sflag:$0x1], $0x400, $0x38;
	[tilespmem:$0x8400] =	vst v63  }
0x30: {  	_ =	swait.ge [sflag:s18], $0x400  }
0x31: {  	[sflag:s18] =	ssyncset.done $0x0  }
0x32: {  	[sflag:s18] =	ssyncadd.s32 $0xFFFFFC00  }
0x33: {  	[spmem:s13] =	stream.linear.scatter [tilespmem:s17], [sflag:$0x1], $0x400, $0x38;
	[tilespmem:$0x8400] =	vst v63  }
0x34: {  	_ =	swait.ge [sflag:s18], $0x400  }
0x35: {  	[sflag:s18] =	ssyncset.done $0x0  }
0x36: {  	[sflag:s18] =	ssyncadd.s32 $0xFFFFFC00  }
0x37: {  	[spmem:s14] =	stream.linear.scatter [tilespmem:s17], [sflag:$0x1], $0x400, $0x38;
	[tilespmem:$0x8400] =	vst v63  }
0x38: {  	_ =	swait.ge [sflag:s18], $0x400  }
0x39: {  	[sflag:s18] =	ssyncset.done $0x0  }
0x3a: {  	[sflag:s18] =	ssyncadd.s32 $0xFFFFFC00  }
0x3b: {  	[spmem:s15] =	stream.linear.scatter [tilespmem:s17], [sflag:$0x1], $0x400, $0x38;
	[tilespmem:$0x8400] =	vst v63  }
0x3c: {  	_ =	swait.ge [sflag:s18], $0x400  }
0x3d: {  	[sflag:s18] =	ssyncset.done $0x0  }
0x3e: {  	[sflag:s18] =	ssyncadd.s32 $0xFFFFFC00  }
0x3f: {  	[spmem:s16] =	stream.linear.scatter [tilespmem:s17], [sflag:$0x1], $0x400, $0x38;
	[tilespmem:$0x8400] =	vst v63  }
0x40: {  	_ =	swait.ge [sflag:s18], $0x400  }
0x41: {  	[sflag:s18] =	ssyncset.done $0x0  }
0x42: {  	s21 =	simm.s32 $0x0;
	[sflag:s18] =	ssyncadd.s32 $0xFFFFFC00  }
0x43: {  	[tilespmem:s21], [sflag:$0x1] =	stream.linear.gather [hbm4b:s5+s21], $0x5000, $0x38;
	[tilespmem:$0x8400] =	vst v63  }
0x44: {  	_ =	swait.ge [sflag:s18], $0x5000  }
0x45: {  	[sflag:s18] =	ssyncset.done $0x0  }
0x46: {  	[sflag:s18] =	ssyncadd.s32 $0xFFFFB000  }
0x47: {  	s31 =	simm.s32 $0x0;
	[bflag:$0x0] =	sbarrier.arrive $0xFFFF  }
0x48: {  	[spmem:s2] =	stream.indirect.scatter.add.f32 [tilespmem:s20], [sflag:$0x1], $0x10, s31, s19, $0xb8;
	[tilespmem:$0x8400] =	vst v63  }
0x49: {  	_ =	swait.ge [sflag:s18], $0x800  }
0x4a: {  	s21 =	simm.s32 $0x200;
	[sflag:s18] =	ssyncset.done $0x0  }
.LBB2_6:
0x4b: {  	s22 =	sshra.s32 s21, $0x2;
	[sflag:s18] =	ssyncadd.s32 $0xFFFFF800;
	p0 =	sne.s32 s21, $0x13E00  }
0x4c: {  	[spmem:s2] =	stream.indirect.scatter.add.f32 [tilespmem:s20], [sflag:$0x1], $0x10, s22, s19, $0xb8;
	[tilespmem:$0x8400] =	vst v63  }
.Ltmp2:
0x4d: {  	_ = 	snop;
	(pc) =	sbr.rel @p0 .LBB2_6-.Ltmp2, $4  }
0x4e: {  	_ = 	snop  }
0x4f: {  	s21 =	sadd.s32 $0x200, s21  }
0x50: {  	_ =	swait.ge [sflag:s18], $0x800  }
0x51: {  	[sflag:s18] =	ssyncset.done $0x0  }
0x52: {  	[sflag:s18] =	ssyncadd.s32 $0xFFFFF800;
	s3 =	sadd.s32 $0x1, s3  }
0x53: {  	s21 =	sshll.u32 s0, $0x6;
	s22 =	sshrl.u32 s4, $0x3;
	p0 =	sne.s32 s3, s7  }
.Ltmp3:
0x54: {  	[bflag:$0x0] =	sbarrier.arrive $0xFFFF;
	s21 =	sor.u32 $0x1C01, s21;
	(pc) =	sbr.rel @p0 .LBB2_1-.Ltmp3, $4  }
0x55: {  	[hbm:s6], [sflag:s21] =	dma.local [spmem:s22], $0x500  }
0x56: {  	_ =	swait.ge [sflag:s18], $0x500  }
0x57: {  	[sflag:s18] =	ssyncset.done $0x0  }
0x58: {  	[sflag:s18] =	ssyncadd.s32 $0xFFFFFB00  }
0x59: {  	_ =	sfence.sel $0x180000  }
0x5a: {  	[bflag:$0x0] =	sbarrier.arrive $0xFFFF  }
0x5b: {  	p0 =	sne.s32 s0, $0x0;
	_ =	strace $0x90000047  }
0x5c: {  	s0 =	sadd.s32 @!p0 $0x100000, s1;
	[bflag:$0x2] =	sbarrier.arrive $0xFFFF  }
0x5d: {  	[sflag:s0] =	ssyncadd.tile.s32 @!p0 $0x1;
	_ =	shalt  }
.Lfunc_end2:
_tile_overlayer_lowered:
.L_overlay_start_2:
0x5e: {  	(tag) =	ssettag $0x2  }
0x5f: {  	s0 =	rddreg [dreg:$0x0];
	s2 =	stileid.u32  }
0x60: {  	s1 =	rddreg [dreg:$0x1];
	p0 =	sne.s32 s2, $0x0  }
0x61: {  	s3 =	rddreg [dreg:$0x2];
	[bflag:$0x3] =	sbarrier.arrive $0xFFFF;
	s2 =	simm.s32 @!p0 $0x1C01  }
0x62: {  	[timem:s3], [sflag:s2] =	dma.local @!p0 [hbm:s0], s1  }
0x63: {  	s0 =	simm.s32 @!p0 $0x1  }
0x64: {  	_ =	swait.ge @!p0 [sflag:s0], s1  }
0x65: {  	s1 =	ssub.s32 @!p0 $0x0, s1;
	[sflag:s0] =	ssyncset.done @!p0 $0x0  }
0x66: {  	[sflag:s0] =	ssyncadd.s32 @!p0 s1  }
0x67: {  	[bflag:$0x3] =	sbarrier.arrive $0xFFFF  }
0x68: {  	_ =	shalt  }

</sc_bundles>
